<compile_context>
chip_gen: v7x
topology: tpu7x:2x2x1
jax: 0.10.2.dev20260603
libtpu: 0.0.44.dev20260713+nightly
codegen_flags: <defaults>
</compile_context>

<pallas_src>
import functools

import jax
import jax.numpy as jnp
from jax import lax
from jax.experimental import pallas as pl
from jax.experimental.pallas import tpu as pltpu
from jax.experimental.pallas import tpu_sc as plsc

F = 256
K = 16
B = 8
N = 4096
M = 512
TW = F + 128
BM = 128
Q = B * M * K

_f32 = jnp.float32
_bf16 = jnp.bfloat16


def _dot(a, b):
    return jax.lax.dot_general(a, b, (((1,), (0,)), ((), ())),
                               preferred_element_type=_f32)


def _bdot(a, b):
    return _dot(a.astype(_bf16), b)


def _bits(x):
    return jax.lax.bitcast_convert_type(x, jnp.int32)


def _unbits(x):
    return jax.lax.bitcast_convert_type(x, _f32)



def _fuse_body(sfc1w, sfc1b, swq, swk, swv,
               cfc1w, cfc1b, cwk, cwv, cq1w, cq1b, cwq,
               o_swq, o_sbq, o_swk, o_sbk, o_swv, o_sbv,
               o_cwk, o_cbk, o_cwv, o_cbv, o_cwq, o_cbq):
    sw = sfc1w[...]
    sb = sfc1b[...]
    o_swq[...] = _dot(sw, swq[...])
    o_sbq[...] = _dot(sb, swq[...])
    o_swk[...] = _dot(sw, swk[...])
    o_sbk[...] = _dot(sb, swk[...])
    o_swv[...] = _dot(sw, swv[...])
    o_sbv[...] = _dot(sb, swv[...])
    cw = cfc1w[...]
    cb = cfc1b[...]
    o_cwk[...] = _dot(cw, cwk[...])
    o_cbk[...] = _dot(cb, cwk[...])
    o_cwv[...] = _dot(cw, cwv[...])
    o_cbv[...] = _dot(cb, cwv[...])
    o_cwq[...] = _dot(cq1w[...], cwq[...])
    o_cbq[...] = _dot(cq1b[...], cwq[...])


def _fuse_weights(sa, ca):
    mat = jax.ShapeDtypeStruct((F, F), _f32)
    vec = jax.ShapeDtypeStruct((1, F), _f32)
    outs = [mat, vec] * 6
    return pl.pallas_call(_fuse_body, out_shape=outs)(
        sa['fc1_w'], sa['fc1_b'].reshape(1, F), sa['wq'], sa['wk'], sa['wv'],
        ca['fc1_w'], ca['fc1_b'].reshape(1, F), ca['wk'], ca['wv'],
        ca['fc1q_w'], ca['fc1q_b'].reshape(1, F), ca['wq'])



def _table_body(feat_ref, xyz_ref, wk_ref, bk_ref, wv_ref, bv_ref, out_ref):
    x = feat_ref[0]
    wk = wk_ref[...].astype(_bf16)
    wv = wv_ref[...].astype(_bf16)
    kb = _bits((_bdot(x, wk) + bk_ref[...]).astype(_bf16).astype(_f32))
    vb = _bits((_bdot(x, wv) + bv_ref[...]).astype(_bf16).astype(_f32))
    out_ref[:, 0:F] = kb | jax.lax.shift_right_logical(vb, 16)
    out_ref[:, F:F + 3] = _bits(xyz_ref[0])


def _make_table(feats, xyz, wk, bk, wv, bv, rows_per_blk):
    b, n, _ = feats.shape
    nblk = n // rows_per_blk
    grid = (b, nblk)
    wspec = pl.BlockSpec((F, F), lambda i, j: (0, 0))
    bspec = pl.BlockSpec((1, F), lambda i, j: (0, 0))
    return pl.pallas_call(
        _table_body,
        grid=grid,
        in_specs=[
            pl.BlockSpec((1, rows_per_blk, F), lambda i, j: (i, j, 0)),
            pl.BlockSpec((1, rows_per_blk, 3), lambda i, j: (i, j, 0)),
            wspec, bspec, wspec, bspec,
        ],
        out_specs=pl.BlockSpec((rows_per_blk, TW),
                               lambda i, j, _nblk=nblk: (i * _nblk + j, 0)),
        out_shape=jax.ShapeDtypeStruct((b * n, TW), jnp.int32),
    )(feats, xyz, wk, bk, wv, bv)


def _q_proj_body(feat_ref, wq_ref, bq_ref, out_ref):
    out_ref[0] = _bdot(feat_ref[0], wq_ref[...].astype(_bf16)) + bq_ref[...]


def _q_proj(feats, wq, bq):
    b, m, _ = feats.shape
    return pl.pallas_call(
        _q_proj_body,
        grid=(b,),
        in_specs=[
            pl.BlockSpec((1, m, F), lambda i: (i, 0, 0)),
            pl.BlockSpec((F, F), lambda i: (0, 0)),
            pl.BlockSpec((1, F), lambda i: (0, 0)),
        ],
        out_specs=pl.BlockSpec((1, m, F), lambda i: (i, 0, 0)),
        out_shape=jax.ShapeDtypeStruct((b, m, F), _f32),
    )(feats, wq, bq)



def _knn_body(p_ref, qT_ref, out_ref, *, n_pts, n_blk, base_mult, seg, t):
    p = p_ref[0]
    qT = qT_ref[0]
    qp = _dot(p, qT)
    pn = jnp.sum(p * p, axis=1, keepdims=True)
    qn = jnp.sum(qT * qT, axis=0, keepdims=True)
    d = jnp.maximum((pn - (qp + qp)) + qn, 0.0)
    iota_p = lax.broadcasted_iota(jnp.int32, (n_pts, n_blk), 0)
    key = (_bits(d) & jnp.int32(~4095)) | iota_p
    dead = jnp.int32(0x7FFFFFFF)
    neg = jnp.int32(-2147483648)
    nseg = n_pts // seg
    key3 = key.reshape(nseg, seg, n_blk)
    prev = jnp.full((nseg, 1, n_blk), neg)
    cands = []
    for _ in range(t):
        mn = jnp.min(jnp.where(key3 > prev, key3, dead), axis=1)
        cands.append(mn)
        prev = mn[:, None, :]
    cand = jnp.concatenate(cands, axis=0)
    base = pl.program_id(0) * base_mult
    prevq = jnp.full((1, n_blk), neg)
    for j in range(K):
        mj = jnp.min(jnp.where(cand > prevq, cand, dead), axis=0)
        out_ref[0, j:j + 1, :] = ((mj & jnp.int32(4095)) + base)[None, :]
        prevq = mj[None, :]


def _knn(pt_xyz, q_xyzT, n_blk, seg, t):
    b, n_pts, _ = pt_xyz.shape
    m = q_xyzT.shape[2]
    grid = (b, m // n_blk)
    body = functools.partial(_knn_body, n_pts=n_pts, n_blk=n_blk,
                             base_mult=n_pts, seg=seg, t=t)
    return pl.pallas_call(
        body,
        grid=grid,
        in_specs=[
            pl.BlockSpec((1, n_pts, 3), lambda i, j: (i, 0, 0)),
            pl.BlockSpec((1, 3, n_blk), lambda i, j: (i, 0, j)),
        ],
        out_specs=pl.BlockSpec((1, K, n_blk), lambda i, j: (i, 0, j)),
        out_shape=jax.ShapeDtypeStruct((b, K, m), jnp.int32),
    )(pt_xyz, q_xyzT)



_GCH = 64


def _sc_gather(table2d, idx1d):
    q_total = idx1d.shape[0]
    nw = 32
    per_w = q_total // nw
    n_chunks = per_w // _GCH
    mesh = plsc.VectorSubcoreMesh(core_axis_name="c", subcore_axis_name="s")

    @functools.partial(
        pl.kernel,
        mesh=mesh,
        out_type=jax.ShapeDtypeStruct((q_total, TW), jnp.int32),
        scratch_types=[
            pltpu.VMEM((_GCH,), jnp.int32),
            pltpu.VMEM((_GCH, TW), jnp.int32),
            pltpu.SemaphoreType.DMA,
        ],
    )
    def gather_k(table_hbm, idx_hbm, out_hbm, idx_v, rows_v, sem):
        wid = lax.axis_index("s") * 2 + lax.axis_index("c")
        base = wid * per_w

        def body(c, carry):
            gb = base + c * _GCH
            pltpu.sync_copy(idx_hbm.at[pl.ds(gb, _GCH)], idx_v)
            pltpu.async_copy(table_hbm.at[idx_v], rows_v, sem).wait()
            pltpu.sync_copy(rows_v, out_hbm.at[pl.ds(gb, _GCH)])
            return carry

        lax.fori_loop(0, n_chunks, body, 0)

    return gather_k(table2d, idx1d)



def _attn_core(g_ref, qv, qxyz, d1w, d1b, d2w, d2b, g1w, g1b, g2w, g2b):
    rel = jnp.concatenate(
        [qxyz - _unbits(g_ref[0, j, :, F:F + 3]) for j in range(K)], axis=0)
    h = jax.nn.relu(_bdot(rel, d1w) + d1b)
    pos = _bdot(h, d2w) + d2b
    kk = jnp.concatenate(
        [_unbits(g_ref[0, j, :, 0:F] & jnp.int32(-65536)) for j in range(K)],
        axis=0)
    qrep = jnp.concatenate([qv] * K, axis=0)
    a = qrep - kk + pos
    t = jax.nn.relu(_bdot(a, g1w) + g1b)
    logits = _bdot(t, g2w) + g2b
    acc_e = jnp.zeros((BM, F), _f32)
    acc_v = jnp.zeros((BM, F), _f32)
    for j in range(K):
        ej = jnp.exp(logits[j * BM:(j + 1) * BM])
        vj = (_unbits(jax.lax.shift_left(g_ref[0, j, :, 0:F], 16))
              + pos[j * BM:(j + 1) * BM])
        acc_e = acc_e + ej
        acc_v = acc_v + ej * vj
    return acc_v / acc_e


def _self_attn_body(q_ref, g_ref, qxyz_ref, pre_ref,
                    d1w_ref, d1b_ref, d2w_ref, d2b_ref,
                    g1w_ref, g1b_ref, g2w_ref, g2b_ref,
                    fc2w_ref, fc2b_ref, out_ref):
    res = _attn_core(g_ref, q_ref[0], qxyz_ref[0],
                     d1w_ref[...].astype(_bf16), d1b_ref[...],
                     d2w_ref[...].astype(_bf16), d2b_ref[...],
                     g1w_ref[...].astype(_bf16), g1b_ref[...],
                     (g2w_ref[...] * jnp.float32(1 / 16)).astype(_bf16),
                     g2b_ref[...] * jnp.float32(1 / 16))
    out_ref[0] = (_bdot(res, fc2w_ref[...].astype(_bf16)) + fc2b_ref[...]
                  + pre_ref[0])


def _cross_attn_body(qf1_ref, g_ref, qxyz_ref,
                     cwq_ref, cbq_ref,
                     d1w_ref, d1b_ref, d2w_ref, d2b_ref,
                     g1w_ref, g1b_ref, g2w_ref, g2b_ref,
                     fc2w_ref, fc2b_ref,
                     r1w_ref, r1b_ref, r2w_ref, r2b_ref,
                     qf_out_ref, xyz_out_ref):
    qf1 = qf1_ref[0]
    qv = _bdot(qf1, cwq_ref[...].astype(_bf16)) + cbq_ref[...]
    res = _attn_core(g_ref, qv, qxyz_ref[0],
                     d1w_ref[...].astype(_bf16), d1b_ref[...],
                     d2w_ref[...].astype(_bf16), d2b_ref[...],
                     g1w_ref[...].astype(_bf16), g1b_ref[...],
                     (g2w_ref[...] * jnp.float32(1 / 16)).astype(_bf16),
                     g2b_ref[...] * jnp.float32(1 / 16))
    qf2 = _bdot(res, fc2w_ref[...].astype(_bf16)) + fc2b_ref[...] + qf1
    qf_out_ref[0] = qf2
    r = jax.nn.relu(_bdot(qf2, r1w_ref[...].astype(_bf16)) + r1b_ref[...])
    xyz_out_ref[0] = (_bdot(r, r2w_ref[...].astype(_bf16)) + r2b_ref[...]
                      + qxyz_ref[0])


def _wspec(shape):
    return pl.BlockSpec(shape, lambda i, j: tuple(0 for _ in shape))


def _self_attn(q_s, g_s, q_xyz, pre, p):
    grid = (B, M // BM)
    return pl.pallas_call(
        _self_attn_body,
        grid=grid,
        in_specs=[
            pl.BlockSpec((1, BM, F), lambda i, j: (i, j, 0)),
            pl.BlockSpec((1, K, BM, TW), lambda i, j: (i, 0, j, 0)),
            pl.BlockSpec((1, BM, 3), lambda i, j: (i, j, 0)),
            pl.BlockSpec((1, BM, F), lambda i, j: (i, j, 0)),
            _wspec((3, F)), _wspec((1, F)), _wspec((F, F)), _wspec((1, F)),
            _wspec((F, F)), _wspec((1, F)), _wspec((F, F)), _wspec((1, F)),
            _wspec((F, F)), _wspec((1, F)),
        ],
        out_specs=pl.BlockSpec((1, BM, F), lambda i, j: (i, j, 0)),
        out_shape=jax.ShapeDtypeStruct((B, M, F), _f32),
    )(q_s, g_s, q_xyz, pre,
      p['d1_w'], p['d1_b'].reshape(1, F), p['d2_w'], p['d2_b'].reshape(1, F),
      p['g1_w'], p['g1_b'].reshape(1, F), p['g2_w'], p['g2_b'].reshape(1, F),
      p['fc2_w'], p['fc2_b'].reshape(1, F))


def _cross_attn(qf1, g_c, q_xyz, cwq, cbq, p, reg):
    b = qf1.shape[0]
    grid = (b, M // BM)
    return pl.pallas_call(
        _cross_attn_body,
        grid=grid,
        in_specs=[
            pl.BlockSpec((1, BM, F), lambda i, j: (i, j, 0)),
            pl.BlockSpec((1, K, BM, TW), lambda i, j: (i, 0, j, 0)),
            pl.BlockSpec((1, BM, 3), lambda i, j: (i, j, 0)),
            _wspec((F, F)), _wspec((1, F)),
            _wspec((3, F)), _wspec((1, F)), _wspec((F, F)), _wspec((1, F)),
            _wspec((F, F)), _wspec((1, F)), _wspec((F, F)), _wspec((1, F)),
            _wspec((F, F)), _wspec((1, F)),
            _wspec((F, F)), _wspec((1, F)), _wspec((F, 3)), _wspec((1, 3)),
        ],
        out_specs=[
            pl.BlockSpec((1, BM, F), lambda i, j: (i, j, 0)),
            pl.BlockSpec((1, BM, 3), lambda i, j: (i, j, 0)),
        ],
        out_shape=[
            jax.ShapeDtypeStruct((b, M, F), _f32),
            jax.ShapeDtypeStruct((b, M, 3), _f32),
        ],
    )(qf1, g_c, q_xyz, cwq, cbq,
      p['d1_w'], p['d1_b'].reshape(1, F), p['d2_w'], p['d2_b'].reshape(1, F),
      p['g1_w'], p['g1_b'].reshape(1, F), p['g2_w'], p['g2_b'].reshape(1, F),
      p['fc2_w'], p['fc2_b'].reshape(1, F),
      reg['r1_w'], reg['r1_b'].reshape(1, F),
      reg['r2_w'], reg['r2_b'].reshape(1, 3))



def kernel(pt_xyz, pt_feats, query_xyz, query_feat, params):
    sa, ca, reg = params['sa'], params['ca'], params['reg']

    (swq, sbq, swk, sbk, swv, sbv,
     cwk, cbk, cwv, cbv, cwq, cbq) = _fuse_weights(sa, ca)

    q_xyzT = jnp.transpose(query_xyz, (0, 2, 1))

    table_s = _make_table(query_feat, query_xyz, swk, sbk, swv, sbv, 512)
    idx_s = _knn(query_xyz, q_xyzT, M, 32, 6)
    g_s = _sc_gather(table_s, idx_s.reshape(Q))
    g_s = g_s.reshape(B, K, M, TW)

    table_c = _make_table(pt_feats, pt_xyz, cwk, cbk, cwv, cbv, 512)
    idx_c = _knn(pt_xyz, q_xyzT, BM, 64, 4)
    g_c = _sc_gather(table_c, idx_c.reshape(Q))
    g_c = g_c.reshape(B, K, M, TW)

    q_s = _q_proj(query_feat, swq, sbq)
    qf1 = _self_attn(q_s, g_s, query_xyz, query_feat, sa)
    qf2, q_xyz_out = _cross_attn(qf1, g_c, query_xyz, cwq, cbq, ca, reg)
    return qf2, q_xyz_out

# --- scband reference (transcript-rebuilt; emitter-appended) ---
"""Pipeline reference for scband-pointer-layer-60833916781063 (READ-ONLY COPY).

The authoritative reference and input builder live on the scoring server;
editing this copy changes nothing except your own understanding.
"""

import jax, jax.numpy as jnp
import numpy as np

K_SELF = 16
K_CROSS = 16

def _linear(x, w, b=None):
    y = x @ w
    return y + b if b is not None else y

def _index_points(points, idx):
    # points [B,N,C], idx [B,M,K] -> [B,M,K,C]
    return jax.vmap(lambda p, i: p[i])(points, idx)

def _knn_idx(q_xyz, xyz, k):
    d = jnp.sum((q_xyz[:, :, None, :] - xyz[:, None, :, :]) ** 2, axis=-1)
    return jnp.argsort(d, axis=-1)[:, :, :k]

def _pos_enc(rel, p):
    return _linear(jax.nn.relu(_linear(rel, p['d1_w'], p['d1_b'])), p['d2_w'], p['d2_b'])

def _vector_attn(q, kk, vv, pos, p):
    a = q[:, :, None, :] - kk + pos
    a = _linear(jax.nn.relu(_linear(a, p['g1_w'], p['g1_b'])), p['g2_w'], p['g2_b'])
    a = jax.nn.softmax(a / np.sqrt(kk.shape[-1]), axis=-2)
    return jnp.sum(a * (vv + pos), axis=2)

def _self_block(xyz, feats, k, p):
    knn = _knn_idx(xyz, xyz, k)
    knn_xyz = _index_points(xyz, knn)
    pre = feats
    x = _linear(feats, p['fc1_w'], p['fc1_b'])
    q = _linear(x, p['wq'])
    kk = _index_points(_linear(x, p['wk']), knn)
    vv = _index_points(_linear(x, p['wv']), knn)
    pos = _pos_enc(xyz[:, :, None, :] - knn_xyz, p)
    res = _vector_attn(q, kk, vv, pos, p)
    return _linear(res, p['fc2_w'], p['fc2_b']) + pre

def _cross_block(xyz, feats, query, k, p):
    q_xyz = query[..., :3]
    q_feat = query[..., 3:]
    knn = _knn_idx(q_xyz, xyz, k)
    knn_xyz = _index_points(xyz, knn)
    x = _linear(feats, p['fc1_w'], p['fc1_b'])
    xq = _linear(q_feat, p['fc1q_w'], p['fc1q_b'])
    q = _linear(xq, p['wq'])
    kk = _index_points(_linear(x, p['wk']), knn)
    vv = _index_points(_linear(x, p['wv']), knn)
    pos = _pos_enc(q_xyz[:, :, None, :] - knn_xyz, p)
    res = _vector_attn(q, kk, vv, pos, p)
    return _linear(res, p['fc2_w'], p['fc2_b']) + q_feat

def _pointer_forward(pt_xyz, pt_feats, query_xyz, query_feat, params):
    qf = _self_block(query_xyz, query_feat, K_SELF, params['sa'])
    query = jnp.concatenate((query_xyz, qf), axis=-1)
    qf = _cross_block(pt_xyz, pt_feats, query, K_CROSS, params['ca'])
    reg = _linear(jax.nn.relu(_linear(qf, params['reg']['r1_w'], params['reg']['r1_b'])), params['reg']['r2_w'], params['reg']['r2_b'])
    q_xyz = reg + query_xyz
    return qf, q_xyz

def _block_params(key, feat, cross=False):
    ks = jax.random.split(key, 16)
    def mk(k, shape):
        return jax.random.normal(k, shape, jnp.float32) * 0.02
    p = {
        'fc1_w': mk(ks[0], (feat, feat)), 'fc1_b': jnp.zeros((feat,), jnp.float32),
        'fc2_w': mk(ks[1], (feat, feat)), 'fc2_b': jnp.zeros((feat,), jnp.float32),
        'wq': mk(ks[2], (feat, feat)),
        'wk': mk(ks[3], (feat, feat)),
        'wv': mk(ks[4], (feat, feat)),
        'd1_w': mk(ks[5], (3, feat)), 'd1_b': jnp.zeros((feat,), jnp.float32),
        'd2_w': mk(ks[6], (feat, feat)), 'd2_b': jnp.zeros((feat,), jnp.float32),
        'g1_w': mk(ks[7], (feat, feat)), 'g1_b': jnp.zeros((feat,), jnp.float32),
        'g2_w': mk(ks[8], (feat, feat)), 'g2_b': jnp.zeros((feat,), jnp.float32),
    }
    if cross:
        p['fc1q_w'] = mk(ks[9], (feat, feat))
        p['fc1q_b'] = jnp.zeros((feat,), jnp.float32)
    return p

def setup_inputs(seed: int = 0):
    key = jax.random.key(seed)
    k0, k1, k2, k3, k4, k5, k6 = jax.random.split(key, 7)
    B, N, M, F = 8, 4096, 512, 256
    pt_xyz = jax.random.normal(k0, (B, N, 3), jnp.float32)
    pt_feats = jax.random.normal(k1, (B, N, F), jnp.float32)
    query_xyz = jax.random.normal(k2, (B, M, 3), jnp.float32)
    query_feat = jax.random.normal(k3, (B, M, F), jnp.float32)
    params = {
        'sa': _block_params(k4, F, cross=False),
        'ca': _block_params(k5, F, cross=True),
        'reg': {
            'r1_w': jax.random.normal(k6, (F, F), jnp.float32) * 0.02,
            'r1_b': jnp.zeros((F,), jnp.float32),
            'r2_w': jax.random.normal(jax.random.fold_in(k6, 1), (F, 3), jnp.float32) * 0.02,
            'r2_b': jnp.zeros((3,), jnp.float32),
        },
    }
    return {'pt_xyz': pt_xyz, 'pt_feats': pt_feats, 'query_xyz': query_xyz, 'query_feat': query_feat, 'params': params}

def reference(pt_xyz, pt_feats, query_xyz, query_feat, params):
    return _pointer_forward(pt_xyz, pt_feats, query_xyz, query_feat, params)

if __name__ == "__main__":
    import jax
    _d = setup_inputs()
    print(jax.jit(kernel)(*tuple(_d.values())))

</pallas_src>

<mosaic_0001>
#map = affine_map<(d0, d1) -> (0, 0)>
#map1 = affine_map<(d0, d1) -> (0)>
module attributes {stable_mosaic.version = 14 : i64} {
  func.func @gather_k(%arg0: i32, %arg1: i32, %arg2: memref<32768x384xi32, #tpu.memory_space<hbm>>, %arg3: memref<65536xi32, #tpu.memory_space<hbm>>, %arg4: memref<65536x384xi32, #tpu.memory_space<hbm>>, %arg5: memref<64xi32, #tpu.memory_space<vmem>>, %arg6: memref<64x384xi32, #tpu.memory_space<vmem>>, %arg7: memref<!tpu.dma_semaphore, #tpu.memory_space<semaphore_mem>>) attributes {dimension_semantics = [#tpu.dimension_semantics<core_parallel>, #tpu.dimension_semantics<subcore_parallel>], iteration_bounds = array<i64: 2, 16>, scalar_prefetch = 0 : i64, scratch_operands = 3 : i64, tpu.core_type = #tpu.core_type<sc_vector_subcore>, window_params = [{transform_indices = #map}, {transform_indices = #map1}, {transform_indices = #map}]} {
    %mul3A = arith.constant 2 : i32
    %mul3A_0 = arith.muli %arg1, %mul3A : i32
    %add3A = arith.addi %mul3A_0, %arg0 : i32
    %mul3A_1 = arith.constant 2048 : i32
    %mul3A_2 = arith.muli %add3A, %mul3A_1 : i32
    %scan3A = arith.constant 0 : i32
    %scan3A_3 = arith.constant 0 : i32
    %scan3A_4 = arith.constant 32 : i32
    %scan3A_5 = arith.addi %scan3A_3, %scan3A_4 : i32
    %scan3A_6 = arith.constant 1 : i32
    scf.for %scan3A_8 = %scan3A_3 to %scan3A_5 step %scan3A_6  : i32 {
      %mul3A_9 = arith.constant 64 : i32
      %mul3A_10 = arith.muli %scan3A_8, %mul3A_9 : i32
      %add3A_11 = arith.addi %mul3A_2, %mul3A_10 : i32
      "tpu.region"() ({
        %run_scoped3A = tpu.sem_alloc : memref<!tpu.dma_semaphore, #tpu.memory_space<semaphore_mem>>
        %dma_start3A_16 = tpu.memref_slice %arg3[%add3A_11] : memref<65536xi32, #tpu.memory_space<hbm>> -> memref<64xi32, #tpu.memory_space<hbm>>
        %dma_start3A_17 = tpu.memref_slice %arg3[%add3A_11] : memref<65536xi32, #tpu.memory_space<hbm>> -> memref<64xi32, #tpu.memory_space<hbm>>
        tpu.enqueue_dma source(%dma_start3A_17 : memref<64xi32, #tpu.memory_space<hbm>>) target(%arg5 : memref<64xi32, #tpu.memory_space<vmem>>) target_semaphore(%run_scoped3A : memref<!tpu.dma_semaphore, #tpu.memory_space<semaphore_mem>>)
        %dma_wait3A_18 = tpu.memref_slice %arg3[%add3A_11] : memref<65536xi32, #tpu.memory_space<hbm>> -> memref<64xi32, #tpu.memory_space<hbm>>
        %dma_wait3A_19 = tpu.memref_slice %arg3[%add3A_11] : memref<65536xi32, #tpu.memory_space<hbm>> -> memref<64xi32, #tpu.memory_space<hbm>>
        tpu.wait_dma2 semaphore(%run_scoped3A : memref<!tpu.dma_semaphore, #tpu.memory_space<semaphore_mem>>) src(%dma_wait3A_19 : memref<64xi32, #tpu.memory_space<hbm>>) dst(%arg5 : memref<64xi32, #tpu.memory_space<vmem>>)
        tpu.yield
      }) : () -> ()
      %dma_start3A = arith.constant 0 : i32
      %dma_start3A_12 = arith.constant 0 : i32
      %dma_start3A_13 = tpu.memref_slice %arg2[%dma_start3A, %dma_start3A_12] : memref<32768x384xi32, #tpu.memory_space<hbm>> -> memref<32768x384xi32, #tpu.memory_space<hbm>>
      tpu.enqueue_indirect_dma source(%dma_start3A_13 : memref<32768x384xi32, #tpu.memory_space<hbm>>) target(%arg6 : memref<64x384xi32, #tpu.memory_space<vmem>>) offsets(%arg5 : memref<64xi32, #tpu.memory_space<vmem>>) semaphore(%arg7 : memref<!tpu.dma_semaphore, #tpu.memory_space<semaphore_mem>>)
      %dma_wait3A = arith.constant 0 : i32
      %dma_wait3A_14 = arith.constant 0 : i32
      %dma_wait3A_15 = tpu.memref_slice %arg2[%dma_wait3A, %dma_wait3A_14] : memref<32768x384xi32, #tpu.memory_space<hbm>> -> memref<32768x384xi32, #tpu.memory_space<hbm>>
      tpu.wait_indirect_dma semaphore(%arg7 : memref<!tpu.dma_semaphore, #tpu.memory_space<semaphore_mem>>) src(%dma_wait3A_15 : memref<32768x384xi32, #tpu.memory_space<hbm>>) dst(%arg6 : memref<64x384xi32, #tpu.memory_space<vmem>>)
      "tpu.region"() ({
        %run_scoped3A = tpu.sem_alloc : memref<!tpu.dma_semaphore, #tpu.memory_space<semaphore_mem>>
        %dma_start3A_16 = arith.constant 0 : i32
        %dma_start3A_17 = tpu.memref_slice %arg4[%add3A_11, %dma_start3A_16] : memref<65536x384xi32, #tpu.memory_space<hbm>> -> memref<64x384xi32, #tpu.memory_space<hbm>>
        %dma_start3A_18 = arith.constant 0 : i32
        %dma_start3A_19 = tpu.memref_slice %arg4[%add3A_11, %dma_start3A_18] : memref<65536x384xi32, #tpu.memory_space<hbm>> -> memref<64x384xi32, #tpu.memory_space<hbm>>
        tpu.enqueue_dma source(%arg6 : memref<64x384xi32, #tpu.memory_space<vmem>>) target(%dma_start3A_19 : memref<64x384xi32, #tpu.memory_space<hbm>>) target_semaphore(%run_scoped3A : memref<!tpu.dma_semaphore, #tpu.memory_space<semaphore_mem>>)
        %dma_wait3A_20 = arith.constant 0 : i32
        %dma_wait3A_21 = tpu.memref_slice %arg4[%add3A_11, %dma_wait3A_20] : memref<65536x384xi32, #tpu.memory_space<hbm>> -> memref<64x384xi32, #tpu.memory_space<hbm>>
        %dma_wait3A_22 = arith.constant 0 : i32
        %dma_wait3A_23 = tpu.memref_slice %arg4[%add3A_11, %dma_wait3A_22] : memref<65536x384xi32, #tpu.memory_space<hbm>> -> memref<64x384xi32, #tpu.memory_space<hbm>>
        tpu.wait_dma2 semaphore(%run_scoped3A : memref<!tpu.dma_semaphore, #tpu.memory_space<semaphore_mem>>) src(%arg6 : memref<64x384xi32, #tpu.memory_space<vmem>>) dst(%dma_wait3A_23 : memref<64x384xi32, #tpu.memory_space<hbm>>)
        tpu.yield
      }) : () -> ()
    }
    %scan3A_7 = arith.constant 32 : i32
    return
  }
}

#map = affine_map<(d0, d1) -> (0, 0)>
#map1 = affine_map<(d0, d1) -> (0)>
module attributes {stable_mosaic.version = 14 : i64} {
  func.func @gather_k(%arg0: i32, %arg1: i32, %arg2: memref<4096x384xi32, #tpu.memory_space<hbm>>, %arg3: memref<65536xi32, #tpu.memory_space<hbm>>, %arg4: memref<65536x384xi32, #tpu.memory_space<hbm>>, %arg5: memref<64xi32, #tpu.memory_space<vmem>>, %arg6: memref<64x384xi32, #tpu.memory_space<vmem>>, %arg7: memref<!tpu.dma_semaphore, #tpu.memory_space<semaphore_mem>>) attributes {dimension_semantics = [#tpu.dimension_semantics<core_parallel>, #tpu.dimension_semantics<subcore_parallel>], iteration_bounds = array<i64: 2, 16>, scalar_prefetch = 0 : i64, scratch_operands = 3 : i64, tpu.core_type = #tpu.core_type<sc_vector_subcore>, window_params = [{transform_indices = #map}, {transform_indices = #map1}, {transform_indices = #map}]} {
    %mul3A = arith.constant 2 : i32
    %mul3A_0 = arith.muli %arg1, %mul3A : i32
    %add3A = arith.addi %mul3A_0, %arg0 : i32
    %mul3A_1 = arith.constant 2048 : i32
    %mul3A_2 = arith.muli %add3A, %mul3A_1 : i32
    %scan3A = arith.constant 0 : i32
    %scan3A_3 = arith.constant 0 : i32
    %scan3A_4 = arith.constant 32 : i32
    %scan3A_5 = arith.addi %scan3A_3, %scan3A_4 : i32
    %scan3A_6 = arith.constant 1 : i32
    scf.for %scan3A_8 = %scan3A_3 to %scan3A_5 step %scan3A_6  : i32 {
      %mul3A_9 = arith.constant 64 : i32
      %mul3A_10 = arith.muli %scan3A_8, %mul3A_9 : i32
      %add3A_11 = arith.addi %mul3A_2, %mul3A_10 : i32
      "tpu.region"() ({
        %run_scoped3A = tpu.sem_alloc : memref<!tpu.dma_semaphore, #tpu.memory_space<semaphore_mem>>
        %dma_start3A_16 = tpu.memref_slice %arg3[%add3A_11] : memref<65536xi32, #tpu.memory_space<hbm>> -> memref<64xi32, #tpu.memory_space<hbm>>
        %dma_start3A_17 = tpu.memref_slice %arg3[%add3A_11] : memref<65536xi32, #tpu.memory_space<hbm>> -> memref<64xi32, #tpu.memory_space<hbm>>
        tpu.enqueue_dma source(%dma_start3A_17 : memref<64xi32, #tpu.memory_space<hbm>>) target(%arg5 : memref<64xi32, #tpu.memory_space<vmem>>) target_semaphore(%run_scoped3A : memref<!tpu.dma_semaphore, #tpu.memory_space<semaphore_mem>>)
        %dma_wait3A_18 = tpu.memref_slice %arg3[%add3A_11] : memref<65536xi32, #tpu.memory_space<hbm>> -> memref<64xi32, #tpu.memory_space<hbm>>
        %dma_wait3A_19 = tpu.memref_slice %arg3[%add3A_11] : memref<65536xi32, #tpu.memory_space<hbm>> -> memref<64xi32, #tpu.memory_space<hbm>>
        tpu.wait_dma2 semaphore(%run_scoped3A : memref<!tpu.dma_semaphore, #tpu.memory_space<semaphore_mem>>) src(%dma_wait3A_19 : memref<64xi32, #tpu.memory_space<hbm>>) dst(%arg5 : memref<64xi32, #tpu.memory_space<vmem>>)
        tpu.yield
      }) : () -> ()
      %dma_start3A = arith.constant 0 : i32
      %dma_start3A_12 = arith.constant 0 : i32
      %dma_start3A_13 = tpu.memref_slice %arg2[%dma_start3A, %dma_start3A_12] : memref<4096x384xi32, #tpu.memory_space<hbm>> -> memref<4096x384xi32, #tpu.memory_space<hbm>>
      tpu.enqueue_indirect_dma source(%dma_start3A_13 : memref<4096x384xi32, #tpu.memory_space<hbm>>) target(%arg6 : memref<64x384xi32, #tpu.memory_space<vmem>>) offsets(%arg5 : memref<64xi32, #tpu.memory_space<vmem>>) semaphore(%arg7 : memref<!tpu.dma_semaphore, #tpu.memory_space<semaphore_mem>>)
      %dma_wait3A = arith.constant 0 : i32
      %dma_wait3A_14 = arith.constant 0 : i32
      %dma_wait3A_15 = tpu.memref_slice %arg2[%dma_wait3A, %dma_wait3A_14] : memref<4096x384xi32, #tpu.memory_space<hbm>> -> memref<4096x384xi32, #tpu.memory_space<hbm>>
      tpu.wait_indirect_dma semaphore(%arg7 : memref<!tpu.dma_semaphore, #tpu.memory_space<semaphore_mem>>) src(%dma_wait3A_15 : memref<4096x384xi32, #tpu.memory_space<hbm>>) dst(%arg6 : memref<64x384xi32, #tpu.memory_space<vmem>>)
      "tpu.region"() ({
        %run_scoped3A = tpu.sem_alloc : memref<!tpu.dma_semaphore, #tpu.memory_space<semaphore_mem>>
        %dma_start3A_16 = arith.constant 0 : i32
        %dma_start3A_17 = tpu.memref_slice %arg4[%add3A_11, %dma_start3A_16] : memref<65536x384xi32, #tpu.memory_space<hbm>> -> memref<64x384xi32, #tpu.memory_space<hbm>>
        %dma_start3A_18 = arith.constant 0 : i32
        %dma_start3A_19 = tpu.memref_slice %arg4[%add3A_11, %dma_start3A_18] : memref<65536x384xi32, #tpu.memory_space<hbm>> -> memref<64x384xi32, #tpu.memory_space<hbm>>
        tpu.enqueue_dma source(%arg6 : memref<64x384xi32, #tpu.memory_space<vmem>>) target(%dma_start3A_19 : memref<64x384xi32, #tpu.memory_space<hbm>>) target_semaphore(%run_scoped3A : memref<!tpu.dma_semaphore, #tpu.memory_space<semaphore_mem>>)
        %dma_wait3A_20 = arith.constant 0 : i32
        %dma_wait3A_21 = tpu.memref_slice %arg4[%add3A_11, %dma_wait3A_20] : memref<65536x384xi32, #tpu.memory_space<hbm>> -> memref<64x384xi32, #tpu.memory_space<hbm>>
        %dma_wait3A_22 = arith.constant 0 : i32
        %dma_wait3A_23 = tpu.memref_slice %arg4[%add3A_11, %dma_wait3A_22] : memref<65536x384xi32, #tpu.memory_space<hbm>> -> memref<64x384xi32, #tpu.memory_space<hbm>>
        tpu.wait_dma2 semaphore(%run_scoped3A : memref<!tpu.dma_semaphore, #tpu.memory_space<semaphore_mem>>) src(%arg6 : memref<64x384xi32, #tpu.memory_space<vmem>>) dst(%dma_wait3A_23 : memref<64x384xi32, #tpu.memory_space<hbm>>)
        tpu.yield
      }) : () -> ()
    }
    %scan3A_7 = arith.constant 32 : i32
    return
  }
}

module attributes {stable_mosaic.version = 14 : i64} {
  func.func @_knn_body(%arg0: i32, %arg1: i32, %arg2: memref<1x512x3xf32, #tpu.memory_space<vmem>>, %arg3: memref<1x3x512xf32, #tpu.memory_space<vmem>>, %arg4: memref<1x16x512xi32, #tpu.memory_space<vmem>>) attributes {dimension_semantics = [#tpu.dimension_semantics<arbitrary>, #tpu.dimension_semantics<arbitrary>], iteration_bounds = array<i64: 8, 1>, scalar_prefetch = 0 : i64, scratch_operands = 0 : i64, tpu.core_type = #tpu.core_type<tc>, window_params = [{transform_indices = @transform_0, window_bounds = array<i64: 1, 512, 3>}, {transform_indices = @transform_1, window_bounds = array<i64: 1, 3, 512>}, {transform_indices = @transform_2, window_bounds = array<i64: 1, 16, 512>}]} {
    %get3A = arith.constant 0 : index
    %get3A_0 = arith.constant 0 : index
    %get3A_1 = arith.constant 0 : index
    %get3A_2 = vector.load %arg2[%get3A, %get3A_0, %get3A_1] : memref<1x512x3xf32, #tpu.memory_space<vmem>>, vector<1x512x3xf32>
    %get3A_3 = vector.shape_cast %get3A_2 : vector<1x512x3xf32> to vector<512x3xf32>
    %get3A_4 = arith.constant 0 : index
    %get3A_5 = arith.constant 0 : index
    %get3A_6 = arith.constant 0 : index
    %get3A_7 = vector.load %arg3[%get3A_4, %get3A_5, %get3A_6] : memref<1x3x512xf32, #tpu.memory_space<vmem>>, vector<1x3x512xf32>
    %get3A_8 = vector.shape_cast %get3A_7 : vector<1x3x512xf32> to vector<3x512xf32>
    %dot_general3A = arith.constant dense<0.000000e+00> : vector<512x512xf32>
    %dot_general3A_9 = tpu.matmul %get3A_3, %get3A_8, %dot_general3A {dimension_numbers = #tpu.dot_dimension_numbers<[1], [0], [0], [1], [0, 0, 1, 1], [], []>, transpose_lhs_hint = false} : vector<512x3xf32>, vector<3x512xf32>, vector<512x512xf32> -> vector<512x512xf32>
    %mul3A = arith.mulf %get3A_3, %get3A_3 : vector<512x3xf32>
    %reduce_sum3A = arith.constant dense<0.000000e+00> : vector<512xf32>
    %reduce_sum3A_10 = vector.multi_reduction <add>, %mul3A, %reduce_sum3A [1] : vector<512x3xf32> to vector<512xf32>
    %broadcast_in_dim3A = vector.shape_cast %reduce_sum3A_10 : vector<512xf32> to vector<512x1xf32>
    %mul3A_11 = arith.mulf %get3A_8, %get3A_8 : vector<3x512xf32>
    %reduce_sum3A_12 = arith.constant dense<0.000000e+00> : vector<512xf32>
    %reduce_sum3A_13 = vector.multi_reduction <add>, %mul3A_11, %reduce_sum3A_12 [0] : vector<3x512xf32> to vector<512xf32>
    %broadcast_in_dim3A_14 = vector.shape_cast %reduce_sum3A_13 : vector<512xf32> to vector<1x512xf32>
    %add3A = arith.addf %dot_general3A_9, %dot_general3A_9 : vector<512x512xf32>
    %sub3A = vector.broadcast %broadcast_in_dim3A : vector<512x1xf32> to vector<512x512xf32>
    %sub3A_15 = arith.subf %sub3A, %add3A : vector<512x512xf32>
    %add3A_16 = vector.broadcast %broadcast_in_dim3A_14 : vector<1x512xf32> to vector<512x512xf32>
    %add3A_17 = arith.addf %sub3A_15, %add3A_16 : vector<512x512xf32>
    %max3A = arith.constant 0.000000e+00 : f32
    %max3A_18 = vector.broadcast %max3A : f32 to vector<512x512xf32>
    %max3A_19 = arith.maximumf %add3A_17, %max3A_18 : vector<512x512xf32>
    %iota3A = tpu.iota {dimensions = array<i32: 0>} : vector<512x512xi32>
    %bitcast_convert_type3A = tpu.bitcast %max3A_19 : vector<512x512xf32> -> vector<512x512xi32>
    %and3A = arith.constant -4096 : i32
    %and3A_20 = vector.broadcast %and3A : i32 to vector<512x512xi32>
    %and3A_21 = arith.andi %bitcast_convert_type3A, %and3A_20 : vector<512x512xi32>
    %or3A = arith.ori %and3A_21, %iota3A : vector<512x512xi32>
    %reshape3A = vector.shape_cast %or3A : vector<512x512xi32> to vector<16x32x512xi32>
    %broadcast_in_dim3A_22 = arith.constant -2147483648 : i32
    %broadcast_in_dim3A_23 = vector.broadcast %broadcast_in_dim3A_22 : i32 to vector<16x1x512xi32>
    %gt3A = vector.broadcast %broadcast_in_dim3A_23 : vector<16x1x512xi32> to vector<16x32x512xi32>
    %gt3A_24 = arith.cmpi sgt, %reshape3A, %gt3A : vector<16x32x512xi32>
    %jit3A = arith.constant 2147483647 : i32
    %broadcast_in_dim3A_25 = vector.broadcast %jit3A : i32 to vector<16x32x512xi32>
    %select_n3A = arith.select %gt3A_24, %reshape3A, %broadcast_in_dim3A_25 : vector<16x32x512xi1>, vector<16x32x512xi32>
    %reduce_min3A = arith.constant dense<2147483647> : vector<16x512xi32>
    %reduce_min3A_26 = vector.multi_reduction <minsi>, %select_n3A, %reduce_min3A [1] : vector<16x32x512xi32> to vector<16x512xi32>
    %broadcast_in_dim3A_27 = vector.shape_cast %reduce_min3A_26 : vector<16x512xi32> to vector<16x1x512xi32>
    %gt3A_28 = vector.broadcast %broadcast_in_dim3A_27 : vector<16x1x512xi32> to vector<16x32x512xi32>
    %gt3A_29 = arith.cmpi sgt, %reshape3A, %gt3A_28 : vector<16x32x512xi32>
    %jit3A_30 = arith.constant 2147483647 : i32
    %broadcast_in_dim3A_31 = vector.broadcast %jit3A_30 : i32 to vector<16x32x512xi32>
    %select_n3A_32 = arith.select %gt3A_29, %reshape3A, %broadcast_in_dim3A_31 : vector<16x32x512xi1>, vector<16x32x512xi32>
    %reduce_min3A_33 = arith.constant dense<2147483647> : vector<16x512xi32>
    %reduce_min3A_34 = vector.multi_reduction <minsi>, %select_n3A_32, %reduce_min3A_33 [1] : vector<16x32x512xi32> to vector<16x512xi32>
    %broadcast_in_dim3A_35 = vector.shape_cast %reduce_min3A_34 : vector<16x512xi32> to vector<16x1x512xi32>
    %gt3A_36 = vector.broadcast %broadcast_in_dim3A_35 : vector<16x1x512xi32> to vector<16x32x512xi32>
    %gt3A_37 = arith.cmpi sgt, %reshape3A, %gt3A_36 : vector<16x32x512xi32>
    %jit3A_38 = arith.constant 2147483647 : i32
    %broadcast_in_dim3A_39 = vector.broadcast %jit3A_38 : i32 to vector<16x32x512xi32>
    %select_n3A_40 = arith.select %gt3A_37, %reshape3A, %broadcast_in_dim3A_39 : vector<16x32x512xi1>, vector<16x32x512xi32>
    %reduce_min3A_41 = arith.constant dense<2147483647> : vector<16x512xi32>
    %reduce_min3A_42 = vector.multi_reduction <minsi>, %select_n3A_40, %reduce_min3A_41 [1] : vector<16x32x512xi32> to vector<16x512xi32>
    %broadcast_in_dim3A_43 = vector.shape_cast %reduce_min3A_42 : vector<16x512xi32> to vector<16x1x512xi32>
    %gt3A_44 = vector.broadcast %broadcast_in_dim3A_43 : vector<16x1x512xi32> to vector<16x32x512xi32>
    %gt3A_45 = arith.cmpi sgt, %reshape3A, %gt3A_44 : vector<16x32x512xi32>
    %jit3A_46 = arith.constant 2147483647 : i32
    %broadcast_in_dim3A_47 = vector.broadcast %jit3A_46 : i32 to vector<16x32x512xi32>
    %select_n3A_48 = arith.select %gt3A_45, %reshape3A, %broadcast_in_dim3A_47 : vector<16x32x512xi1>, vector<16x32x512xi32>
    %reduce_min3A_49 = arith.constant dense<2147483647> : vector<16x512xi32>
    %reduce_min3A_50 = vector.multi_reduction <minsi>, %select_n3A_48, %reduce_min3A_49 [1] : vector<16x32x512xi32> to vector<16x512xi32>
    %broadcast_in_dim3A_51 = vector.shape_cast %reduce_min3A_50 : vector<16x512xi32> to vector<16x1x512xi32>
    %gt3A_52 = vector.broadcast %broadcast_in_dim3A_51 : vector<16x1x512xi32> to vector<16x32x512xi32>
    %gt3A_53 = arith.cmpi sgt, %reshape3A, %gt3A_52 : vector<16x32x512xi32>
    %jit3A_54 = arith.constant 2147483647 : i32
    %broadcast_in_dim3A_55 = vector.broadcast %jit3A_54 : i32 to vector<16x32x512xi32>
    %select_n3A_56 = arith.select %gt3A_53, %reshape3A, %broadcast_in_dim3A_55 : vector<16x32x512xi1>, vector<16x32x512xi32>
    %reduce_min3A_57 = arith.constant dense<2147483647> : vector<16x512xi32>
    %reduce_min3A_58 = vector.multi_reduction <minsi>, %select_n3A_56, %reduce_min3A_57 [1] : vector<16x32x512xi32> to vector<16x512xi32>
    %broadcast_in_dim3A_59 = vector.shape_cast %reduce_min3A_58 : vector<16x512xi32> to vector<16x1x512xi32>
    %gt3A_60 = vector.broadcast %broadcast_in_dim3A_59 : vector<16x1x512xi32> to vector<16x32x512xi32>
    %gt3A_61 = arith.cmpi sgt, %reshape3A, %gt3A_60 : vector<16x32x512xi32>
    %jit3A_62 = arith.constant 2147483647 : i32
    %broadcast_in_dim3A_63 = vector.broadcast %jit3A_62 : i32 to vector<16x32x512xi32>
    %select_n3A_64 = arith.select %gt3A_61, %reshape3A, %broadcast_in_dim3A_63 : vector<16x32x512xi1>, vector<16x32x512xi32>
    %reduce_min3A_65 = arith.constant dense<2147483647> : vector<16x512xi32>
    %reduce_min3A_66 = vector.multi_reduction <minsi>, %select_n3A_64, %reduce_min3A_65 [1] : vector<16x32x512xi32> to vector<16x512xi32>
    %concatenate3A = tpu.concatenate %reduce_min3A_26, %reduce_min3A_34, %reduce_min3A_42, %reduce_min3A_50, %reduce_min3A_58, %reduce_min3A_66 in 0 : vector<16x512xi32>, vector<16x512xi32>, vector<16x512xi32>, vector<16x512xi32>, vector<16x512xi32>, vector<16x512xi32> -> vector<96x512xi32>
    %mul3A_67 = arith.constant 512 : i32
    %mul3A_68 = arith.muli %arg0, %mul3A_67 : i32
    %broadcast_in_dim3A_69 = arith.constant -2147483648 : i32
    %broadcast_in_dim3A_70 = vector.broadcast %broadcast_in_dim3A_69 : i32 to vector<1x512xi32>
    %gt3A_71 = vector.broadcast %broadcast_in_dim3A_70 : vector<1x512xi32> to vector<96x512xi32>
    %gt3A_72 = arith.cmpi sgt, %concatenate3A, %gt3A_71 : vector<96x512xi32>
    %jit3A_73 = arith.constant 2147483647 : i32
    %broadcast_in_dim3A_74 = vector.broadcast %jit3A_73 : i32 to vector<96x512xi32>
    %select_n3A_75 = arith.select %gt3A_72, %concatenate3A, %broadcast_in_dim3A_74 : vector<96x512xi1>, vector<96x512xi32>
    %reduce_min3A_76 = arith.constant dense<2147483647> : vector<512xi32>
    %reduce_min3A_77 = vector.multi_reduction <minsi>, %select_n3A_75, %reduce_min3A_76 [0] : vector<96x512xi32> to vector<512xi32>
    %and3A_78 = arith.constant 4095 : i32
    %and3A_79 = vector.broadcast %and3A_78 : i32 to vector<512xi32>
    %and3A_80 = arith.andi %reduce_min3A_77, %and3A_79 : vector<512xi32>
    %add3A_81 = vector.broadcast %mul3A_68 : i32 to vector<512xi32>
    %add3A_82 = arith.addi %and3A_80, %add3A_81 : vector<512xi32>
    %broadcast_in_dim3A_83 = vector.shape_cast %add3A_82 : vector<512xi32> to vector<1x512xi32>
    %swap3A = arith.constant 0 : index
    %swap3A_84 = arith.constant 0 : index
    %swap3A_85 = arith.constant 0 : index
    %swap3A_86 = vector.load %arg4[%swap3A, %swap3A_84, %swap3A_85] : memref<1x16x512xi32, #tpu.memory_space<vmem>>, vector<1x1x512xi32>
    %swap3A_87 = vector.shape_cast %swap3A_86 : vector<1x1x512xi32> to vector<1x512xi32>
    %swap3A_88 = vector.shape_cast %broadcast_in_dim3A_83 : vector<1x512xi32> to vector<1x1x512xi32>
    tpu.vector_store %arg4[%swap3A, %swap3A_84, %swap3A_85], %swap3A_88 {strides = array<i32>} : memref<1x16x512xi32, #tpu.memory_space<vmem>>, vector<1x1x512xi32>,
    %broadcast_in_dim3A_89 = vector.shape_cast %reduce_min3A_77 : vector<512xi32> to vector<1x512xi32>
    %gt3A_90 = vector.broadcast %broadcast_in_dim3A_89 : vector<1x512xi32> to vector<96x512xi32>
    %gt3A_91 = arith.cmpi sgt, %concatenate3A, %gt3A_90 : vector<96x512xi32>
    %jit3A_92 = arith.constant 2147483647 : i32
    %broadcast_in_dim3A_93 = vector.broadcast %jit3A_92 : i32 to vector<96x512xi32>
    %select_n3A_94 = arith.select %gt3A_91, %concatenate3A, %broadcast_in_dim3A_93 : vector<96x512xi1>, vector<96x512xi32>
    %reduce_min3A_95 = arith.constant dense<2147483647> : vector<512xi32>
    %reduce_min3A_96 = vector.multi_reduction <minsi>, %select_n3A_94, %reduce_min3A_95 [0] : vector<96x512xi32> to vector<512xi32>
    %and3A_97 = arith.constant 4095 : i32
    %and3A_98 = vector.broadcast %and3A_97 : i32 to vector<512xi32>
    %and3A_99 = arith.andi %reduce_min3A_96, %and3A_98 : vector<512xi32>
    %add3A_100 = vector.broadcast %mul3A_68 : i32 to vector<512xi32>
    %add3A_101 = arith.addi %and3A_99, %add3A_100 : vector<512xi32>
    %broadcast_in_dim3A_102 = vector.shape_cast %add3A_101 : vector<512xi32> to vector<1x512xi32>
    %swap3A_103 = arith.constant 0 : index
    %swap3A_104 = arith.constant 1 : index
    %swap3A_105 = arith.constant 0 : index
    %swap3A_106 = vector.load %arg4[%swap3A_103, %swap3A_104, %swap3A_105] : memref<1x16x512xi32, #tpu.memory_space<vmem>>, vector<1x1x512xi32>
    %swap3A_107 = vector.shape_cast %swap3A_106 : vector<1x1x512xi32> to vector<1x512xi32>
    %swap3A_108 = vector.shape_cast %broadcast_in_dim3A_102 : vector<1x512xi32> to vector<1x1x512xi32>
    tpu.vector_store %arg4[%swap3A_103, %swap3A_104, %swap3A_105], %swap3A_108 {strides = array<i32>} : memref<1x16x512xi32, #tpu.memory_space<vmem>>, vector<1x1x512xi32>,
    %broadcast_in_dim3A_109 = vector.shape_cast %reduce_min3A_96 : vector<512xi32> to vector<1x512xi32>
    %gt3A_110 = vector.broadcast %broadcast_in_dim3A_109 : vector<1x512xi32> to vector<96x512xi32>
    %gt3A_111 = arith.cmpi sgt, %concatenate3A, %gt3A_110 : vector<96x512xi32>
    %jit3A_112 = arith.constant 2147483647 : i32
    %broadcast_in_dim3A_113 = vector.broadcast %jit3A_112 : i32 to vector<96x512xi32>
    %select_n3A_114 = arith.select %gt3A_111, %concatenate3A, %broadcast_in_dim3A_113 : vector<96x512xi1>, vector<96x512xi32>
    %reduce_min3A_115 = arith.constant dense<2147483647> : vector<512xi32>
    %reduce_min3A_116 = vector.multi_reduction <minsi>, %select_n3A_114, %reduce_min3A_115 [0] : vector<96x512xi32> to vector<512xi32>
    %and3A_117 = arith.constant 4095 : i32
    %and3A_118 = vector.broadcast %and3A_117 : i32 to vector<512xi32>
    %and3A_119 = arith.andi %reduce_min3A_116, %and3A_118 : vector<512xi32>
    %add3A_120 = vector.broadcast %mul3A_68 : i32 to vector<512xi32>
    %add3A_121 = arith.addi %and3A_119, %add3A_120 : vector<512xi32>
    %broadcast_in_dim3A_122 = vector.shape_cast %add3A_121 : vector<512xi32> to vector<1x512xi32>
    %swap3A_123 = arith.constant 0 : index
    %swap3A_124 = arith.constant 2 : index
    %swap3A_125 = arith.constant 0 : index
    %swap3A_126 = vector.load %arg4[%swap3A_123, %swap3A_124, %swap3A_125] : memref<1x16x512xi32, #tpu.memory_space<vmem>>, vector<1x1x512xi32>
    %swap3A_127 = vector.shape_cast %swap3A_126 : vector<1x1x512xi32> to vector<1x512xi32>
    %swap3A_128 = vector.shape_cast %broadcast_in_dim3A_122 : vector<1x512xi32> to vector<1x1x512xi32>
    tpu.vector_store %arg4[%swap3A_123, %swap3A_124, %swap3A_125], %swap3A_128 {strides = array<i32>} : memref<1x16x512xi32, #tpu.memory_space<vmem>>, vector<1x1x512xi32>,
    %broadcast_in_dim3A_129 = vector.shape_cast %reduce_min3A_116 : vector<512xi32> to vector<1x512xi32>
    %gt3A_130 = vector.broadcast %broadcast_in_dim3A_129 : vector<1x512xi32> to vector<96x512xi32>
    %gt3A_131 = arith.cmpi sgt, %concatenate3A, %gt3A_130 : vector<96x512xi32>
    %jit3A_132 = arith.constant 2147483647 : i32
    %broadcast_in_dim3A_133 = vector.broadcast %jit3A_132 : i32 to vector<96x512xi32>
    %select_n3A_134 = arith.select %gt3A_131, %concatenate3A, %broadcast_in_dim3A_133 : vector<96x512xi1>, vector<96x512xi32>
    %reduce_min3A_135 = arith.constant dense<2147483647> : vector<512xi32>
    %reduce_min3A_136 = vector.multi_reduction <minsi>, %select_n3A_134, %reduce_min3A_135 [0] : vector<96x512xi32> to vector<512xi32>
    %and3A_137 = arith.constant 4095 : i32
    %and3A_138 = vector.broadcast %and3A_137 : i32 to vector<512xi32>
    %and3A_139 = arith.andi %reduce_min3A_136, %and3A_138 : vector<512xi32>
    %add3A_140 = vector.broadcast %mul3A_68 : i32 to vector<512xi32>
    %add3A_141 = arith.addi %and3A_139, %add3A_140 : vector<512xi32>
    %broadcast_in_dim3A_142 = vector.shape_cast %add3A_141 : vector<512xi32> to vector<1x512xi32>
    %swap3A_143 = arith.constant 0 : index
    %swap3A_144 = arith.constant 3 : index
    %swap3A_145 = arith.constant 0 : index
    %swap3A_146 = vector.load %arg4[%swap3A_143, %swap3A_144, %swap3A_145] : memref<1x16x512xi32, #tpu.memory_space<vmem>>, vector<1x1x512xi32>
    %swap3A_147 = vector.shape_cast %swap3A_146 : vector<1x1x512xi32> to vector<1x512xi32>
    %swap3A_148 = vector.shape_cast %broadcast_in_dim3A_142 : vector<1x512xi32> to vector<1x1x512xi32>
    tpu.vector_store %arg4[%swap3A_143, %swap3A_144, %swap3A_145], %swap3A_148 {strides = array<i32>} : memref<1x16x512xi32, #tpu.memory_space<vmem>>, vector<1x1x512xi32>,
    %broadcast_in_dim3A_149 = vector.shape_cast %reduce_min3A_136 : vector<512xi32> to vector<1x512xi32>
    %gt3A_150 = vector.broadcast %broadcast_in_dim3A_149 : vector<1x512xi32> to vector<96x512xi32>
    %gt3A_151 = arith.cmpi sgt, %concatenate3A, %gt3A_150 : vector<96x512xi32>
    %jit3A_152 = arith.constant 2147483647 : i32
    %broadcast_in_dim3A_153 = vector.broadcast %jit3A_152 : i32 to vector<96x512xi32>
    %select_n3A_154 = arith.select %gt3A_151, %concatenate3A, %broadcast_in_dim3A_153 : vector<96x512xi1>, vector<96x512xi32>
    %reduce_min3A_155 = arith.constant dense<2147483647> : vector<512xi32>
    %reduce_min3A_156 = vector.multi_reduction <minsi>, %select_n3A_154, %reduce_min3A_155 [0] : vector<96x512xi32> to vector<512xi32>
    %and3A_157 = arith.constant 4095 : i32
    %and3A_158 = vector.broadcast %and3A_157 : i32 to vector<512xi32>
    %and3A_159 = arith.andi %reduce_min3A_156, %and3A_158 : vector<512xi32>
    %add3A_160 = vector.broadcast %mul3A_68 : i32 to vector<512xi32>
    %add3A_161 = arith.addi %and3A_159, %add3A_160 : vector<512xi32>
    %broadcast_in_dim3A_162 = vector.shape_cast %add3A_161 : vector<512xi32> to vector<1x512xi32>
    %swap3A_163 = arith.constant 0 : index
    %swap3A_164 = arith.constant 4 : index
    %swap3A_165 = arith.constant 0 : index
    %swap3A_166 = vector.load %arg4[%swap3A_163, %swap3A_164, %swap3A_165] : memref<1x16x512xi32, #tpu.memory_space<vmem>>, vector<1x1x512xi32>
    %swap3A_167 = vector.shape_cast %swap3A_166 : vector<1x1x512xi32> to vector<1x512xi32>
    %swap3A_168 = vector.shape_cast %broadcast_in_dim3A_162 : vector<1x512xi32> to vector<1x1x512xi32>
    tpu.vector_store %arg4[%swap3A_163, %swap3A_164, %swap3A_165], %swap3A_168 {strides = array<i32>} : memref<1x16x512xi32, #tpu.memory_space<vmem>>, vector<1x1x512xi32>,
    %broadcast_in_dim3A_169 = vector.shape_cast %reduce_min3A_156 : vector<512xi32> to vector<1x512xi32>
    %gt3A_170 = vector.broadcast %broadcast_in_dim3A_169 : vector<1x512xi32> to vector<96x512xi32>
    %gt3A_171 = arith.cmpi sgt, %concatenate3A, %gt3A_170 : vector<96x512xi32>
    %jit3A_172 = arith.constant 2147483647 : i32
    %broadcast_in_dim3A_173 = vector.broadcast %jit3A_172 : i32 to vector<96x512xi32>
    %select_n3A_174 = arith.select %gt3A_171, %concatenate3A, %broadcast_in_dim3A_173 : vector<96x512xi1>, vector<96x512xi32>
    %reduce_min3A_175 = arith.constant dense<2147483647> : vector<512xi32>
    %reduce_min3A_176 = vector.multi_reduction <minsi>, %select_n3A_174, %reduce_min3A_175 [0] : vector<96x512xi32> to vector<512xi32>
    %and3A_177 = arith.constant 4095 : i32
    %and3A_178 = vector.broadcast %and3A_177 : i32 to vector<512xi32>
    %and3A_179 = arith.andi %reduce_min3A_176, %and3A_178 : vector<512xi32>
    %add3A_180 = vector.broadcast %mul3A_68 : i32 to vector<512xi32>
    %add3A_181 = arith.addi %and3A_179, %add3A_180 : vector<512xi32>
    %broadcast_in_dim3A_182 = vector.shape_cast %add3A_181 : vector<512xi32> to vector<1x512xi32>
    %swap3A_183 = arith.constant 0 : index
    %swap3A_184 = arith.constant 5 : index
    %swap3A_185 = arith.constant 0 : index
    %swap3A_186 = vector.load %arg4[%swap3A_183, %swap3A_184, %swap3A_185] : memref<1x16x512xi32, #tpu.memory_space<vmem>>, vector<1x1x512xi32>
    %swap3A_187 = vector.shape_cast %swap3A_186 : vector<1x1x512xi32> to vector<1x512xi32>
    %swap3A_188 = vector.shape_cast %broadcast_in_dim3A_182 : vector<1x512xi32> to vector<1x1x512xi32>
    tpu.vector_store %arg4[%swap3A_183, %swap3A_184, %swap3A_185], %swap3A_188 {strides = array<i32>} : memref<1x16x512xi32, #tpu.memory_space<vmem>>, vector<1x1x512xi32>,
    %broadcast_in_dim3A_189 = vector.shape_cast %reduce_min3A_176 : vector<512xi32> to vector<1x512xi32>
    %gt3A_190 = vector.broadcast %broadcast_in_dim3A_189 : vector<1x512xi32> to vector<96x512xi32>
    %gt3A_191 = arith.cmpi sgt, %concatenate3A, %gt3A_190 : vector<96x512xi32>
    %jit3A_192 = arith.constant 2147483647 : i32
    %broadcast_in_dim3A_193 = vector.broadcast %jit3A_192 : i32 to vector<96x512xi32>
    %select_n3A_194 = arith.select %gt3A_191, %concatenate3A, %broadcast_in_dim3A_193 : vector<96x512xi1>, vector<96x512xi32>
    %reduce_min3A_195 = arith.constant dense<2147483647> : vector<512xi32>
    %reduce_min3A_196 = vector.multi_reduction <minsi>, %select_n3A_194, %reduce_min3A_195 [0] : vector<96x512xi32> to vector<512xi32>
    %and3A_197 = arith.constant 4095 : i32
    %and3A_198 = vector.broadcast %and3A_197 : i32 to vector<512xi32>
    %and3A_199 = arith.andi %reduce_min3A_196, %and3A_198 : vector<512xi32>
    %add3A_200 = vector.broadcast %mul3A_68 : i32 to vector<512xi32>
    %add3A_201 = arith.addi %and3A_199, %add3A_200 : vector<512xi32>
    %broadcast_in_dim3A_202 = vector.shape_cast %add3A_201 : vector<512xi32> to vector<1x512xi32>
    %swap3A_203 = arith.constant 0 : index
    %swap3A_204 = arith.constant 6 : index
    %swap3A_205 = arith.constant 0 : index
    %swap3A_206 = vector.load %arg4[%swap3A_203, %swap3A_204, %swap3A_205] : memref<1x16x512xi32, #tpu.memory_space<vmem>>, vector<1x1x512xi32>
    %swap3A_207 = vector.shape_cast %swap3A_206 : vector<1x1x512xi32> to vector<1x512xi32>
    %swap3A_208 = vector.shape_cast %broadcast_in_dim3A_202 : vector<1x512xi32> to vector<1x1x512xi32>
    tpu.vector_store %arg4[%swap3A_203, %swap3A_204, %swap3A_205], %swap3A_208 {strides = array<i32>} : memref<1x16x512xi32, #tpu.memory_space<vmem>>, vector<1x1x512xi32>,
    %broadcast_in_dim3A_209 = vector.shape_cast %reduce_min3A_196 : vector<512xi32> to vector<1x512xi32>
    %gt3A_210 = vector.broadcast %broadcast_in_dim3A_209 : vector<1x512xi32> to vector<96x512xi32>
    %gt3A_211 = arith.cmpi sgt, %concatenate3A, %gt3A_210 : vector<96x512xi32>
    %jit3A_212 = arith.constant 2147483647 : i32
    %broadcast_in_dim3A_213 = vector.broadcast %jit3A_212 : i32 to vector<96x512xi32>
    %select_n3A_214 = arith.select %gt3A_211, %concatenate3A, %broadcast_in_dim3A_213 : vector<96x512xi1>, vector<96x512xi32>
    %reduce_min3A_215 = arith.constant dense<2147483647> : vector<512xi32>
    %reduce_min3A_216 = vector.multi_reduction <minsi>, %select_n3A_214, %reduce_min3A_215 [0] : vector<96x512xi32> to vector<512xi32>
    %and3A_217 = arith.constant 4095 : i32
    %and3A_218 = vector.broadcast %and3A_217 : i32 to vector<512xi32>
    %and3A_219 = arith.andi %reduce_min3A_216, %and3A_218 : vector<512xi32>
    %add3A_220 = vector.broadcast %mul3A_68 : i32 to vector<512xi32>
    %add3A_221 = arith.addi %and3A_219, %add3A_220 : vector<512xi32>
    %broadcast_in_dim3A_222 = vector.shape_cast %add3A_221 : vector<512xi32> to vector<1x512xi32>
    %swap3A_223 = arith.constant 0 : index
    %swap3A_224 = arith.constant 7 : index
    %swap3A_225 = arith.constant 0 : index
    %swap3A_226 = vector.load %arg4[%swap3A_223, %swap3A_224, %swap3A_225] : memref<1x16x512xi32, #tpu.memory_space<vmem>>, vector<1x1x512xi32>
    %swap3A_227 = vector.shape_cast %swap3A_226 : vector<1x1x512xi32> to vector<1x512xi32>
    %swap3A_228 = vector.shape_cast %broadcast_in_dim3A_222 : vector<1x512xi32> to vector<1x1x512xi32>
    tpu.vector_store %arg4[%swap3A_223, %swap3A_224, %swap3A_225], %swap3A_228 {strides = array<i32>} : memref<1x16x512xi32, #tpu.memory_space<vmem>>, vector<1x1x512xi32>,
    %broadcast_in_dim3A_229 = vector.shape_cast %reduce_min3A_216 : vector<512xi32> to vector<1x512xi32>
    %gt3A_230 = vector.broadcast %broadcast_in_dim3A_229 : vector<1x512xi32> to vector<96x512xi32>
    %gt3A_231 = arith.cmpi sgt, %concatenate3A, %gt3A_230 : vector<96x512xi32>
    %jit3A_232 = arith.constant 2147483647 : i32
    %broadcast_in_dim3A_233 = vector.broadcast %jit3A_232 : i32 to vector<96x512xi32>
    %select_n3A_234 = arith.select %gt3A_231, %concatenate3A, %broadcast_in_dim3A_233 : vector<96x512xi1>, vector<96x512xi32>
    %reduce_min3A_235 = arith.constant dense<2147483647> : vector<512xi32>
    %reduce_min3A_236 = vector.multi_reduction <minsi>, %select_n3A_234, %reduce_min3A_235 [0] : vector<96x512xi32> to vector<512xi32>
    %and3A_237 = arith.constant 4095 : i32
    %and3A_238 = vector.broadcast %and3A_237 : i32 to vector<512xi32>
    %and3A_239 = arith.andi %reduce_min3A_236, %and3A_238 : vector<512xi32>
    %add3A_240 = vector.broadcast %mul3A_68 : i32 to vector<512xi32>
    %add3A_241 = arith.addi %and3A_239, %add3A_240 : vector<512xi32>
    %broadcast_in_dim3A_242 = vector.shape_cast %add3A_241 : vector<512xi32> to vector<1x512xi32>
    %swap3A_243 = arith.constant 0 : index
    %swap3A_244 = arith.constant 8 : index
    %swap3A_245 = arith.constant 0 : index
    %swap3A_246 = vector.load %arg4[%swap3A_243, %swap3A_244, %swap3A_245] : memref<1x16x512xi32, #tpu.memory_space<vmem>>, vector<1x1x512xi32>
    %swap3A_247 = vector.shape_cast %swap3A_246 : vector<1x1x512xi32> to vector<1x512xi32>
    %swap3A_248 = vector.shape_cast %broadcast_in_dim3A_242 : vector<1x512xi32> to vector<1x1x512xi32>
    tpu.vector_store %arg4[%swap3A_243, %swap3A_244, %swap3A_245], %swap3A_248 {strides = array<i32>} : memref<1x16x512xi32, #tpu.memory_space<vmem>>, vector<1x1x512xi32>,
    %broadcast_in_dim3A_249 = vector.shape_cast %reduce_min3A_236 : vector<512xi32> to vector<1x512xi32>
    %gt3A_250 = vector.broadcast %broadcast_in_dim3A_249 : vector<1x512xi32> to vector<96x512xi32>
    %gt3A_251 = arith.cmpi sgt, %concatenate3A, %gt3A_250 : vector<96x512xi32>
    %jit3A_252 = arith.constant 2147483647 : i32
    %broadcast_in_dim3A_253 = vector.broadcast %jit3A_252 : i32 to vector<96x512xi32>
    %select_n3A_254 = arith.select %gt3A_251, %concatenate3A, %broadcast_in_dim3A_253 : vector<96x512xi1>, vector<96x512xi32>
    %reduce_min3A_255 = arith.constant dense<2147483647> : vector<512xi32>
    %reduce_min3A_256 = vector.multi_reduction <minsi>, %select_n3A_254, %reduce_min3A_255 [0] : vector<96x512xi32> to vector<512xi32>
    %and3A_257 = arith.constant 4095 : i32
    %and3A_258 = vector.broadcast %and3A_257 : i32 to vector<512xi32>
    %and3A_259 = arith.andi %reduce_min3A_256, %and3A_258 : vector<512xi32>
    %add3A_260 = vector.broadcast %mul3A_68 : i32 to vector<512xi32>
    %add3A_261 = arith.addi %and3A_259, %add3A_260 : vector<512xi32>
    %broadcast_in_dim3A_262 = vector.shape_cast %add3A_261 : vector<512xi32> to vector<1x512xi32>
    %swap3A_263 = arith.constant 0 : index
    %swap3A_264 = arith.constant 9 : index
    %swap3A_265 = arith.constant 0 : index
    %swap3A_266 = vector.load %arg4[%swap3A_263, %swap3A_264, %swap3A_265] : memref<1x16x512xi32, #tpu.memory_space<vmem>>, vector<1x1x512xi32>
    %swap3A_267 = vector.shape_cast %swap3A_266 : vector<1x1x512xi32> to vector<1x512xi32>
    %swap3A_268 = vector.shape_cast %broadcast_in_dim3A_262 : vector<1x512xi32> to vector<1x1x512xi32>
    tpu.vector_store %arg4[%swap3A_263, %swap3A_264, %swap3A_265], %swap3A_268 {strides = array<i32>} : memref<1x16x512xi32, #tpu.memory_space<vmem>>, vector<1x1x512xi32>,
    %broadcast_in_dim3A_269 = vector.shape_cast %reduce_min3A_256 : vector<512xi32> to vector<1x512xi32>
    %gt3A_270 = vector.broadcast %broadcast_in_dim3A_269 : vector<1x512xi32> to vector<96x512xi32>
    %gt3A_271 = arith.cmpi sgt, %concatenate3A, %gt3A_270 : vector<96x512xi32>
    %jit3A_272 = arith.constant 2147483647 : i32
    %broadcast_in_dim3A_273 = vector.broadcast %jit3A_272 : i32 to vector<96x512xi32>
    %select_n3A_274 = arith.select %gt3A_271, %concatenate3A, %broadcast_in_dim3A_273 : vector<96x512xi1>, vector<96x512xi32>
    %reduce_min3A_275 = arith.constant dense<2147483647> : vector<512xi32>
    %reduce_min3A_276 = vector.multi_reduction <minsi>, %select_n3A_274, %reduce_min3A_275 [0] : vector<96x512xi32> to vector<512xi32>
    %and3A_277 = arith.constant 4095 : i32
    %and3A_278 = vector.broadcast %and3A_277 : i32 to vector<512xi32>
    %and3A_279 = arith.andi %reduce_min3A_276, %and3A_278 : vector<512xi32>
    %add3A_280 = vector.broadcast %mul3A_68 : i32 to vector<512xi32>
    %add3A_281 = arith.addi %and3A_279, %add3A_280 : vector<512xi32>
    %broadcast_in_dim3A_282 = vector.shape_cast %add3A_281 : vector<512xi32> to vector<1x512xi32>
    %swap3A_283 = arith.constant 0 : index
    %swap3A_284 = arith.constant 10 : index
    %swap3A_285 = arith.constant 0 : index
    %swap3A_286 = vector.load %arg4[%swap3A_283, %swap3A_284, %swap3A_285] : memref<1x16x512xi32, #tpu.memory_space<vmem>>, vector<1x1x512xi32>
    %swap3A_287 = vector.shape_cast %swap3A_286 : vector<1x1x512xi32> to vector<1x512xi32>
    %swap3A_288 = vector.shape_cast %broadcast_in_dim3A_282 : vector<1x512xi32> to vector<1x1x512xi32>
    tpu.vector_store %arg4[%swap3A_283, %swap3A_284, %swap3A_285], %swap3A_288 {strides = array<i32>} : memref<1x16x512xi32, #tpu.memory_space<vmem>>, vector<1x1x512xi32>,
    %broadcast_in_dim3A_289 = vector.shape_cast %reduce_min3A_276 : vector<512xi32> to vector<1x512xi32>
    %gt3A_290 = vector.broadcast %broadcast_in_dim3A_289 : vector<1x512xi32> to vector<96x512xi32>
    %gt3A_291 = arith.cmpi sgt, %concatenate3A, %gt3A_290 : vector<96x512xi32>
    %jit3A_292 = arith.constant 2147483647 : i32
    %broadcast_in_dim3A_293 = vector.broadcast %jit3A_292 : i32 to vector<96x512xi32>
    %select_n3A_294 = arith.select %gt3A_291, %concatenate3A, %broadcast_in_dim3A_293 : vector<96x512xi1>, vector<96x512xi32>
    %reduce_min3A_295 = arith.constant dense<2147483647> : vector<512xi32>
    %reduce_min3A_296 = vector.multi_reduction <minsi>, %select_n3A_294, %reduce_min3A_295 [0] : vector<96x512xi32> to vector<512xi32>
    %and3A_297 = arith.constant 4095 : i32
    %and3A_298 = vector.broadcast %and3A_297 : i32 to vector<512xi32>
    %and3A_299 = arith.andi %reduce_min3A_296, %and3A_298 : vector<512xi32>
    %add3A_300 = vector.broadcast %mul3A_68 : i32 to vector<512xi32>
    %add3A_301 = arith.addi %and3A_299, %add3A_300 : vector<512xi32>
    %broadcast_in_dim3A_302 = vector.shape_cast %add3A_301 : vector<512xi32> to vector<1x512xi32>
    %swap3A_303 = arith.constant 0 : index
    %swap3A_304 = arith.constant 11 : index
    %swap3A_305 = arith.constant 0 : index
    %swap3A_306 = vector.load %arg4[%swap3A_303, %swap3A_304, %swap3A_305] : memref<1x16x512xi32, #tpu.memory_space<vmem>>, vector<1x1x512xi32>
    %swap3A_307 = vector.shape_cast %swap3A_306 : vector<1x1x512xi32> to vector<1x512xi32>
    %swap3A_308 = vector.shape_cast %broadcast_in_dim3A_302 : vector<1x512xi32> to vector<1x1x512xi32>
    tpu.vector_store %arg4[%swap3A_303, %swap3A_304, %swap3A_305], %swap3A_308 {strides = array<i32>} : memref<1x16x512xi32, #tpu.memory_space<vmem>>, vector<1x1x512xi32>,
    %broadcast_in_dim3A_309 = vector.shape_cast %reduce_min3A_296 : vector<512xi32> to vector<1x512xi32>
    %gt3A_310 = vector.broadcast %broadcast_in_dim3A_309 : vector<1x512xi32> to vector<96x512xi32>
    %gt3A_311 = arith.cmpi sgt, %concatenate3A, %gt3A_310 : vector<96x512xi32>
    %jit3A_312 = arith.constant 2147483647 : i32
    %broadcast_in_dim3A_313 = vector.broadcast %jit3A_312 : i32 to vector<96x512xi32>
    %select_n3A_314 = arith.select %gt3A_311, %concatenate3A, %broadcast_in_dim3A_313 : vector<96x512xi1>, vector<96x512xi32>
    %reduce_min3A_315 = arith.constant dense<2147483647> : vector<512xi32>
    %reduce_min3A_316 = vector.multi_reduction <minsi>, %select_n3A_314, %reduce_min3A_315 [0] : vector<96x512xi32> to vector<512xi32>
    %and3A_317 = arith.constant 4095 : i32
    %and3A_318 = vector.broadcast %and3A_317 : i32 to vector<512xi32>
    %and3A_319 = arith.andi %reduce_min3A_316, %and3A_318 : vector<512xi32>
    %add3A_320 = vector.broadcast %mul3A_68 : i32 to vector<512xi32>
    %add3A_321 = arith.addi %and3A_319, %add3A_320 : vector<512xi32>
    %broadcast_in_dim3A_322 = vector.shape_cast %add3A_321 : vector<512xi32> to vector<1x512xi32>
    %swap3A_323 = arith.constant 0 : index
    %swap3A_324 = arith.constant 12 : index
    %swap3A_325 = arith.constant 0 : index
    %swap3A_326 = vector.load %arg4[%swap3A_323, %swap3A_324, %swap3A_325] : memref<1x16x512xi32, #tpu.memory_space<vmem>>, vector<1x1x512xi32>
    %swap3A_327 = vector.shape_cast %swap3A_326 : vector<1x1x512xi32> to vector<1x512xi32>
    %swap3A_328 = vector.shape_cast %broadcast_in_dim3A_322 : vector<1x512xi32> to vector<1x1x512xi32>
    tpu.vector_store %arg4[%swap3A_323, %swap3A_324, %swap3A_325], %swap3A_328 {strides = array<i32>} : memref<1x16x512xi32, #tpu.memory_space<vmem>>, vector<1x1x512xi32>,
    %broadcast_in_dim3A_329 = vector.shape_cast %reduce_min3A_316 : vector<512xi32> to vector<1x512xi32>
    %gt3A_330 = vector.broadcast %broadcast_in_dim3A_329 : vector<1x512xi32> to vector<96x512xi32>
    %gt3A_331 = arith.cmpi sgt, %concatenate3A, %gt3A_330 : vector<96x512xi32>
    %jit3A_332 = arith.constant 2147483647 : i32
    %broadcast_in_dim3A_333 = vector.broadcast %jit3A_332 : i32 to vector<96x512xi32>
    %select_n3A_334 = arith.select %gt3A_331, %concatenate3A, %broadcast_in_dim3A_333 : vector<96x512xi1>, vector<96x512xi32>
    %reduce_min3A_335 = arith.constant dense<2147483647> : vector<512xi32>
    %reduce_min3A_336 = vector.multi_reduction <minsi>, %select_n3A_334, %reduce_min3A_335 [0] : vector<96x512xi32> to vector<512xi32>
    %and3A_337 = arith.constant 4095 : i32
    %and3A_338 = vector.broadcast %and3A_337 : i32 to vector<512xi32>
    %and3A_339 = arith.andi %reduce_min3A_336, %and3A_338 : vector<512xi32>
    %add3A_340 = vector.broadcast %mul3A_68 : i32 to vector<512xi32>
    %add3A_341 = arith.addi %and3A_339, %add3A_340 : vector<512xi32>
    %broadcast_in_dim3A_342 = vector.shape_cast %add3A_341 : vector<512xi32> to vector<1x512xi32>
    %swap3A_343 = arith.constant 0 : index
    %swap3A_344 = arith.constant 13 : index
    %swap3A_345 = arith.constant 0 : index
    %swap3A_346 = vector.load %arg4[%swap3A_343, %swap3A_344, %swap3A_345] : memref<1x16x512xi32, #tpu.memory_space<vmem>>, vector<1x1x512xi32>
    %swap3A_347 = vector.shape_cast %swap3A_346 : vector<1x1x512xi32> to vector<1x512xi32>
    %swap3A_348 = vector.shape_cast %broadcast_in_dim3A_342 : vector<1x512xi32> to vector<1x1x512xi32>
    tpu.vector_store %arg4[%swap3A_343, %swap3A_344, %swap3A_345], %swap3A_348 {strides = array<i32>} : memref<1x16x512xi32, #tpu.memory_space<vmem>>, vector<1x1x512xi32>,
    %broadcast_in_dim3A_349 = vector.shape_cast %reduce_min3A_336 : vector<512xi32> to vector<1x512xi32>
    %gt3A_350 = vector.broadcast %broadcast_in_dim3A_349 : vector<1x512xi32> to vector<96x512xi32>
    %gt3A_351 = arith.cmpi sgt, %concatenate3A, %gt3A_350 : vector<96x512xi32>
    %jit3A_352 = arith.constant 2147483647 : i32
    %broadcast_in_dim3A_353 = vector.broadcast %jit3A_352 : i32 to vector<96x512xi32>
    %select_n3A_354 = arith.select %gt3A_351, %concatenate3A, %broadcast_in_dim3A_353 : vector<96x512xi1>, vector<96x512xi32>
    %reduce_min3A_355 = arith.constant dense<2147483647> : vector<512xi32>
    %reduce_min3A_356 = vector.multi_reduction <minsi>, %select_n3A_354, %reduce_min3A_355 [0] : vector<96x512xi32> to vector<512xi32>
    %and3A_357 = arith.constant 4095 : i32
    %and3A_358 = vector.broadcast %and3A_357 : i32 to vector<512xi32>
    %and3A_359 = arith.andi %reduce_min3A_356, %and3A_358 : vector<512xi32>
    %add3A_360 = vector.broadcast %mul3A_68 : i32 to vector<512xi32>
    %add3A_361 = arith.addi %and3A_359, %add3A_360 : vector<512xi32>
    %broadcast_in_dim3A_362 = vector.shape_cast %add3A_361 : vector<512xi32> to vector<1x512xi32>
    %swap3A_363 = arith.constant 0 : index
    %swap3A_364 = arith.constant 14 : index
    %swap3A_365 = arith.constant 0 : index
    %swap3A_366 = vector.load %arg4[%swap3A_363, %swap3A_364, %swap3A_365] : memref<1x16x512xi32, #tpu.memory_space<vmem>>, vector<1x1x512xi32>
    %swap3A_367 = vector.shape_cast %swap3A_366 : vector<1x1x512xi32> to vector<1x512xi32>
    %swap3A_368 = vector.shape_cast %broadcast_in_dim3A_362 : vector<1x512xi32> to vector<1x1x512xi32>
    tpu.vector_store %arg4[%swap3A_363, %swap3A_364, %swap3A_365], %swap3A_368 {strides = array<i32>} : memref<1x16x512xi32, #tpu.memory_space<vmem>>, vector<1x1x512xi32>,
    %broadcast_in_dim3A_369 = vector.shape_cast %reduce_min3A_356 : vector<512xi32> to vector<1x512xi32>
    %gt3A_370 = vector.broadcast %broadcast_in_dim3A_369 : vector<1x512xi32> to vector<96x512xi32>
    %gt3A_371 = arith.cmpi sgt, %concatenate3A, %gt3A_370 : vector<96x512xi32>
    %jit3A_372 = arith.constant 2147483647 : i32
    %broadcast_in_dim3A_373 = vector.broadcast %jit3A_372 : i32 to vector<96x512xi32>
    %select_n3A_374 = arith.select %gt3A_371, %concatenate3A, %broadcast_in_dim3A_373 : vector<96x512xi1>, vector<96x512xi32>
    %reduce_min3A_375 = arith.constant dense<2147483647> : vector<512xi32>
    %reduce_min3A_376 = vector.multi_reduction <minsi>, %select_n3A_374, %reduce_min3A_375 [0] : vector<96x512xi32> to vector<512xi32>
    %and3A_377 = arith.constant 4095 : i32
    %and3A_378 = vector.broadcast %and3A_377 : i32 to vector<512xi32>
    %and3A_379 = arith.andi %reduce_min3A_376, %and3A_378 : vector<512xi32>
    %add3A_380 = vector.broadcast %mul3A_68 : i32 to vector<512xi32>
    %add3A_381 = arith.addi %and3A_379, %add3A_380 : vector<512xi32>
    %broadcast_in_dim3A_382 = vector.shape_cast %add3A_381 : vector<512xi32> to vector<1x512xi32>
    %swap3A_383 = arith.constant 0 : index
    %swap3A_384 = arith.constant 15 : index
    %swap3A_385 = arith.constant 0 : index
    %swap3A_386 = vector.load %arg4[%swap3A_383, %swap3A_384, %swap3A_385] : memref<1x16x512xi32, #tpu.memory_space<vmem>>, vector<1x1x512xi32>
    %swap3A_387 = vector.shape_cast %swap3A_386 : vector<1x1x512xi32> to vector<1x512xi32>
    %swap3A_388 = vector.shape_cast %broadcast_in_dim3A_382 : vector<1x512xi32> to vector<1x1x512xi32>
    tpu.vector_store %arg4[%swap3A_383, %swap3A_384, %swap3A_385], %swap3A_388 {strides = array<i32>} : memref<1x16x512xi32, #tpu.memory_space<vmem>>, vector<1x1x512xi32>,
    return
  }
  func.func @transform_0(%arg0: i32, %arg1: i32) -> (i32, i32, i32) {
    %c0_i32 = arith.constant 0 : i32
    %c0_i32_0 = arith.constant 0 : i32
    %c0_i32_1 = arith.constant 0 : i32
    return %arg0, %c0_i32, %c0_i32_0 : i32, i32, i32
  }
  func.func @transform_1(%arg0: i32, %arg1: i32) -> (i32, i32, i32) {
    %c0_i32 = arith.constant 0 : i32
    %c0_i32_0 = arith.constant 0 : i32
    return %arg0, %c0_i32, %arg1 : i32, i32, i32
  }
  func.func @transform_2(%arg0: i32, %arg1: i32) -> (i32, i32, i32) {
    %c0_i32 = arith.constant 0 : i32
    %c0_i32_0 = arith.constant 0 : i32
    return %arg0, %c0_i32, %arg1 : i32, i32, i32
  }
}

module attributes {stable_mosaic.version = 14 : i64} {
  func.func @_fuse_body(%arg0: memref<256x256xf32, #tpu.memory_space<vmem>>, %arg1: memref<1x256xf32, #tpu.memory_space<vmem>>, %arg2: memref<256x256xf32, #tpu.memory_space<vmem>>, %arg3: memref<256x256xf32, #tpu.memory_space<vmem>>, %arg4: memref<256x256xf32, #tpu.memory_space<vmem>>, %arg5: memref<256x256xf32, #tpu.memory_space<vmem>>, %arg6: memref<1x256xf32, #tpu.memory_space<vmem>>, %arg7: memref<256x256xf32, #tpu.memory_space<vmem>>, %arg8: memref<256x256xf32, #tpu.memory_space<vmem>>, %arg9: memref<256x256xf32, #tpu.memory_space<vmem>>, %arg10: memref<1x256xf32, #tpu.memory_space<vmem>>, %arg11: memref<256x256xf32, #tpu.memory_space<vmem>>, %arg12: memref<256x256xf32, #tpu.memory_space<vmem>>, %arg13: memref<1x256xf32, #tpu.memory_space<vmem>>, %arg14: memref<256x256xf32, #tpu.memory_space<vmem>>, %arg15: memref<1x256xf32, #tpu.memory_space<vmem>>, %arg16: memref<256x256xf32, #tpu.memory_space<vmem>>, %arg17: memref<1x256xf32, #tpu.memory_space<vmem>>, %arg18: memref<256x256xf32, #tpu.memory_space<vmem>>, %arg19: memref<1x256xf32, #tpu.memory_space<vmem>>, %arg20: memref<256x256xf32, #tpu.memory_space<vmem>>, %arg21: memref<1x256xf32, #tpu.memory_space<vmem>>, %arg22: memref<256x256xf32, #tpu.memory_space<vmem>>, %arg23: memref<1x256xf32, #tpu.memory_space<vmem>>) attributes {dimension_semantics = [], scalar_prefetch = 0 : i64, scratch_operands = 0 : i64, tpu.core_type = #tpu.core_type<tc>} {
    %get3A = arith.constant 0 : index
    %get3A_0 = arith.constant 0 : index
    %get3A_1 = vector.load %arg0[%get3A, %get3A_0] : memref<256x256xf32, #tpu.memory_space<vmem>>, vector<256x256xf32>
    %get3A_2 = arith.constant 0 : index
    %get3A_3 = arith.constant 0 : index
    %get3A_4 = vector.load %arg1[%get3A_2, %get3A_3] : memref<1x256xf32, #tpu.memory_space<vmem>>, vector<1x256xf32>
    %get3A_5 = arith.constant 0 : index
    %get3A_6 = arith.constant 0 : index
    %get3A_7 = vector.load %arg2[%get3A_5, %get3A_6] : memref<256x256xf32, #tpu.memory_space<vmem>>, vector<256x256xf32>
    %dot_general3A = arith.constant dense<0.000000e+00> : vector<256x256xf32>
    %dot_general3A_8 = tpu.matmul %get3A_1, %get3A_7, %dot_general3A {dimension_numbers = #tpu.dot_dimension_numbers<[1], [0], [0], [1], [0, 0, 1, 1], [], []>, transpose_lhs_hint = false} : vector<256x256xf32>, vector<256x256xf32>, vector<256x256xf32> -> vector<256x256xf32>
    %swap3A = arith.constant 0 : index
    %swap3A_9 = arith.constant 0 : index
    %swap3A_10 = vector.load %arg12[%swap3A, %swap3A_9] : memref<256x256xf32, #tpu.memory_space<vmem>>, vector<256x256xf32>
    tpu.vector_store %arg12[%swap3A, %swap3A_9], %dot_general3A_8 {strides = array<i32>} : memref<256x256xf32, #tpu.memory_space<vmem>>, vector<256x256xf32>,
    %get3A_11 = arith.constant 0 : index
    %get3A_12 = arith.constant 0 : index
    %get3A_13 = vector.load %arg2[%get3A_11, %get3A_12] : memref<256x256xf32, #tpu.memory_space<vmem>>, vector<256x256xf32>
    %dot_general3A_14 = arith.constant dense<0.000000e+00> : vector<1x256xf32>
    %dot_general3A_15 = tpu.matmul %get3A_4, %get3A_13, %dot_general3A_14 {dimension_numbers = #tpu.dot_dimension_numbers<[1], [0], [0], [1], [0, 0, 1, 1], [], []>, transpose_lhs_hint = false} : vector<1x256xf32>, vector<256x256xf32>, vector<1x256xf32> -> vector<1x256xf32>
    %swap3A_16 = arith.constant 0 : index
    %swap3A_17 = arith.constant 0 : index
    %swap3A_18 = vector.load %arg13[%swap3A_16, %swap3A_17] : memref<1x256xf32, #tpu.memory_space<vmem>>, vector<1x256xf32>
    tpu.vector_store %arg13[%swap3A_16, %swap3A_17], %dot_general3A_15 {strides = array<i32>} : memref<1x256xf32, #tpu.memory_space<vmem>>, vector<1x256xf32>,
    %get3A_19 = arith.constant 0 : index
    %get3A_20 = arith.constant 0 : index
    %get3A_21 = vector.load %arg3[%get3A_19, %get3A_20] : memref<256x256xf32, #tpu.memory_space<vmem>>, vector<256x256xf32>
    %dot_general3A_22 = arith.constant dense<0.000000e+00> : vector<256x256xf32>
    %dot_general3A_23 = tpu.matmul %get3A_1, %get3A_21, %dot_general3A_22 {dimension_numbers = #tpu.dot_dimension_numbers<[1], [0], [0], [1], [0, 0, 1, 1], [], []>, transpose_lhs_hint = false} : vector<256x256xf32>, vector<256x256xf32>, vector<256x256xf32> -> vector<256x256xf32>
    %swap3A_24 = arith.constant 0 : index
    %swap3A_25 = arith.constant 0 : index
    %swap3A_26 = vector.load %arg14[%swap3A_24, %swap3A_25] : memref<256x256xf32, #tpu.memory_space<vmem>>, vector<256x256xf32>
    tpu.vector_store %arg14[%swap3A_24, %swap3A_25], %dot_general3A_23 {strides = array<i32>} : memref<256x256xf32, #tpu.memory_space<vmem>>, vector<256x256xf32>,
    %get3A_27 = arith.constant 0 : index
    %get3A_28 = arith.constant 0 : index
    %get3A_29 = vector.load %arg3[%get3A_27, %get3A_28] : memref<256x256xf32, #tpu.memory_space<vmem>>, vector<256x256xf32>
    %dot_general3A_30 = arith.constant dense<0.000000e+00> : vector<1x256xf32>
    %dot_general3A_31 = tpu.matmul %get3A_4, %get3A_29, %dot_general3A_30 {dimension_numbers = #tpu.dot_dimension_numbers<[1], [0], [0], [1], [0, 0, 1, 1], [], []>, transpose_lhs_hint = false} : vector<1x256xf32>, vector<256x256xf32>, vector<1x256xf32> -> vector<1x256xf32>
    %swap3A_32 = arith.constant 0 : index
    %swap3A_33 = arith.constant 0 : index
    %swap3A_34 = vector.load %arg15[%swap3A_32, %swap3A_33] : memref<1x256xf32, #tpu.memory_space<vmem>>, vector<1x256xf32>
    tpu.vector_store %arg15[%swap3A_32, %swap3A_33], %dot_general3A_31 {strides = array<i32>} : memref<1x256xf32, #tpu.memory_space<vmem>>, vector<1x256xf32>,
    %get3A_35 = arith.constant 0 : index
    %get3A_36 = arith.constant 0 : index
    %get3A_37 = vector.load %arg4[%get3A_35, %get3A_36] : memref<256x256xf32, #tpu.memory_space<vmem>>, vector<256x256xf32>
    %dot_general3A_38 = arith.constant dense<0.000000e+00> : vector<256x256xf32>
    %dot_general3A_39 = tpu.matmul %get3A_1, %get3A_37, %dot_general3A_38 {dimension_numbers = #tpu.dot_dimension_numbers<[1], [0], [0], [1], [0, 0, 1, 1], [], []>, transpose_lhs_hint = false} : vector<256x256xf32>, vector<256x256xf32>, vector<256x256xf32> -> vector<256x256xf32>
    %swap3A_40 = arith.constant 0 : index
    %swap3A_41 = arith.constant 0 : index
    %swap3A_42 = vector.load %arg16[%swap3A_40, %swap3A_41] : memref<256x256xf32, #tpu.memory_space<vmem>>, vector<256x256xf32>
    tpu.vector_store %arg16[%swap3A_40, %swap3A_41], %dot_general3A_39 {strides = array<i32>} : memref<256x256xf32, #tpu.memory_space<vmem>>, vector<256x256xf32>,
    %get3A_43 = arith.constant 0 : index
    %get3A_44 = arith.constant 0 : index
    %get3A_45 = vector.load %arg4[%get3A_43, %get3A_44] : memref<256x256xf32, #tpu.memory_space<vmem>>, vector<256x256xf32>
    %dot_general3A_46 = arith.constant dense<0.000000e+00> : vector<1x256xf32>
    %dot_general3A_47 = tpu.matmul %get3A_4, %get3A_45, %dot_general3A_46 {dimension_numbers = #tpu.dot_dimension_numbers<[1], [0], [0], [1], [0, 0, 1, 1], [], []>, transpose_lhs_hint = false} : vector<1x256xf32>, vector<256x256xf32>, vector<1x256xf32> -> vector<1x256xf32>
    %swap3A_48 = arith.constant 0 : index
    %swap3A_49 = arith.constant 0 : index
    %swap3A_50 = vector.load %arg17[%swap3A_48, %swap3A_49] : memref<1x256xf32, #tpu.memory_space<vmem>>, vector<1x256xf32>
    tpu.vector_store %arg17[%swap3A_48, %swap3A_49], %dot_general3A_47 {strides = array<i32>} : memref<1x256xf32, #tpu.memory_space<vmem>>, vector<1x256xf32>,
    %get3A_51 = arith.constant 0 : index
    %get3A_52 = arith.constant 0 : index
    %get3A_53 = vector.load %arg5[%get3A_51, %get3A_52] : memref<256x256xf32, #tpu.memory_space<vmem>>, vector<256x256xf32>
    %get3A_54 = arith.constant 0 : index
    %get3A_55 = arith.constant 0 : index
    %get3A_56 = vector.load %arg6[%get3A_54, %get3A_55] : memref<1x256xf32, #tpu.memory_space<vmem>>, vector<1x256xf32>
    %get3A_57 = arith.constant 0 : index
    %get3A_58 = arith.constant 0 : index
    %get3A_59 = vector.load %arg7[%get3A_57, %get3A_58] : memref<256x256xf32, #tpu.memory_space<vmem>>, vector<256x256xf32>
    %dot_general3A_60 = arith.constant dense<0.000000e+00> : vector<256x256xf32>
    %dot_general3A_61 = tpu.matmul %get3A_53, %get3A_59, %dot_general3A_60 {dimension_numbers = #tpu.dot_dimension_numbers<[1], [0], [0], [1], [0, 0, 1, 1], [], []>, transpose_lhs_hint = false} : vector<256x256xf32>, vector<256x256xf32>, vector<256x256xf32> -> vector<256x256xf32>
    %swap3A_62 = arith.constant 0 : index
    %swap3A_63 = arith.constant 0 : index
    %swap3A_64 = vector.load %arg18[%swap3A_62, %swap3A_63] : memref<256x256xf32, #tpu.memory_space<vmem>>, vector<256x256xf32>
    tpu.vector_store %arg18[%swap3A_62, %swap3A_63], %dot_general3A_61 {strides = array<i32>} : memref<256x256xf32, #tpu.memory_space<vmem>>, vector<256x256xf32>,
    %get3A_65 = arith.constant 0 : index
    %get3A_66 = arith.constant 0 : index
    %get3A_67 = vector.load %arg7[%get3A_65, %get3A_66] : memref<256x256xf32, #tpu.memory_space<vmem>>, vector<256x256xf32>
    %dot_general3A_68 = arith.constant dense<0.000000e+00> : vector<1x256xf32>
    %dot_general3A_69 = tpu.matmul %get3A_56, %get3A_67, %dot_general3A_68 {dimension_numbers = #tpu.dot_dimension_numbers<[1], [0], [0], [1], [0, 0, 1, 1], [], []>, transpose_lhs_hint = false} : vector<1x256xf32>, vector<256x256xf32>, vector<1x256xf32> -> vector<1x256xf32>
    %swap3A_70 = arith.constant 0 : index
    %swap3A_71 = arith.constant 0 : index
    %swap3A_72 = vector.load %arg19[%swap3A_70, %swap3A_71] : memref<1x256xf32, #tpu.memory_space<vmem>>, vector<1x256xf32>
    tpu.vector_store %arg19[%swap3A_70, %swap3A_71], %dot_general3A_69 {strides = array<i32>} : memref<1x256xf32, #tpu.memory_space<vmem>>, vector<1x256xf32>,
    %get3A_73 = arith.constant 0 : index
    %get3A_74 = arith.constant 0 : index
    %get3A_75 = vector.load %arg8[%get3A_73, %get3A_74] : memref<256x256xf32, #tpu.memory_space<vmem>>, vector<256x256xf32>
    %dot_general3A_76 = arith.constant dense<0.000000e+00> : vector<256x256xf32>
    %dot_general3A_77 = tpu.matmul %get3A_53, %get3A_75, %dot_general3A_76 {dimension_numbers = #tpu.dot_dimension_numbers<[1], [0], [0], [1], [0, 0, 1, 1], [], []>, transpose_lhs_hint = false} : vector<256x256xf32>, vector<256x256xf32>, vector<256x256xf32> -> vector<256x256xf32>
    %swap3A_78 = arith.constant 0 : index
    %swap3A_79 = arith.constant 0 : index
    %swap3A_80 = vector.load %arg20[%swap3A_78, %swap3A_79] : memref<256x256xf32, #tpu.memory_space<vmem>>, vector<256x256xf32>
    tpu.vector_store %arg20[%swap3A_78, %swap3A_79], %dot_general3A_77 {strides = array<i32>} : memref<256x256xf32, #tpu.memory_space<vmem>>, vector<256x256xf32>,
    %get3A_81 = arith.constant 0 : index
    %get3A_82 = arith.constant 0 : index
    %get3A_83 = vector.load %arg8[%get3A_81, %get3A_82] : memref<256x256xf32, #tpu.memory_space<vmem>>, vector<256x256xf32>
    %dot_general3A_84 = arith.constant dense<0.000000e+00> : vector<1x256xf32>
    %dot_general3A_85 = tpu.matmul %get3A_56, %get3A_83, %dot_general3A_84 {dimension_numbers = #tpu.dot_dimension_numbers<[1], [0], [0], [1], [0, 0, 1, 1], [], []>, transpose_lhs_hint = false} : vector<1x256xf32>, vector<256x256xf32>, vector<1x256xf32> -> vector<1x256xf32>
    %swap3A_86 = arith.constant 0 : index
    %swap3A_87 = arith.constant 0 : index
    %swap3A_88 = vector.load %arg21[%swap3A_86, %swap3A_87] : memref<1x256xf32, #tpu.memory_space<vmem>>, vector<1x256xf32>
    tpu.vector_store %arg21[%swap3A_86, %swap3A_87], %dot_general3A_85 {strides = array<i32>} : memref<1x256xf32, #tpu.memory_space<vmem>>, vector<1x256xf32>,
    %get3A_89 = arith.constant 0 : index
    %get3A_90 = arith.constant 0 : index
    %get3A_91 = vector.load %arg9[%get3A_89, %get3A_90] : memref<256x256xf32, #tpu.memory_space<vmem>>, vector<256x256xf32>
    %get3A_92 = arith.constant 0 : index
    %get3A_93 = arith.constant 0 : index
    %get3A_94 = vector.load %arg11[%get3A_92, %get3A_93] : memref<256x256xf32, #tpu.memory_space<vmem>>, vector<256x256xf32>
    %dot_general3A_95 = arith.constant dense<0.000000e+00> : vector<256x256xf32>
    %dot_general3A_96 = tpu.matmul %get3A_91, %get3A_94, %dot_general3A_95 {dimension_numbers = #tpu.dot_dimension_numbers<[1], [0], [0], [1], [0, 0, 1, 1], [], []>, transpose_lhs_hint = false} : vector<256x256xf32>, vector<256x256xf32>, vector<256x256xf32> -> vector<256x256xf32>
    %swap3A_97 = arith.constant 0 : index
    %swap3A_98 = arith.constant 0 : index
    %swap3A_99 = vector.load %arg22[%swap3A_97, %swap3A_98] : memref<256x256xf32, #tpu.memory_space<vmem>>, vector<256x256xf32>
    tpu.vector_store %arg22[%swap3A_97, %swap3A_98], %dot_general3A_96 {strides = array<i32>} : memref<256x256xf32, #tpu.memory_space<vmem>>, vector<256x256xf32>,
    %get3A_100 = arith.constant 0 : index
    %get3A_101 = arith.constant 0 : index
    %get3A_102 = vector.load %arg10[%get3A_100, %get3A_101] : memref<1x256xf32, #tpu.memory_space<vmem>>, vector<1x256xf32>
    %get3A_103 = arith.constant 0 : index
    %get3A_104 = arith.constant 0 : index
    %get3A_105 = vector.load %arg11[%get3A_103, %get3A_104] : memref<256x256xf32, #tpu.memory_space<vmem>>, vector<256x256xf32>
    %dot_general3A_106 = arith.constant dense<0.000000e+00> : vector<1x256xf32>
    %dot_general3A_107 = tpu.matmul %get3A_102, %get3A_105, %dot_general3A_106 {dimension_numbers = #tpu.dot_dimension_numbers<[1], [0], [0], [1], [0, 0, 1, 1], [], []>, transpose_lhs_hint = false} : vector<1x256xf32>, vector<256x256xf32>, vector<1x256xf32> -> vector<1x256xf32>
    %swap3A_108 = arith.constant 0 : index
    %swap3A_109 = arith.constant 0 : index
    %swap3A_110 = vector.load %arg23[%swap3A_108, %swap3A_109] : memref<1x256xf32, #tpu.memory_space<vmem>>, vector<1x256xf32>
    tpu.vector_store %arg23[%swap3A_108, %swap3A_109], %dot_general3A_107 {strides = array<i32>} : memref<1x256xf32, #tpu.memory_space<vmem>>, vector<1x256xf32>,
    return
  }
}

module attributes {stable_mosaic.version = 14 : i64} {
  func.func @_table_body(%arg0: i32, %arg1: i32, %arg2: memref<1x512x256xf32, #tpu.memory_space<vmem>>, %arg3: memref<1x512x3xf32, #tpu.memory_space<vmem>>, %arg4: memref<256x256xf32, #tpu.memory_space<vmem>>, %arg5: memref<1x256xf32, #tpu.memory_space<vmem>>, %arg6: memref<256x256xf32, #tpu.memory_space<vmem>>, %arg7: memref<1x256xf32, #tpu.memory_space<vmem>>, %arg8: memref<512x384xi32, #tpu.memory_space<vmem>>) attributes {dimension_semantics = [#tpu.dimension_semantics<arbitrary>, #tpu.dimension_semantics<arbitrary>], iteration_bounds = array<i64: 8, 1>, scalar_prefetch = 0 : i64, scratch_operands = 0 : i64, tpu.core_type = #tpu.core_type<tc>, window_params = [{transform_indices = @transform_0, window_bounds = array<i64: 1, 512, 256>}, {transform_indices = @transform_1, window_bounds = array<i64: 1, 512, 3>}, {pipeline_mode = #tpu.pipeline_mode<synchronous>, transform_indices = @transform_2, window_bounds = array<i64: 256, 256>}, {pipeline_mode = #tpu.pipeline_mode<synchronous>, transform_indices = @transform_3, window_bounds = array<i64: 1, 256>}, {pipeline_mode = #tpu.pipeline_mode<synchronous>, transform_indices = @transform_4, window_bounds = array<i64: 256, 256>}, {pipeline_mode = #tpu.pipeline_mode<synchronous>, transform_indices = @transform_5, window_bounds = array<i64: 1, 256>}, {transform_indices = @transform_6, window_bounds = array<i64: 512, 384>}]} {
    %get3A = arith.constant 0 : index
    %get3A_0 = arith.constant 0 : index
    %get3A_1 = arith.constant 0 : index
    %get3A_2 = vector.load %arg2[%get3A, %get3A_0, %get3A_1] : memref<1x512x256xf32, #tpu.memory_space<vmem>>, vector<1x512x256xf32>
    %get3A_3 = vector.shape_cast %get3A_2 : vector<1x512x256xf32> to vector<512x256xf32>
    %get3A_4 = arith.constant 0 : index
    %get3A_5 = arith.constant 0 : index
    %get3A_6 = vector.load %arg4[%get3A_4, %get3A_5] : memref<256x256xf32, #tpu.memory_space<vmem>>, vector<256x256xf32>
    %convert_element_type3A = arith.truncf %get3A_6 : vector<256x256xf32> to vector<256x256xbf16>
    %get3A_7 = arith.constant 0 : index
    %get3A_8 = arith.constant 0 : index
    %get3A_9 = vector.load %arg6[%get3A_7, %get3A_8] : memref<256x256xf32, #tpu.memory_space<vmem>>, vector<256x256xf32>
    %convert_element_type3A_10 = arith.truncf %get3A_9 : vector<256x256xf32> to vector<256x256xbf16>
    %convert_element_type3A_11 = arith.truncf %get3A_3 : vector<512x256xf32> to vector<512x256xbf16>
    %dot_general3A = arith.constant dense<0.000000e+00> : vector<512x256xf32>
    %dot_general3A_12 = tpu.matmul %convert_element_type3A_11, %convert_element_type3A, %dot_general3A {dimension_numbers = #tpu.dot_dimension_numbers<[1], [0], [0], [1], [0, 0, 1, 1], [], []>, transpose_lhs_hint = false} : vector<512x256xbf16>, vector<256x256xbf16>, vector<512x256xf32> -> vector<512x256xf32>
    %get3A_13 = arith.constant 0 : index
    %get3A_14 = arith.constant 0 : index
    %get3A_15 = vector.load %arg5[%get3A_13, %get3A_14] : memref<1x256xf32, #tpu.memory_space<vmem>>, vector<1x256xf32>
    %add3A = vector.broadcast %get3A_15 : vector<1x256xf32> to vector<512x256xf32>
    %add3A_16 = arith.addf %dot_general3A_12, %add3A : vector<512x256xf32>
    %convert_element_type3A_17 = arith.truncf %add3A_16 : vector<512x256xf32> to vector<512x256xbf16>
    %convert_element_type3A_18 = arith.extf %convert_element_type3A_17 : vector<512x256xbf16> to vector<512x256xf32>
    %bitcast_convert_type3A = tpu.bitcast %convert_element_type3A_18 : vector<512x256xf32> -> vector<512x256xi32>
    %convert_element_type3A_19 = arith.truncf %get3A_3 : vector<512x256xf32> to vector<512x256xbf16>
    %dot_general3A_20 = arith.constant dense<0.000000e+00> : vector<512x256xf32>
    %dot_general3A_21 = tpu.matmul %convert_element_type3A_19, %convert_element_type3A_10, %dot_general3A_20 {dimension_numbers = #tpu.dot_dimension_numbers<[1], [0], [0], [1], [0, 0, 1, 1], [], []>, transpose_lhs_hint = false} : vector<512x256xbf16>, vector<256x256xbf16>, vector<512x256xf32> -> vector<512x256xf32>
    %get3A_22 = arith.constant 0 : index
    %get3A_23 = arith.constant 0 : index
    %get3A_24 = vector.load %arg7[%get3A_22, %get3A_23] : memref<1x256xf32, #tpu.memory_space<vmem>>, vector<1x256xf32>
    %add3A_25 = vector.broadcast %get3A_24 : vector<1x256xf32> to vector<512x256xf32>
    %add3A_26 = arith.addf %dot_general3A_21, %add3A_25 : vector<512x256xf32>
    %convert_element_type3A_27 = arith.truncf %add3A_26 : vector<512x256xf32> to vector<512x256xbf16>
    %convert_element_type3A_28 = arith.extf %convert_element_type3A_27 : vector<512x256xbf16> to vector<512x256xf32>
    %bitcast_convert_type3A_29 = tpu.bitcast %convert_element_type3A_28 : vector<512x256xf32> -> vector<512x256xi32>
    %shift_right_logical3A = arith.constant 16 : i32
    %shift_right_logical3A_30 = vector.broadcast %shift_right_logical3A : i32 to vector<512x256xi32>
    %shift_right_logical3A_31 = arith.shrui %bitcast_convert_type3A_29, %shift_right_logical3A_30 : vector<512x256xi32>
    %or3A = arith.ori %bitcast_convert_type3A, %shift_right_logical3A_31 : vector<512x256xi32>
    %swap3A = arith.constant 0 : index
    %swap3A_32 = arith.constant 0 : index
    %swap3A_33 = vector.load %arg8[%swap3A, %swap3A_32] : memref<512x384xi32, #tpu.memory_space<vmem>>, vector<512x256xi32>
    tpu.vector_store %arg8[%swap3A, %swap3A_32], %or3A {strides = array<i32>} : memref<512x384xi32, #tpu.memory_space<vmem>>, vector<512x256xi32>,
    %get3A_34 = arith.constant 0 : index
    %get3A_35 = arith.constant 0 : index
    %get3A_36 = arith.constant 0 : index
    %get3A_37 = vector.load %arg3[%get3A_34, %get3A_35, %get3A_36] : memref<1x512x3xf32, #tpu.memory_space<vmem>>, vector<1x512x3xf32>
    %get3A_38 = vector.shape_cast %get3A_37 : vector<1x512x3xf32> to vector<512x3xf32>
    %bitcast_convert_type3A_39 = tpu.bitcast %get3A_38 : vector<512x3xf32> -> vector<512x3xi32>
    %swap3A_40 = arith.constant 0 : index
    %swap3A_41 = arith.constant 256 : index
    %swap3A_42 = vector.load %arg8[%swap3A_40, %swap3A_41] : memref<512x384xi32, #tpu.memory_space<vmem>>, vector<512x3xi32>
    tpu.vector_store %arg8[%swap3A_40, %swap3A_41], %bitcast_convert_type3A_39 {strides = array<i32>} : memref<512x384xi32, #tpu.memory_space<vmem>>, vector<512x3xi32>,
    return
  }
  func.func @transform_0(%arg0: i32, %arg1: i32) -> (i32, i32, i32) {
    %c0_i32 = arith.constant 0 : i32
    %c0_i32_0 = arith.constant 0 : i32
    return %arg0, %arg1, %c0_i32 : i32, i32, i32
  }
  func.func @transform_1(%arg0: i32, %arg1: i32) -> (i32, i32, i32) {
    %c0_i32 = arith.constant 0 : i32
    %c0_i32_0 = arith.constant 0 : i32
    return %arg0, %arg1, %c0_i32 : i32, i32, i32
  }
  func.func @transform_2(%arg0: i32, %arg1: i32) -> (i32, i32) {
    %c0_i32 = arith.constant 0 : i32
    %c0_i32_0 = arith.constant 0 : i32
    %c0_i32_1 = arith.constant 0 : i32
    return %c0_i32, %c0_i32_0 : i32, i32
  }
  func.func @transform_3(%arg0: i32, %arg1: i32) -> (i32, i32) {
    %c0_i32 = arith.constant 0 : i32
    %c0_i32_0 = arith.constant 0 : i32
    %c0_i32_1 = arith.constant 0 : i32
    return %c0_i32, %c0_i32_0 : i32, i32
  }
  func.func @transform_4(%arg0: i32, %arg1: i32) -> (i32, i32) {
    %c0_i32 = arith.constant 0 : i32
    %c0_i32_0 = arith.constant 0 : i32
    %c0_i32_1 = arith.constant 0 : i32
    return %c0_i32, %c0_i32_0 : i32, i32
  }
  func.func @transform_5(%arg0: i32, %arg1: i32) -> (i32, i32) {
    %c0_i32 = arith.constant 0 : i32
    %c0_i32_0 = arith.constant 0 : i32
    %c0_i32_1 = arith.constant 0 : i32
    return %c0_i32, %c0_i32_0 : i32, i32
  }
  func.func @transform_6(%arg0: i32, %arg1: i32) -> (i32, i32) {
    %mul3A = arith.constant 1 : i32
    %mul3A_0 = arith.muli %arg0, %mul3A : i32
    %add3A = arith.addi %mul3A_0, %arg1 : i32
    %c0_i32 = arith.constant 0 : i32
    %c0_i32_1 = arith.constant 0 : i32
    return %add3A, %c0_i32 : i32, i32
  }
}

module attributes {stable_mosaic.version = 14 : i64} {
  func.func @_knn_body(%arg0: i32, %arg1: i32, %arg2: memref<1x4096x3xf32, #tpu.memory_space<vmem>>, %arg3: memref<1x3x128xf32, #tpu.memory_space<vmem>>, %arg4: memref<1x16x128xi32, #tpu.memory_space<vmem>>) attributes {dimension_semantics = [#tpu.dimension_semantics<arbitrary>, #tpu.dimension_semantics<arbitrary>], iteration_bounds = array<i64: 8, 4>, scalar_prefetch = 0 : i64, scratch_operands = 0 : i64, tpu.core_type = #tpu.core_type<tc>, window_params = [{transform_indices = @transform_0, window_bounds = array<i64: 1, 4096, 3>}, {transform_indices = @transform_1, window_bounds = array<i64: 1, 3, 128>}, {transform_indices = @transform_2, window_bounds = array<i64: 1, 16, 128>}]} {
    %get3A = arith.constant 0 : index
    %get3A_0 = arith.constant 0 : index
    %get3A_1 = arith.constant 0 : index
    %get3A_2 = vector.load %arg2[%get3A, %get3A_0, %get3A_1] : memref<1x4096x3xf32, #tpu.memory_space<vmem>>, vector<1x4096x3xf32>
    %get3A_3 = vector.shape_cast %get3A_2 : vector<1x4096x3xf32> to vector<4096x3xf32>
    %get3A_4 = arith.constant 0 : index
    %get3A_5 = arith.constant 0 : index
    %get3A_6 = arith.constant 0 : index
    %get3A_7 = vector.load %arg3[%get3A_4, %get3A_5, %get3A_6] : memref<1x3x128xf32, #tpu.memory_space<vmem>>, vector<1x3x128xf32>
    %get3A_8 = vector.shape_cast %get3A_7 : vector<1x3x128xf32> to vector<3x128xf32>
    %dot_general3A = arith.constant dense<0.000000e+00> : vector<4096x128xf32>
    %dot_general3A_9 = tpu.matmul %get3A_3, %get3A_8, %dot_general3A {dimension_numbers = #tpu.dot_dimension_numbers<[1], [0], [0], [1], [0, 0, 1, 1], [], []>, transpose_lhs_hint = false} : vector<4096x3xf32>, vector<3x128xf32>, vector<4096x128xf32> -> vector<4096x128xf32>
    %mul3A = arith.mulf %get3A_3, %get3A_3 : vector<4096x3xf32>
    %reduce_sum3A = arith.constant dense<0.000000e+00> : vector<4096xf32>
    %reduce_sum3A_10 = vector.multi_reduction <add>, %mul3A, %reduce_sum3A [1] : vector<4096x3xf32> to vector<4096xf32>
    %broadcast_in_dim3A = vector.shape_cast %reduce_sum3A_10 : vector<4096xf32> to vector<4096x1xf32>
    %mul3A_11 = arith.mulf %get3A_8, %get3A_8 : vector<3x128xf32>
    %reduce_sum3A_12 = arith.constant dense<0.000000e+00> : vector<128xf32>
    %reduce_sum3A_13 = vector.multi_reduction <add>, %mul3A_11, %reduce_sum3A_12 [0] : vector<3x128xf32> to vector<128xf32>
    %broadcast_in_dim3A_14 = vector.shape_cast %reduce_sum3A_13 : vector<128xf32> to vector<1x128xf32>
    %add3A = arith.addf %dot_general3A_9, %dot_general3A_9 : vector<4096x128xf32>
    %sub3A = vector.broadcast %broadcast_in_dim3A : vector<4096x1xf32> to vector<4096x128xf32>
    %sub3A_15 = arith.subf %sub3A, %add3A : vector<4096x128xf32>
    %add3A_16 = vector.broadcast %broadcast_in_dim3A_14 : vector<1x128xf32> to vector<4096x128xf32>
    %add3A_17 = arith.addf %sub3A_15, %add3A_16 : vector<4096x128xf32>
    %max3A = arith.constant 0.000000e+00 : f32
    %max3A_18 = vector.broadcast %max3A : f32 to vector<4096x128xf32>
    %max3A_19 = arith.maximumf %add3A_17, %max3A_18 : vector<4096x128xf32>
    %iota3A = tpu.iota {dimensions = array<i32: 0>} : vector<4096x128xi32>
    %bitcast_convert_type3A = tpu.bitcast %max3A_19 : vector<4096x128xf32> -> vector<4096x128xi32>
    %and3A = arith.constant -4096 : i32
    %and3A_20 = vector.broadcast %and3A : i32 to vector<4096x128xi32>
    %and3A_21 = arith.andi %bitcast_convert_type3A, %and3A_20 : vector<4096x128xi32>
    %or3A = arith.ori %and3A_21, %iota3A : vector<4096x128xi32>
    %reshape3A = vector.shape_cast %or3A : vector<4096x128xi32> to vector<64x64x128xi32>
    %broadcast_in_dim3A_22 = arith.constant -2147483648 : i32
    %broadcast_in_dim3A_23 = vector.broadcast %broadcast_in_dim3A_22 : i32 to vector<64x1x128xi32>
    %gt3A = vector.broadcast %broadcast_in_dim3A_23 : vector<64x1x128xi32> to vector<64x64x128xi32>
    %gt3A_24 = arith.cmpi sgt, %reshape3A, %gt3A : vector<64x64x128xi32>
    %jit3A = arith.constant 2147483647 : i32
    %broadcast_in_dim3A_25 = vector.broadcast %jit3A : i32 to vector<64x64x128xi32>
    %select_n3A = arith.select %gt3A_24, %reshape3A, %broadcast_in_dim3A_25 : vector<64x64x128xi1>, vector<64x64x128xi32>
    %reduce_min3A = arith.constant dense<2147483647> : vector<64x128xi32>
    %reduce_min3A_26 = vector.multi_reduction <minsi>, %select_n3A, %reduce_min3A [1] : vector<64x64x128xi32> to vector<64x128xi32>
    %broadcast_in_dim3A_27 = vector.shape_cast %reduce_min3A_26 : vector<64x128xi32> to vector<64x1x128xi32>
    %gt3A_28 = vector.broadcast %broadcast_in_dim3A_27 : vector<64x1x128xi32> to vector<64x64x128xi32>
    %gt3A_29 = arith.cmpi sgt, %reshape3A, %gt3A_28 : vector<64x64x128xi32>
    %jit3A_30 = arith.constant 2147483647 : i32
    %broadcast_in_dim3A_31 = vector.broadcast %jit3A_30 : i32 to vector<64x64x128xi32>
    %select_n3A_32 = arith.select %gt3A_29, %reshape3A, %broadcast_in_dim3A_31 : vector<64x64x128xi1>, vector<64x64x128xi32>
    %reduce_min3A_33 = arith.constant dense<2147483647> : vector<64x128xi32>
    %reduce_min3A_34 = vector.multi_reduction <minsi>, %select_n3A_32, %reduce_min3A_33 [1] : vector<64x64x128xi32> to vector<64x128xi32>
    %broadcast_in_dim3A_35 = vector.shape_cast %reduce_min3A_34 : vector<64x128xi32> to vector<64x1x128xi32>
    %gt3A_36 = vector.broadcast %broadcast_in_dim3A_35 : vector<64x1x128xi32> to vector<64x64x128xi32>
    %gt3A_37 = arith.cmpi sgt, %reshape3A, %gt3A_36 : vector<64x64x128xi32>
    %jit3A_38 = arith.constant 2147483647 : i32
    %broadcast_in_dim3A_39 = vector.broadcast %jit3A_38 : i32 to vector<64x64x128xi32>
    %select_n3A_40 = arith.select %gt3A_37, %reshape3A, %broadcast_in_dim3A_39 : vector<64x64x128xi1>, vector<64x64x128xi32>
    %reduce_min3A_41 = arith.constant dense<2147483647> : vector<64x128xi32>
    %reduce_min3A_42 = vector.multi_reduction <minsi>, %select_n3A_40, %reduce_min3A_41 [1] : vector<64x64x128xi32> to vector<64x128xi32>
    %broadcast_in_dim3A_43 = vector.shape_cast %reduce_min3A_42 : vector<64x128xi32> to vector<64x1x128xi32>
    %gt3A_44 = vector.broadcast %broadcast_in_dim3A_43 : vector<64x1x128xi32> to vector<64x64x128xi32>
    %gt3A_45 = arith.cmpi sgt, %reshape3A, %gt3A_44 : vector<64x64x128xi32>
    %jit3A_46 = arith.constant 2147483647 : i32
    %broadcast_in_dim3A_47 = vector.broadcast %jit3A_46 : i32 to vector<64x64x128xi32>
    %select_n3A_48 = arith.select %gt3A_45, %reshape3A, %broadcast_in_dim3A_47 : vector<64x64x128xi1>, vector<64x64x128xi32>
    %reduce_min3A_49 = arith.constant dense<2147483647> : vector<64x128xi32>
    %reduce_min3A_50 = vector.multi_reduction <minsi>, %select_n3A_48, %reduce_min3A_49 [1] : vector<64x64x128xi32> to vector<64x128xi32>
    %concatenate3A = tpu.concatenate %reduce_min3A_26, %reduce_min3A_34, %reduce_min3A_42, %reduce_min3A_50 in 0 : vector<64x128xi32>, vector<64x128xi32>, vector<64x128xi32>, vector<64x128xi32> -> vector<256x128xi32>
    %mul3A_51 = arith.constant 4096 : i32
    %mul3A_52 = arith.muli %arg0, %mul3A_51 : i32
    %broadcast_in_dim3A_53 = arith.constant -2147483648 : i32
    %broadcast_in_dim3A_54 = vector.broadcast %broadcast_in_dim3A_53 : i32 to vector<1x128xi32>
    %gt3A_55 = vector.broadcast %broadcast_in_dim3A_54 : vector<1x128xi32> to vector<256x128xi32>
    %gt3A_56 = arith.cmpi sgt, %concatenate3A, %gt3A_55 : vector<256x128xi32>
    %jit3A_57 = arith.constant 2147483647 : i32
    %broadcast_in_dim3A_58 = vector.broadcast %jit3A_57 : i32 to vector<256x128xi32>
    %select_n3A_59 = arith.select %gt3A_56, %concatenate3A, %broadcast_in_dim3A_58 : vector<256x128xi1>, vector<256x128xi32>
    %reduce_min3A_60 = arith.constant dense<2147483647> : vector<128xi32>
    %reduce_min3A_61 = vector.multi_reduction <minsi>, %select_n3A_59, %reduce_min3A_60 [0] : vector<256x128xi32> to vector<128xi32>
    %and3A_62 = arith.constant 4095 : i32
    %and3A_63 = vector.broadcast %and3A_62 : i32 to vector<128xi32>
    %and3A_64 = arith.andi %reduce_min3A_61, %and3A_63 : vector<128xi32>
    %add3A_65 = vector.broadcast %mul3A_52 : i32 to vector<128xi32>
    %add3A_66 = arith.addi %and3A_64, %add3A_65 : vector<128xi32>
    %broadcast_in_dim3A_67 = vector.shape_cast %add3A_66 : vector<128xi32> to vector<1x128xi32>
    %swap3A = arith.constant 0 : index
    %swap3A_68 = arith.constant 0 : index
    %swap3A_69 = arith.constant 0 : index
    %swap3A_70 = vector.load %arg4[%swap3A, %swap3A_68, %swap3A_69] : memref<1x16x128xi32, #tpu.memory_space<vmem>>, vector<1x1x128xi32>
    %swap3A_71 = vector.shape_cast %swap3A_70 : vector<1x1x128xi32> to vector<1x128xi32>
    %swap3A_72 = vector.shape_cast %broadcast_in_dim3A_67 : vector<1x128xi32> to vector<1x1x128xi32>
    tpu.vector_store %arg4[%swap3A, %swap3A_68, %swap3A_69], %swap3A_72 {strides = array<i32>} : memref<1x16x128xi32, #tpu.memory_space<vmem>>, vector<1x1x128xi32>,
    %broadcast_in_dim3A_73 = vector.shape_cast %reduce_min3A_61 : vector<128xi32> to vector<1x128xi32>
    %gt3A_74 = vector.broadcast %broadcast_in_dim3A_73 : vector<1x128xi32> to vector<256x128xi32>
    %gt3A_75 = arith.cmpi sgt, %concatenate3A, %gt3A_74 : vector<256x128xi32>
    %jit3A_76 = arith.constant 2147483647 : i32
    %broadcast_in_dim3A_77 = vector.broadcast %jit3A_76 : i32 to vector<256x128xi32>
    %select_n3A_78 = arith.select %gt3A_75, %concatenate3A, %broadcast_in_dim3A_77 : vector<256x128xi1>, vector<256x128xi32>
    %reduce_min3A_79 = arith.constant dense<2147483647> : vector<128xi32>
    %reduce_min3A_80 = vector.multi_reduction <minsi>, %select_n3A_78, %reduce_min3A_79 [0] : vector<256x128xi32> to vector<128xi32>
    %and3A_81 = arith.constant 4095 : i32
    %and3A_82 = vector.broadcast %and3A_81 : i32 to vector<128xi32>
    %and3A_83 = arith.andi %reduce_min3A_80, %and3A_82 : vector<128xi32>
    %add3A_84 = vector.broadcast %mul3A_52 : i32 to vector<128xi32>
    %add3A_85 = arith.addi %and3A_83, %add3A_84 : vector<128xi32>
    %broadcast_in_dim3A_86 = vector.shape_cast %add3A_85 : vector<128xi32> to vector<1x128xi32>
    %swap3A_87 = arith.constant 0 : index
    %swap3A_88 = arith.constant 1 : index
    %swap3A_89 = arith.constant 0 : index
    %swap3A_90 = vector.load %arg4[%swap3A_87, %swap3A_88, %swap3A_89] : memref<1x16x128xi32, #tpu.memory_space<vmem>>, vector<1x1x128xi32>
    %swap3A_91 = vector.shape_cast %swap3A_90 : vector<1x1x128xi32> to vector<1x128xi32>
    %swap3A_92 = vector.shape_cast %broadcast_in_dim3A_86 : vector<1x128xi32> to vector<1x1x128xi32>
    tpu.vector_store %arg4[%swap3A_87, %swap3A_88, %swap3A_89], %swap3A_92 {strides = array<i32>} : memref<1x16x128xi32, #tpu.memory_space<vmem>>, vector<1x1x128xi32>,
    %broadcast_in_dim3A_93 = vector.shape_cast %reduce_min3A_80 : vector<128xi32> to vector<1x128xi32>
    %gt3A_94 = vector.broadcast %broadcast_in_dim3A_93 : vector<1x128xi32> to vector<256x128xi32>
    %gt3A_95 = arith.cmpi sgt, %concatenate3A, %gt3A_94 : vector<256x128xi32>
    %jit3A_96 = arith.constant 2147483647 : i32
    %broadcast_in_dim3A_97 = vector.broadcast %jit3A_96 : i32 to vector<256x128xi32>
    %select_n3A_98 = arith.select %gt3A_95, %concatenate3A, %broadcast_in_dim3A_97 : vector<256x128xi1>, vector<256x128xi32>
    %reduce_min3A_99 = arith.constant dense<2147483647> : vector<128xi32>
    %reduce_min3A_100 = vector.multi_reduction <minsi>, %select_n3A_98, %reduce_min3A_99 [0] : vector<256x128xi32> to vector<128xi32>
    %and3A_101 = arith.constant 4095 : i32
    %and3A_102 = vector.broadcast %and3A_101 : i32 to vector<128xi32>
    %and3A_103 = arith.andi %reduce_min3A_100, %and3A_102 : vector<128xi32>
    %add3A_104 = vector.broadcast %mul3A_52 : i32 to vector<128xi32>
    %add3A_105 = arith.addi %and3A_103, %add3A_104 : vector<128xi32>
    %broadcast_in_dim3A_106 = vector.shape_cast %add3A_105 : vector<128xi32> to vector<1x128xi32>
    %swap3A_107 = arith.constant 0 : index
    %swap3A_108 = arith.constant 2 : index
    %swap3A_109 = arith.constant 0 : index
    %swap3A_110 = vector.load %arg4[%swap3A_107, %swap3A_108, %swap3A_109] : memref<1x16x128xi32, #tpu.memory_space<vmem>>, vector<1x1x128xi32>
    %swap3A_111 = vector.shape_cast %swap3A_110 : vector<1x1x128xi32> to vector<1x128xi32>
    %swap3A_112 = vector.shape_cast %broadcast_in_dim3A_106 : vector<1x128xi32> to vector<1x1x128xi32>
    tpu.vector_store %arg4[%swap3A_107, %swap3A_108, %swap3A_109], %swap3A_112 {strides = array<i32>} : memref<1x16x128xi32, #tpu.memory_space<vmem>>, vector<1x1x128xi32>,
    %broadcast_in_dim3A_113 = vector.shape_cast %reduce_min3A_100 : vector<128xi32> to vector<1x128xi32>
    %gt3A_114 = vector.broadcast %broadcast_in_dim3A_113 : vector<1x128xi32> to vector<256x128xi32>
    %gt3A_115 = arith.cmpi sgt, %concatenate3A, %gt3A_114 : vector<256x128xi32>
    %jit3A_116 = arith.constant 2147483647 : i32
    %broadcast_in_dim3A_117 = vector.broadcast %jit3A_116 : i32 to vector<256x128xi32>
    %select_n3A_118 = arith.select %gt3A_115, %concatenate3A, %broadcast_in_dim3A_117 : vector<256x128xi1>, vector<256x128xi32>
    %reduce_min3A_119 = arith.constant dense<2147483647> : vector<128xi32>
    %reduce_min3A_120 = vector.multi_reduction <minsi>, %select_n3A_118, %reduce_min3A_119 [0] : vector<256x128xi32> to vector<128xi32>
    %and3A_121 = arith.constant 4095 : i32
    %and3A_122 = vector.broadcast %and3A_121 : i32 to vector<128xi32>
    %and3A_123 = arith.andi %reduce_min3A_120, %and3A_122 : vector<128xi32>
    %add3A_124 = vector.broadcast %mul3A_52 : i32 to vector<128xi32>
    %add3A_125 = arith.addi %and3A_123, %add3A_124 : vector<128xi32>
    %broadcast_in_dim3A_126 = vector.shape_cast %add3A_125 : vector<128xi32> to vector<1x128xi32>
    %swap3A_127 = arith.constant 0 : index
    %swap3A_128 = arith.constant 3 : index
    %swap3A_129 = arith.constant 0 : index
    %swap3A_130 = vector.load %arg4[%swap3A_127, %swap3A_128, %swap3A_129] : memref<1x16x128xi32, #tpu.memory_space<vmem>>, vector<1x1x128xi32>
    %swap3A_131 = vector.shape_cast %swap3A_130 : vector<1x1x128xi32> to vector<1x128xi32>
    %swap3A_132 = vector.shape_cast %broadcast_in_dim3A_126 : vector<1x128xi32> to vector<1x1x128xi32>
    tpu.vector_store %arg4[%swap3A_127, %swap3A_128, %swap3A_129], %swap3A_132 {strides = array<i32>} : memref<1x16x128xi32, #tpu.memory_space<vmem>>, vector<1x1x128xi32>,
    %broadcast_in_dim3A_133 = vector.shape_cast %reduce_min3A_120 : vector<128xi32> to vector<1x128xi32>
    %gt3A_134 = vector.broadcast %broadcast_in_dim3A_133 : vector<1x128xi32> to vector<256x128xi32>
    %gt3A_135 = arith.cmpi sgt, %concatenate3A, %gt3A_134 : vector<256x128xi32>
    %jit3A_136 = arith.constant 2147483647 : i32
    %broadcast_in_dim3A_137 = vector.broadcast %jit3A_136 : i32 to vector<256x128xi32>
    %select_n3A_138 = arith.select %gt3A_135, %concatenate3A, %broadcast_in_dim3A_137 : vector<256x128xi1>, vector<256x128xi32>
    %reduce_min3A_139 = arith.constant dense<2147483647> : vector<128xi32>
    %reduce_min3A_140 = vector.multi_reduction <minsi>, %select_n3A_138, %reduce_min3A_139 [0] : vector<256x128xi32> to vector<128xi32>
    %and3A_141 = arith.constant 4095 : i32
    %and3A_142 = vector.broadcast %and3A_141 : i32 to vector<128xi32>
    %and3A_143 = arith.andi %reduce_min3A_140, %and3A_142 : vector<128xi32>
    %add3A_144 = vector.broadcast %mul3A_52 : i32 to vector<128xi32>
    %add3A_145 = arith.addi %and3A_143, %add3A_144 : vector<128xi32>
    %broadcast_in_dim3A_146 = vector.shape_cast %add3A_145 : vector<128xi32> to vector<1x128xi32>
    %swap3A_147 = arith.constant 0 : index
    %swap3A_148 = arith.constant 4 : index
    %swap3A_149 = arith.constant 0 : index
    %swap3A_150 = vector.load %arg4[%swap3A_147, %swap3A_148, %swap3A_149] : memref<1x16x128xi32, #tpu.memory_space<vmem>>, vector<1x1x128xi32>
    %swap3A_151 = vector.shape_cast %swap3A_150 : vector<1x1x128xi32> to vector<1x128xi32>
    %swap3A_152 = vector.shape_cast %broadcast_in_dim3A_146 : vector<1x128xi32> to vector<1x1x128xi32>
    tpu.vector_store %arg4[%swap3A_147, %swap3A_148, %swap3A_149], %swap3A_152 {strides = array<i32>} : memref<1x16x128xi32, #tpu.memory_space<vmem>>, vector<1x1x128xi32>,
    %broadcast_in_dim3A_153 = vector.shape_cast %reduce_min3A_140 : vector<128xi32> to vector<1x128xi32>
    %gt3A_154 = vector.broadcast %broadcast_in_dim3A_153 : vector<1x128xi32> to vector<256x128xi32>
    %gt3A_155 = arith.cmpi sgt, %concatenate3A, %gt3A_154 : vector<256x128xi32>
    %jit3A_156 = arith.constant 2147483647 : i32
    %broadcast_in_dim3A_157 = vector.broadcast %jit3A_156 : i32 to vector<256x128xi32>
    %select_n3A_158 = arith.select %gt3A_155, %concatenate3A, %broadcast_in_dim3A_157 : vector<256x128xi1>, vector<256x128xi32>
    %reduce_min3A_159 = arith.constant dense<2147483647> : vector<128xi32>
    %reduce_min3A_160 = vector.multi_reduction <minsi>, %select_n3A_158, %reduce_min3A_159 [0] : vector<256x128xi32> to vector<128xi32>
    %and3A_161 = arith.constant 4095 : i32
    %and3A_162 = vector.broadcast %and3A_161 : i32 to vector<128xi32>
    %and3A_163 = arith.andi %reduce_min3A_160, %and3A_162 : vector<128xi32>
    %add3A_164 = vector.broadcast %mul3A_52 : i32 to vector<128xi32>
    %add3A_165 = arith.addi %and3A_163, %add3A_164 : vector<128xi32>
    %broadcast_in_dim3A_166 = vector.shape_cast %add3A_165 : vector<128xi32> to vector<1x128xi32>
    %swap3A_167 = arith.constant 0 : index
    %swap3A_168 = arith.constant 5 : index
    %swap3A_169 = arith.constant 0 : index
    %swap3A_170 = vector.load %arg4[%swap3A_167, %swap3A_168, %swap3A_169] : memref<1x16x128xi32, #tpu.memory_space<vmem>>, vector<1x1x128xi32>
    %swap3A_171 = vector.shape_cast %swap3A_170 : vector<1x1x128xi32> to vector<1x128xi32>
    %swap3A_172 = vector.shape_cast %broadcast_in_dim3A_166 : vector<1x128xi32> to vector<1x1x128xi32>
    tpu.vector_store %arg4[%swap3A_167, %swap3A_168, %swap3A_169], %swap3A_172 {strides = array<i32>} : memref<1x16x128xi32, #tpu.memory_space<vmem>>, vector<1x1x128xi32>,
    %broadcast_in_dim3A_173 = vector.shape_cast %reduce_min3A_160 : vector<128xi32> to vector<1x128xi32>
    %gt3A_174 = vector.broadcast %broadcast_in_dim3A_173 : vector<1x128xi32> to vector<256x128xi32>
    %gt3A_175 = arith.cmpi sgt, %concatenate3A, %gt3A_174 : vector<256x128xi32>
    %jit3A_176 = arith.constant 2147483647 : i32
    %broadcast_in_dim3A_177 = vector.broadcast %jit3A_176 : i32 to vector<256x128xi32>
    %select_n3A_178 = arith.select %gt3A_175, %concatenate3A, %broadcast_in_dim3A_177 : vector<256x128xi1>, vector<256x128xi32>
    %reduce_min3A_179 = arith.constant dense<2147483647> : vector<128xi32>
    %reduce_min3A_180 = vector.multi_reduction <minsi>, %select_n3A_178, %reduce_min3A_179 [0] : vector<256x128xi32> to vector<128xi32>
    %and3A_181 = arith.constant 4095 : i32
    %and3A_182 = vector.broadcast %and3A_181 : i32 to vector<128xi32>
    %and3A_183 = arith.andi %reduce_min3A_180, %and3A_182 : vector<128xi32>
    %add3A_184 = vector.broadcast %mul3A_52 : i32 to vector<128xi32>
    %add3A_185 = arith.addi %and3A_183, %add3A_184 : vector<128xi32>
    %broadcast_in_dim3A_186 = vector.shape_cast %add3A_185 : vector<128xi32> to vector<1x128xi32>
    %swap3A_187 = arith.constant 0 : index
    %swap3A_188 = arith.constant 6 : index
    %swap3A_189 = arith.constant 0 : index
    %swap3A_190 = vector.load %arg4[%swap3A_187, %swap3A_188, %swap3A_189] : memref<1x16x128xi32, #tpu.memory_space<vmem>>, vector<1x1x128xi32>
    %swap3A_191 = vector.shape_cast %swap3A_190 : vector<1x1x128xi32> to vector<1x128xi32>
    %swap3A_192 = vector.shape_cast %broadcast_in_dim3A_186 : vector<1x128xi32> to vector<1x1x128xi32>
    tpu.vector_store %arg4[%swap3A_187, %swap3A_188, %swap3A_189], %swap3A_192 {strides = array<i32>} : memref<1x16x128xi32, #tpu.memory_space<vmem>>, vector<1x1x128xi32>,
    %broadcast_in_dim3A_193 = vector.shape_cast %reduce_min3A_180 : vector<128xi32> to vector<1x128xi32>
    %gt3A_194 = vector.broadcast %broadcast_in_dim3A_193 : vector<1x128xi32> to vector<256x128xi32>
    %gt3A_195 = arith.cmpi sgt, %concatenate3A, %gt3A_194 : vector<256x128xi32>
    %jit3A_196 = arith.constant 2147483647 : i32
    %broadcast_in_dim3A_197 = vector.broadcast %jit3A_196 : i32 to vector<256x128xi32>
    %select_n3A_198 = arith.select %gt3A_195, %concatenate3A, %broadcast_in_dim3A_197 : vector<256x128xi1>, vector<256x128xi32>
    %reduce_min3A_199 = arith.constant dense<2147483647> : vector<128xi32>
    %reduce_min3A_200 = vector.multi_reduction <minsi>, %select_n3A_198, %reduce_min3A_199 [0] : vector<256x128xi32> to vector<128xi32>
    %and3A_201 = arith.constant 4095 : i32
    %and3A_202 = vector.broadcast %and3A_201 : i32 to vector<128xi32>
    %and3A_203 = arith.andi %reduce_min3A_200, %and3A_202 : vector<128xi32>
    %add3A_204 = vector.broadcast %mul3A_52 : i32 to vector<128xi32>
    %add3A_205 = arith.addi %and3A_203, %add3A_204 : vector<128xi32>
    %broadcast_in_dim3A_206 = vector.shape_cast %add3A_205 : vector<128xi32> to vector<1x128xi32>
    %swap3A_207 = arith.constant 0 : index
    %swap3A_208 = arith.constant 7 : index
    %swap3A_209 = arith.constant 0 : index
    %swap3A_210 = vector.load %arg4[%swap3A_207, %swap3A_208, %swap3A_209] : memref<1x16x128xi32, #tpu.memory_space<vmem>>, vector<1x1x128xi32>
    %swap3A_211 = vector.shape_cast %swap3A_210 : vector<1x1x128xi32> to vector<1x128xi32>
    %swap3A_212 = vector.shape_cast %broadcast_in_dim3A_206 : vector<1x128xi32> to vector<1x1x128xi32>
    tpu.vector_store %arg4[%swap3A_207, %swap3A_208, %swap3A_209], %swap3A_212 {strides = array<i32>} : memref<1x16x128xi32, #tpu.memory_space<vmem>>, vector<1x1x128xi32>,
    %broadcast_in_dim3A_213 = vector.shape_cast %reduce_min3A_200 : vector<128xi32> to vector<1x128xi32>
    %gt3A_214 = vector.broadcast %broadcast_in_dim3A_213 : vector<1x128xi32> to vector<256x128xi32>
    %gt3A_215 = arith.cmpi sgt, %concatenate3A, %gt3A_214 : vector<256x128xi32>
    %jit3A_216 = arith.constant 2147483647 : i32
    %broadcast_in_dim3A_217 = vector.broadcast %jit3A_216 : i32 to vector<256x128xi32>
    %select_n3A_218 = arith.select %gt3A_215, %concatenate3A, %broadcast_in_dim3A_217 : vector<256x128xi1>, vector<256x128xi32>
    %reduce_min3A_219 = arith.constant dense<2147483647> : vector<128xi32>
    %reduce_min3A_220 = vector.multi_reduction <minsi>, %select_n3A_218, %reduce_min3A_219 [0] : vector<256x128xi32> to vector<128xi32>
    %and3A_221 = arith.constant 4095 : i32
    %and3A_222 = vector.broadcast %and3A_221 : i32 to vector<128xi32>
    %and3A_223 = arith.andi %reduce_min3A_220, %and3A_222 : vector<128xi32>
    %add3A_224 = vector.broadcast %mul3A_52 : i32 to vector<128xi32>
    %add3A_225 = arith.addi %and3A_223, %add3A_224 : vector<128xi32>
    %broadcast_in_dim3A_226 = vector.shape_cast %add3A_225 : vector<128xi32> to vector<1x128xi32>
    %swap3A_227 = arith.constant 0 : index
    %swap3A_228 = arith.constant 8 : index
    %swap3A_229 = arith.constant 0 : index
    %swap3A_230 = vector.load %arg4[%swap3A_227, %swap3A_228, %swap3A_229] : memref<1x16x128xi32, #tpu.memory_space<vmem>>, vector<1x1x128xi32>
    %swap3A_231 = vector.shape_cast %swap3A_230 : vector<1x1x128xi32> to vector<1x128xi32>
    %swap3A_232 = vector.shape_cast %broadcast_in_dim3A_226 : vector<1x128xi32> to vector<1x1x128xi32>
    tpu.vector_store %arg4[%swap3A_227, %swap3A_228, %swap3A_229], %swap3A_232 {strides = array<i32>} : memref<1x16x128xi32, #tpu.memory_space<vmem>>, vector<1x1x128xi32>,
    %broadcast_in_dim3A_233 = vector.shape_cast %reduce_min3A_220 : vector<128xi32> to vector<1x128xi32>
    %gt3A_234 = vector.broadcast %broadcast_in_dim3A_233 : vector<1x128xi32> to vector<256x128xi32>
    %gt3A_235 = arith.cmpi sgt, %concatenate3A, %gt3A_234 : vector<256x128xi32>
    %jit3A_236 = arith.constant 2147483647 : i32
    %broadcast_in_dim3A_237 = vector.broadcast %jit3A_236 : i32 to vector<256x128xi32>
    %select_n3A_238 = arith.select %gt3A_235, %concatenate3A, %broadcast_in_dim3A_237 : vector<256x128xi1>, vector<256x128xi32>
    %reduce_min3A_239 = arith.constant dense<2147483647> : vector<128xi32>
    %reduce_min3A_240 = vector.multi_reduction <minsi>, %select_n3A_238, %reduce_min3A_239 [0] : vector<256x128xi32> to vector<128xi32>
    %and3A_241 = arith.constant 4095 : i32
    %and3A_242 = vector.broadcast %and3A_241 : i32 to vector<128xi32>
    %and3A_243 = arith.andi %reduce_min3A_240, %and3A_242 : vector<128xi32>
    %add3A_244 = vector.broadcast %mul3A_52 : i32 to vector<128xi32>
    %add3A_245 = arith.addi %and3A_243, %add3A_244 : vector<128xi32>
    %broadcast_in_dim3A_246 = vector.shape_cast %add3A_245 : vector<128xi32> to vector<1x128xi32>
    %swap3A_247 = arith.constant 0 : index
    %swap3A_248 = arith.constant 9 : index
    %swap3A_249 = arith.constant 0 : index
    %swap3A_250 = vector.load %arg4[%swap3A_247, %swap3A_248, %swap3A_249] : memref<1x16x128xi32, #tpu.memory_space<vmem>>, vector<1x1x128xi32>
    %swap3A_251 = vector.shape_cast %swap3A_250 : vector<1x1x128xi32> to vector<1x128xi32>
    %swap3A_252 = vector.shape_cast %broadcast_in_dim3A_246 : vector<1x128xi32> to vector<1x1x128xi32>
    tpu.vector_store %arg4[%swap3A_247, %swap3A_248, %swap3A_249], %swap3A_252 {strides = array<i32>} : memref<1x16x128xi32, #tpu.memory_space<vmem>>, vector<1x1x128xi32>,
    %broadcast_in_dim3A_253 = vector.shape_cast %reduce_min3A_240 : vector<128xi32> to vector<1x128xi32>
    %gt3A_254 = vector.broadcast %broadcast_in_dim3A_253 : vector<1x128xi32> to vector<256x128xi32>
    %gt3A_255 = arith.cmpi sgt, %concatenate3A, %gt3A_254 : vector<256x128xi32>
    %jit3A_256 = arith.constant 2147483647 : i32
    %broadcast_in_dim3A_257 = vector.broadcast %jit3A_256 : i32 to vector<256x128xi32>
    %select_n3A_258 = arith.select %gt3A_255, %concatenate3A, %broadcast_in_dim3A_257 : vector<256x128xi1>, vector<256x128xi32>
    %reduce_min3A_259 = arith.constant dense<2147483647> : vector<128xi32>
    %reduce_min3A_260 = vector.multi_reduction <minsi>, %select_n3A_258, %reduce_min3A_259 [0] : vector<256x128xi32> to vector<128xi32>
    %and3A_261 = arith.constant 4095 : i32
    %and3A_262 = vector.broadcast %and3A_261 : i32 to vector<128xi32>
    %and3A_263 = arith.andi %reduce_min3A_260, %and3A_262 : vector<128xi32>
    %add3A_264 = vector.broadcast %mul3A_52 : i32 to vector<128xi32>
    %add3A_265 = arith.addi %and3A_263, %add3A_264 : vector<128xi32>
    %broadcast_in_dim3A_266 = vector.shape_cast %add3A_265 : vector<128xi32> to vector<1x128xi32>
    %swap3A_267 = arith.constant 0 : index
    %swap3A_268 = arith.constant 10 : index
    %swap3A_269 = arith.constant 0 : index
    %swap3A_270 = vector.load %arg4[%swap3A_267, %swap3A_268, %swap3A_269] : memref<1x16x128xi32, #tpu.memory_space<vmem>>, vector<1x1x128xi32>
    %swap3A_271 = vector.shape_cast %swap3A_270 : vector<1x1x128xi32> to vector<1x128xi32>
    %swap3A_272 = vector.shape_cast %broadcast_in_dim3A_266 : vector<1x128xi32> to vector<1x1x128xi32>
    tpu.vector_store %arg4[%swap3A_267, %swap3A_268, %swap3A_269], %swap3A_272 {strides = array<i32>} : memref<1x16x128xi32, #tpu.memory_space<vmem>>, vector<1x1x128xi32>,
    %broadcast_in_dim3A_273 = vector.shape_cast %reduce_min3A_260 : vector<128xi32> to vector<1x128xi32>
    %gt3A_274 = vector.broadcast %broadcast_in_dim3A_273 : vector<1x128xi32> to vector<256x128xi32>
    %gt3A_275 = arith.cmpi sgt, %concatenate3A, %gt3A_274 : vector<256x128xi32>
    %jit3A_276 = arith.constant 2147483647 : i32
    %broadcast_in_dim3A_277 = vector.broadcast %jit3A_276 : i32 to vector<256x128xi32>
    %select_n3A_278 = arith.select %gt3A_275, %concatenate3A, %broadcast_in_dim3A_277 : vector<256x128xi1>, vector<256x128xi32>
    %reduce_min3A_279 = arith.constant dense<2147483647> : vector<128xi32>
    %reduce_min3A_280 = vector.multi_reduction <minsi>, %select_n3A_278, %reduce_min3A_279 [0] : vector<256x128xi32> to vector<128xi32>
    %and3A_281 = arith.constant 4095 : i32
    %and3A_282 = vector.broadcast %and3A_281 : i32 to vector<128xi32>
    %and3A_283 = arith.andi %reduce_min3A_280, %and3A_282 : vector<128xi32>
    %add3A_284 = vector.broadcast %mul3A_52 : i32 to vector<128xi32>
    %add3A_285 = arith.addi %and3A_283, %add3A_284 : vector<128xi32>
    %broadcast_in_dim3A_286 = vector.shape_cast %add3A_285 : vector<128xi32> to vector<1x128xi32>
    %swap3A_287 = arith.constant 0 : index
    %swap3A_288 = arith.constant 11 : index
    %swap3A_289 = arith.constant 0 : index
    %swap3A_290 = vector.load %arg4[%swap3A_287, %swap3A_288, %swap3A_289] : memref<1x16x128xi32, #tpu.memory_space<vmem>>, vector<1x1x128xi32>
    %swap3A_291 = vector.shape_cast %swap3A_290 : vector<1x1x128xi32> to vector<1x128xi32>
    %swap3A_292 = vector.shape_cast %broadcast_in_dim3A_286 : vector<1x128xi32> to vector<1x1x128xi32>
    tpu.vector_store %arg4[%swap3A_287, %swap3A_288, %swap3A_289], %swap3A_292 {strides = array<i32>} : memref<1x16x128xi32, #tpu.memory_space<vmem>>, vector<1x1x128xi32>,
    %broadcast_in_dim3A_293 = vector.shape_cast %reduce_min3A_280 : vector<128xi32> to vector<1x128xi32>
    %gt3A_294 = vector.broadcast %broadcast_in_dim3A_293 : vector<1x128xi32> to vector<256x128xi32>
    %gt3A_295 = arith.cmpi sgt, %concatenate3A, %gt3A_294 : vector<256x128xi32>
    %jit3A_296 = arith.constant 2147483647 : i32
    %broadcast_in_dim3A_297 = vector.broadcast %jit3A_296 : i32 to vector<256x128xi32>
    %select_n3A_298 = arith.select %gt3A_295, %concatenate3A, %broadcast_in_dim3A_297 : vector<256x128xi1>, vector<256x128xi32>
    %reduce_min3A_299 = arith.constant dense<2147483647> : vector<128xi32>
    %reduce_min3A_300 = vector.multi_reduction <minsi>, %select_n3A_298, %reduce_min3A_299 [0] : vector<256x128xi32> to vector<128xi32>
    %and3A_301 = arith.constant 4095 : i32
    %and3A_302 = vector.broadcast %and3A_301 : i32 to vector<128xi32>
    %and3A_303 = arith.andi %reduce_min3A_300, %and3A_302 : vector<128xi32>
    %add3A_304 = vector.broadcast %mul3A_52 : i32 to vector<128xi32>
    %add3A_305 = arith.addi %and3A_303, %add3A_304 : vector<128xi32>
    %broadcast_in_dim3A_306 = vector.shape_cast %add3A_305 : vector<128xi32> to vector<1x128xi32>
    %swap3A_307 = arith.constant 0 : index
    %swap3A_308 = arith.constant 12 : index
    %swap3A_309 = arith.constant 0 : index
    %swap3A_310 = vector.load %arg4[%swap3A_307, %swap3A_308, %swap3A_309] : memref<1x16x128xi32, #tpu.memory_space<vmem>>, vector<1x1x128xi32>
    %swap3A_311 = vector.shape_cast %swap3A_310 : vector<1x1x128xi32> to vector<1x128xi32>
    %swap3A_312 = vector.shape_cast %broadcast_in_dim3A_306 : vector<1x128xi32> to vector<1x1x128xi32>
    tpu.vector_store %arg4[%swap3A_307, %swap3A_308, %swap3A_309], %swap3A_312 {strides = array<i32>} : memref<1x16x128xi32, #tpu.memory_space<vmem>>, vector<1x1x128xi32>,
    %broadcast_in_dim3A_313 = vector.shape_cast %reduce_min3A_300 : vector<128xi32> to vector<1x128xi32>
    %gt3A_314 = vector.broadcast %broadcast_in_dim3A_313 : vector<1x128xi32> to vector<256x128xi32>
    %gt3A_315 = arith.cmpi sgt, %concatenate3A, %gt3A_314 : vector<256x128xi32>
    %jit3A_316 = arith.constant 2147483647 : i32
    %broadcast_in_dim3A_317 = vector.broadcast %jit3A_316 : i32 to vector<256x128xi32>
    %select_n3A_318 = arith.select %gt3A_315, %concatenate3A, %broadcast_in_dim3A_317 : vector<256x128xi1>, vector<256x128xi32>
    %reduce_min3A_319 = arith.constant dense<2147483647> : vector<128xi32>
    %reduce_min3A_320 = vector.multi_reduction <minsi>, %select_n3A_318, %reduce_min3A_319 [0] : vector<256x128xi32> to vector<128xi32>
    %and3A_321 = arith.constant 4095 : i32
    %and3A_322 = vector.broadcast %and3A_321 : i32 to vector<128xi32>
    %and3A_323 = arith.andi %reduce_min3A_320, %and3A_322 : vector<128xi32>
    %add3A_324 = vector.broadcast %mul3A_52 : i32 to vector<128xi32>
    %add3A_325 = arith.addi %and3A_323, %add3A_324 : vector<128xi32>
    %broadcast_in_dim3A_326 = vector.shape_cast %add3A_325 : vector<128xi32> to vector<1x128xi32>
    %swap3A_327 = arith.constant 0 : index
    %swap3A_328 = arith.constant 13 : index
    %swap3A_329 = arith.constant 0 : index
    %swap3A_330 = vector.load %arg4[%swap3A_327, %swap3A_328, %swap3A_329] : memref<1x16x128xi32, #tpu.memory_space<vmem>>, vector<1x1x128xi32>
    %swap3A_331 = vector.shape_cast %swap3A_330 : vector<1x1x128xi32> to vector<1x128xi32>
    %swap3A_332 = vector.shape_cast %broadcast_in_dim3A_326 : vector<1x128xi32> to vector<1x1x128xi32>
    tpu.vector_store %arg4[%swap3A_327, %swap3A_328, %swap3A_329], %swap3A_332 {strides = array<i32>} : memref<1x16x128xi32, #tpu.memory_space<vmem>>, vector<1x1x128xi32>,
    %broadcast_in_dim3A_333 = vector.shape_cast %reduce_min3A_320 : vector<128xi32> to vector<1x128xi32>
    %gt3A_334 = vector.broadcast %broadcast_in_dim3A_333 : vector<1x128xi32> to vector<256x128xi32>
    %gt3A_335 = arith.cmpi sgt, %concatenate3A, %gt3A_334 : vector<256x128xi32>
    %jit3A_336 = arith.constant 2147483647 : i32
    %broadcast_in_dim3A_337 = vector.broadcast %jit3A_336 : i32 to vector<256x128xi32>
    %select_n3A_338 = arith.select %gt3A_335, %concatenate3A, %broadcast_in_dim3A_337 : vector<256x128xi1>, vector<256x128xi32>
    %reduce_min3A_339 = arith.constant dense<2147483647> : vector<128xi32>
    %reduce_min3A_340 = vector.multi_reduction <minsi>, %select_n3A_338, %reduce_min3A_339 [0] : vector<256x128xi32> to vector<128xi32>
    %and3A_341 = arith.constant 4095 : i32
    %and3A_342 = vector.broadcast %and3A_341 : i32 to vector<128xi32>
    %and3A_343 = arith.andi %reduce_min3A_340, %and3A_342 : vector<128xi32>
    %add3A_344 = vector.broadcast %mul3A_52 : i32 to vector<128xi32>
    %add3A_345 = arith.addi %and3A_343, %add3A_344 : vector<128xi32>
    %broadcast_in_dim3A_346 = vector.shape_cast %add3A_345 : vector<128xi32> to vector<1x128xi32>
    %swap3A_347 = arith.constant 0 : index
    %swap3A_348 = arith.constant 14 : index
    %swap3A_349 = arith.constant 0 : index
    %swap3A_350 = vector.load %arg4[%swap3A_347, %swap3A_348, %swap3A_349] : memref<1x16x128xi32, #tpu.memory_space<vmem>>, vector<1x1x128xi32>
    %swap3A_351 = vector.shape_cast %swap3A_350 : vector<1x1x128xi32> to vector<1x128xi32>
    %swap3A_352 = vector.shape_cast %broadcast_in_dim3A_346 : vector<1x128xi32> to vector<1x1x128xi32>
    tpu.vector_store %arg4[%swap3A_347, %swap3A_348, %swap3A_349], %swap3A_352 {strides = array<i32>} : memref<1x16x128xi32, #tpu.memory_space<vmem>>, vector<1x1x128xi32>,
    %broadcast_in_dim3A_353 = vector.shape_cast %reduce_min3A_340 : vector<128xi32> to vector<1x128xi32>
    %gt3A_354 = vector.broadcast %broadcast_in_dim3A_353 : vector<1x128xi32> to vector<256x128xi32>
    %gt3A_355 = arith.cmpi sgt, %concatenate3A, %gt3A_354 : vector<256x128xi32>
    %jit3A_356 = arith.constant 2147483647 : i32
    %broadcast_in_dim3A_357 = vector.broadcast %jit3A_356 : i32 to vector<256x128xi32>
    %select_n3A_358 = arith.select %gt3A_355, %concatenate3A, %broadcast_in_dim3A_357 : vector<256x128xi1>, vector<256x128xi32>
    %reduce_min3A_359 = arith.constant dense<2147483647> : vector<128xi32>
    %reduce_min3A_360 = vector.multi_reduction <minsi>, %select_n3A_358, %reduce_min3A_359 [0] : vector<256x128xi32> to vector<128xi32>
    %and3A_361 = arith.constant 4095 : i32
    %and3A_362 = vector.broadcast %and3A_361 : i32 to vector<128xi32>
    %and3A_363 = arith.andi %reduce_min3A_360, %and3A_362 : vector<128xi32>
    %add3A_364 = vector.broadcast %mul3A_52 : i32 to vector<128xi32>
    %add3A_365 = arith.addi %and3A_363, %add3A_364 : vector<128xi32>
    %broadcast_in_dim3A_366 = vector.shape_cast %add3A_365 : vector<128xi32> to vector<1x128xi32>
    %swap3A_367 = arith.constant 0 : index
    %swap3A_368 = arith.constant 15 : index
    %swap3A_369 = arith.constant 0 : index
    %swap3A_370 = vector.load %arg4[%swap3A_367, %swap3A_368, %swap3A_369] : memref<1x16x128xi32, #tpu.memory_space<vmem>>, vector<1x1x128xi32>
    %swap3A_371 = vector.shape_cast %swap3A_370 : vector<1x1x128xi32> to vector<1x128xi32>
    %swap3A_372 = vector.shape_cast %broadcast_in_dim3A_366 : vector<1x128xi32> to vector<1x1x128xi32>
    tpu.vector_store %arg4[%swap3A_367, %swap3A_368, %swap3A_369], %swap3A_372 {strides = array<i32>} : memref<1x16x128xi32, #tpu.memory_space<vmem>>, vector<1x1x128xi32>,
    return
  }
  func.func @transform_0(%arg0: i32, %arg1: i32) -> (i32, i32, i32) {
    %c0_i32 = arith.constant 0 : i32
    %c0_i32_0 = arith.constant 0 : i32
    %c0_i32_1 = arith.constant 0 : i32
    return %arg0, %c0_i32, %c0_i32_0 : i32, i32, i32
  }
  func.func @transform_1(%arg0: i32, %arg1: i32) -> (i32, i32, i32) {
    %c0_i32 = arith.constant 0 : i32
    %c0_i32_0 = arith.constant 0 : i32
    return %arg0, %c0_i32, %arg1 : i32, i32, i32
  }
  func.func @transform_2(%arg0: i32, %arg1: i32) -> (i32, i32, i32) {
    %c0_i32 = arith.constant 0 : i32
    %c0_i32_0 = arith.constant 0 : i32
    return %arg0, %c0_i32, %arg1 : i32, i32, i32
  }
}

module attributes {stable_mosaic.version = 14 : i64} {
  func.func @_table_body(%arg0: i32, %arg1: i32, %arg2: memref<1x512x256xf32, #tpu.memory_space<vmem>>, %arg3: memref<1x512x3xf32, #tpu.memory_space<vmem>>, %arg4: memref<256x256xf32, #tpu.memory_space<vmem>>, %arg5: memref<1x256xf32, #tpu.memory_space<vmem>>, %arg6: memref<256x256xf32, #tpu.memory_space<vmem>>, %arg7: memref<1x256xf32, #tpu.memory_space<vmem>>, %arg8: memref<512x384xi32, #tpu.memory_space<vmem>>) attributes {dimension_semantics = [#tpu.dimension_semantics<arbitrary>, #tpu.dimension_semantics<arbitrary>], iteration_bounds = array<i64: 8, 8>, scalar_prefetch = 0 : i64, scratch_operands = 0 : i64, tpu.core_type = #tpu.core_type<tc>, window_params = [{transform_indices = @transform_0, window_bounds = array<i64: 1, 512, 256>}, {transform_indices = @transform_1, window_bounds = array<i64: 1, 512, 3>}, {pipeline_mode = #tpu.pipeline_mode<synchronous>, transform_indices = @transform_2, window_bounds = array<i64: 256, 256>}, {pipeline_mode = #tpu.pipeline_mode<synchronous>, transform_indices = @transform_3, window_bounds = array<i64: 1, 256>}, {pipeline_mode = #tpu.pipeline_mode<synchronous>, transform_indices = @transform_4, window_bounds = array<i64: 256, 256>}, {pipeline_mode = #tpu.pipeline_mode<synchronous>, transform_indices = @transform_5, window_bounds = array<i64: 1, 256>}, {transform_indices = @transform_6, window_bounds = array<i64: 512, 384>}]} {
    %get3A = arith.constant 0 : index
    %get3A_0 = arith.constant 0 : index
    %get3A_1 = arith.constant 0 : index
    %get3A_2 = vector.load %arg2[%get3A, %get3A_0, %get3A_1] : memref<1x512x256xf32, #tpu.memory_space<vmem>>, vector<1x512x256xf32>
    %get3A_3 = vector.shape_cast %get3A_2 : vector<1x512x256xf32> to vector<512x256xf32>
    %get3A_4 = arith.constant 0 : index
    %get3A_5 = arith.constant 0 : index
    %get3A_6 = vector.load %arg4[%get3A_4, %get3A_5] : memref<256x256xf32, #tpu.memory_space<vmem>>, vector<256x256xf32>
    %convert_element_type3A = arith.truncf %get3A_6 : vector<256x256xf32> to vector<256x256xbf16>
    %get3A_7 = arith.constant 0 : index
    %get3A_8 = arith.constant 0 : index
    %get3A_9 = vector.load %arg6[%get3A_7, %get3A_8] : memref<256x256xf32, #tpu.memory_space<vmem>>, vector<256x256xf32>
    %convert_element_type3A_10 = arith.truncf %get3A_9 : vector<256x256xf32> to vector<256x256xbf16>
    %convert_element_type3A_11 = arith.truncf %get3A_3 : vector<512x256xf32> to vector<512x256xbf16>
    %dot_general3A = arith.constant dense<0.000000e+00> : vector<512x256xf32>
    %dot_general3A_12 = tpu.matmul %convert_element_type3A_11, %convert_element_type3A, %dot_general3A {dimension_numbers = #tpu.dot_dimension_numbers<[1], [0], [0], [1], [0, 0, 1, 1], [], []>, transpose_lhs_hint = false} : vector<512x256xbf16>, vector<256x256xbf16>, vector<512x256xf32> -> vector<512x256xf32>
    %get3A_13 = arith.constant 0 : index
    %get3A_14 = arith.constant 0 : index
    %get3A_15 = vector.load %arg5[%get3A_13, %get3A_14] : memref<1x256xf32, #tpu.memory_space<vmem>>, vector<1x256xf32>
    %add3A = vector.broadcast %get3A_15 : vector<1x256xf32> to vector<512x256xf32>
    %add3A_16 = arith.addf %dot_general3A_12, %add3A : vector<512x256xf32>
    %convert_element_type3A_17 = arith.truncf %add3A_16 : vector<512x256xf32> to vector<512x256xbf16>
    %convert_element_type3A_18 = arith.extf %convert_element_type3A_17 : vector<512x256xbf16> to vector<512x256xf32>
    %bitcast_convert_type3A = tpu.bitcast %convert_element_type3A_18 : vector<512x256xf32> -> vector<512x256xi32>
    %convert_element_type3A_19 = arith.truncf %get3A_3 : vector<512x256xf32> to vector<512x256xbf16>
    %dot_general3A_20 = arith.constant dense<0.000000e+00> : vector<512x256xf32>
    %dot_general3A_21 = tpu.matmul %convert_element_type3A_19, %convert_element_type3A_10, %dot_general3A_20 {dimension_numbers = #tpu.dot_dimension_numbers<[1], [0], [0], [1], [0, 0, 1, 1], [], []>, transpose_lhs_hint = false} : vector<512x256xbf16>, vector<256x256xbf16>, vector<512x256xf32> -> vector<512x256xf32>
    %get3A_22 = arith.constant 0 : index
    %get3A_23 = arith.constant 0 : index
    %get3A_24 = vector.load %arg7[%get3A_22, %get3A_23] : memref<1x256xf32, #tpu.memory_space<vmem>>, vector<1x256xf32>
    %add3A_25 = vector.broadcast %get3A_24 : vector<1x256xf32> to vector<512x256xf32>
    %add3A_26 = arith.addf %dot_general3A_21, %add3A_25 : vector<512x256xf32>
    %convert_element_type3A_27 = arith.truncf %add3A_26 : vector<512x256xf32> to vector<512x256xbf16>
    %convert_element_type3A_28 = arith.extf %convert_element_type3A_27 : vector<512x256xbf16> to vector<512x256xf32>
    %bitcast_convert_type3A_29 = tpu.bitcast %convert_element_type3A_28 : vector<512x256xf32> -> vector<512x256xi32>
    %shift_right_logical3A = arith.constant 16 : i32
    %shift_right_logical3A_30 = vector.broadcast %shift_right_logical3A : i32 to vector<512x256xi32>
    %shift_right_logical3A_31 = arith.shrui %bitcast_convert_type3A_29, %shift_right_logical3A_30 : vector<512x256xi32>
    %or3A = arith.ori %bitcast_convert_type3A, %shift_right_logical3A_31 : vector<512x256xi32>
    %swap3A = arith.constant 0 : index
    %swap3A_32 = arith.constant 0 : index
    %swap3A_33 = vector.load %arg8[%swap3A, %swap3A_32] : memref<512x384xi32, #tpu.memory_space<vmem>>, vector<512x256xi32>
    tpu.vector_store %arg8[%swap3A, %swap3A_32], %or3A {strides = array<i32>} : memref<512x384xi32, #tpu.memory_space<vmem>>, vector<512x256xi32>,
    %get3A_34 = arith.constant 0 : index
    %get3A_35 = arith.constant 0 : index
    %get3A_36 = arith.constant 0 : index
    %get3A_37 = vector.load %arg3[%get3A_34, %get3A_35, %get3A_36] : memref<1x512x3xf32, #tpu.memory_space<vmem>>, vector<1x512x3xf32>
    %get3A_38 = vector.shape_cast %get3A_37 : vector<1x512x3xf32> to vector<512x3xf32>
    %bitcast_convert_type3A_39 = tpu.bitcast %get3A_38 : vector<512x3xf32> -> vector<512x3xi32>
    %swap3A_40 = arith.constant 0 : index
    %swap3A_41 = arith.constant 256 : index
    %swap3A_42 = vector.load %arg8[%swap3A_40, %swap3A_41] : memref<512x384xi32, #tpu.memory_space<vmem>>, vector<512x3xi32>
    tpu.vector_store %arg8[%swap3A_40, %swap3A_41], %bitcast_convert_type3A_39 {strides = array<i32>} : memref<512x384xi32, #tpu.memory_space<vmem>>, vector<512x3xi32>,
    return
  }
  func.func @transform_0(%arg0: i32, %arg1: i32) -> (i32, i32, i32) {
    %c0_i32 = arith.constant 0 : i32
    %c0_i32_0 = arith.constant 0 : i32
    return %arg0, %arg1, %c0_i32 : i32, i32, i32
  }
  func.func @transform_1(%arg0: i32, %arg1: i32) -> (i32, i32, i32) {
    %c0_i32 = arith.constant 0 : i32
    %c0_i32_0 = arith.constant 0 : i32
    return %arg0, %arg1, %c0_i32 : i32, i32, i32
  }
  func.func @transform_2(%arg0: i32, %arg1: i32) -> (i32, i32) {
    %c0_i32 = arith.constant 0 : i32
    %c0_i32_0 = arith.constant 0 : i32
    %c0_i32_1 = arith.constant 0 : i32
    return %c0_i32, %c0_i32_0 : i32, i32
  }
  func.func @transform_3(%arg0: i32, %arg1: i32) -> (i32, i32) {
    %c0_i32 = arith.constant 0 : i32
    %c0_i32_0 = arith.constant 0 : i32
    %c0_i32_1 = arith.constant 0 : i32
    return %c0_i32, %c0_i32_0 : i32, i32
  }
  func.func @transform_4(%arg0: i32, %arg1: i32) -> (i32, i32) {
    %c0_i32 = arith.constant 0 : i32
    %c0_i32_0 = arith.constant 0 : i32
    %c0_i32_1 = arith.constant 0 : i32
    return %c0_i32, %c0_i32_0 : i32, i32
  }
  func.func @transform_5(%arg0: i32, %arg1: i32) -> (i32, i32) {
    %c0_i32 = arith.constant 0 : i32
    %c0_i32_0 = arith.constant 0 : i32
    %c0_i32_1 = arith.constant 0 : i32
    return %c0_i32, %c0_i32_0 : i32, i32
  }
  func.func @transform_6(%arg0: i32, %arg1: i32) -> (i32, i32) {
    %mul3A = arith.constant 8 : i32
    %mul3A_0 = arith.muli %arg0, %mul3A : i32
    %add3A = arith.addi %mul3A_0, %arg1 : i32
    %c0_i32 = arith.constant 0 : i32
    %c0_i32_1 = arith.constant 0 : i32
    return %add3A, %c0_i32 : i32, i32
  }
}

module attributes {stable_mosaic.version = 14 : i64} {
  func.func @_q_proj_body(%arg0: i32, %arg1: memref<1x512x256xf32, #tpu.memory_space<vmem>>, %arg2: memref<256x256xf32, #tpu.memory_space<vmem>>, %arg3: memref<1x256xf32, #tpu.memory_space<vmem>>, %arg4: memref<1x512x256xf32, #tpu.memory_space<vmem>>) attributes {dimension_semantics = [#tpu.dimension_semantics<arbitrary>], iteration_bounds = array<i64: 8>, scalar_prefetch = 0 : i64, scratch_operands = 0 : i64, tpu.core_type = #tpu.core_type<tc>, window_params = [{transform_indices = @transform_0, window_bounds = array<i64: 1, 512, 256>}, {pipeline_mode = #tpu.pipeline_mode<synchronous>, transform_indices = @transform_1, window_bounds = array<i64: 256, 256>}, {pipeline_mode = #tpu.pipeline_mode<synchronous>, transform_indices = @transform_2, window_bounds = array<i64: 1, 256>}, {transform_indices = @transform_3, window_bounds = array<i64: 1, 512, 256>}]} {
    %get3A = arith.constant 0 : index
    %get3A_0 = arith.constant 0 : index
    %get3A_1 = arith.constant 0 : index
    %get3A_2 = vector.load %arg1[%get3A, %get3A_0, %get3A_1] : memref<1x512x256xf32, #tpu.memory_space<vmem>>, vector<1x512x256xf32>
    %get3A_3 = vector.shape_cast %get3A_2 : vector<1x512x256xf32> to vector<512x256xf32>
    %get3A_4 = arith.constant 0 : index
    %get3A_5 = arith.constant 0 : index
    %get3A_6 = vector.load %arg2[%get3A_4, %get3A_5] : memref<256x256xf32, #tpu.memory_space<vmem>>, vector<256x256xf32>
    %convert_element_type3A = arith.truncf %get3A_6 : vector<256x256xf32> to vector<256x256xbf16>
    %convert_element_type3A_7 = arith.truncf %get3A_3 : vector<512x256xf32> to vector<512x256xbf16>
    %dot_general3A = arith.constant dense<0.000000e+00> : vector<512x256xf32>
    %dot_general3A_8 = tpu.matmul %convert_element_type3A_7, %convert_element_type3A, %dot_general3A {dimension_numbers = #tpu.dot_dimension_numbers<[1], [0], [0], [1], [0, 0, 1, 1], [], []>, transpose_lhs_hint = false} : vector<512x256xbf16>, vector<256x256xbf16>, vector<512x256xf32> -> vector<512x256xf32>
    %get3A_9 = arith.constant 0 : index
    %get3A_10 = arith.constant 0 : index
    %get3A_11 = vector.load %arg3[%get3A_9, %get3A_10] : memref<1x256xf32, #tpu.memory_space<vmem>>, vector<1x256xf32>
    %add3A = vector.broadcast %get3A_11 : vector<1x256xf32> to vector<512x256xf32>
    %add3A_12 = arith.addf %dot_general3A_8, %add3A : vector<512x256xf32>
    %swap3A = arith.constant 0 : index
    %swap3A_13 = arith.constant 0 : index
    %swap3A_14 = arith.constant 0 : index
    %swap3A_15 = vector.load %arg4[%swap3A, %swap3A_13, %swap3A_14] : memref<1x512x256xf32, #tpu.memory_space<vmem>>, vector<1x512x256xf32>
    %swap3A_16 = vector.shape_cast %swap3A_15 : vector<1x512x256xf32> to vector<512x256xf32>
    %swap3A_17 = vector.shape_cast %add3A_12 : vector<512x256xf32> to vector<1x512x256xf32>
    tpu.vector_store %arg4[%swap3A, %swap3A_13, %swap3A_14], %swap3A_17 {strides = array<i32>} : memref<1x512x256xf32, #tpu.memory_space<vmem>>, vector<1x512x256xf32>,
    return
  }
  func.func @transform_0(%arg0: i32) -> (i32, i32, i32) {
    %c0_i32 = arith.constant 0 : i32
    %c0_i32_0 = arith.constant 0 : i32
    %c0_i32_1 = arith.constant 0 : i32
    return %arg0, %c0_i32, %c0_i32_0 : i32, i32, i32
  }
  func.func @transform_1(%arg0: i32) -> (i32, i32) {
    %c0_i32 = arith.constant 0 : i32
    %c0_i32_0 = arith.constant 0 : i32
    %c0_i32_1 = arith.constant 0 : i32
    return %c0_i32, %c0_i32_0 : i32, i32
  }
  func.func @transform_2(%arg0: i32) -> (i32, i32) {
    %c0_i32 = arith.constant 0 : i32
    %c0_i32_0 = arith.constant 0 : i32
    %c0_i32_1 = arith.constant 0 : i32
    return %c0_i32, %c0_i32_0 : i32, i32
  }
  func.func @transform_3(%arg0: i32) -> (i32, i32, i32) {
    %c0_i32 = arith.constant 0 : i32
    %c0_i32_0 = arith.constant 0 : i32
    %c0_i32_1 = arith.constant 0 : i32
    return %arg0, %c0_i32, %c0_i32_0 : i32, i32, i32
  }
}

module attributes {stable_mosaic.version = 14 : i64} {
  func.func @_self_attn_body(%arg0: i32, %arg1: i32, %arg2: memref<1x128x256xf32, #tpu.memory_space<vmem>>, %arg3: memref<1x16x128x384xi32, #tpu.memory_space<vmem>>, %arg4: memref<1x128x3xf32, #tpu.memory_space<vmem>>, %arg5: memref<1x128x256xf32, #tpu.memory_space<vmem>>, %arg6: memref<3x256xf32, #tpu.memory_space<vmem>>, %arg7: memref<1x256xf32, #tpu.memory_space<vmem>>, %arg8: memref<256x256xf32, #tpu.memory_space<vmem>>, %arg9: memref<1x256xf32, #tpu.memory_space<vmem>>, %arg10: memref<256x256xf32, #tpu.memory_space<vmem>>, %arg11: memref<1x256xf32, #tpu.memory_space<vmem>>, %arg12: memref<256x256xf32, #tpu.memory_space<vmem>>, %arg13: memref<1x256xf32, #tpu.memory_space<vmem>>, %arg14: memref<256x256xf32, #tpu.memory_space<vmem>>, %arg15: memref<1x256xf32, #tpu.memory_space<vmem>>, %arg16: memref<1x128x256xf32, #tpu.memory_space<vmem>>) attributes {dimension_semantics = [#tpu.dimension_semantics<arbitrary>, #tpu.dimension_semantics<arbitrary>], iteration_bounds = array<i64: 8, 4>, scalar_prefetch = 0 : i64, scratch_operands = 0 : i64, tpu.core_type = #tpu.core_type<tc>, window_params = [{transform_indices = @transform_0, window_bounds = array<i64: 1, 128, 256>}, {transform_indices = @transform_1, window_bounds = array<i64: 1, 16, 128, 384>}, {transform_indices = @transform_2, window_bounds = array<i64: 1, 128, 3>}, {transform_indices = @transform_3, window_bounds = array<i64: 1, 128, 256>}, {pipeline_mode = #tpu.pipeline_mode<synchronous>, transform_indices = @transform_4, window_bounds = array<i64: 3, 256>}, {pipeline_mode = #tpu.pipeline_mode<synchronous>, transform_indices = @transform_5, window_bounds = array<i64: 1, 256>}, {pipeline_mode = #tpu.pipeline_mode<synchronous>, transform_indices = @transform_6, window_bounds = array<i64: 256, 256>}, {pipeline_mode = #tpu.pipeline_mode<synchronous>, transform_indices = @transform_7, window_bounds = array<i64: 1, 256>}, {pipeline_mode = #tpu.pipeline_mode<synchronous>, transform_indices = @transform_8, window_bounds = array<i64: 256, 256>}, {pipeline_mode = #tpu.pipeline_mode<synchronous>, transform_indices = @transform_9, window_bounds = array<i64: 1, 256>}, {pipeline_mode = #tpu.pipeline_mode<synchronous>, transform_indices = @transform_10, window_bounds = array<i64: 256, 256>}, {pipeline_mode = #tpu.pipeline_mode<synchronous>, transform_indices = @transform_11, window_bounds = array<i64: 1, 256>}, {pipeline_mode = #tpu.pipeline_mode<synchronous>, transform_indices = @transform_12, window_bounds = array<i64: 256, 256>}, {pipeline_mode = #tpu.pipeline_mode<synchronous>, transform_indices = @transform_13, window_bounds = array<i64: 1, 256>}, {transform_indices = @transform_14, window_bounds = array<i64: 1, 128, 256>}]} {
    %get3A = arith.constant 0 : index
    %get3A_0 = arith.constant 0 : index
    %get3A_1 = arith.constant 0 : index
    %get3A_2 = vector.load %arg2[%get3A, %get3A_0, %get3A_1] : memref<1x128x256xf32, #tpu.memory_space<vmem>>, vector<1x128x256xf32>
    %get3A_3 = vector.shape_cast %get3A_2 : vector<1x128x256xf32> to vector<128x256xf32>
    %get3A_4 = arith.constant 0 : index
    %get3A_5 = arith.constant 0 : index
    %get3A_6 = arith.constant 0 : index
    %get3A_7 = vector.load %arg4[%get3A_4, %get3A_5, %get3A_6] : memref<1x128x3xf32, #tpu.memory_space<vmem>>, vector<1x128x3xf32>
    %get3A_8 = vector.shape_cast %get3A_7 : vector<1x128x3xf32> to vector<128x3xf32>
    %get3A_9 = arith.constant 0 : index
    %get3A_10 = arith.constant 0 : index
    %get3A_11 = vector.load %arg6[%get3A_9, %get3A_10] : memref<3x256xf32, #tpu.memory_space<vmem>>, vector<3x256xf32>
    %convert_element_type3A = arith.truncf %get3A_11 : vector<3x256xf32> to vector<3x256xbf16>
    %get3A_12 = arith.constant 0 : index
    %get3A_13 = arith.constant 0 : index
    %get3A_14 = vector.load %arg7[%get3A_12, %get3A_13] : memref<1x256xf32, #tpu.memory_space<vmem>>, vector<1x256xf32>
    %get3A_15 = arith.constant 0 : index
    %get3A_16 = arith.constant 0 : index
    %get3A_17 = vector.load %arg8[%get3A_15, %get3A_16] : memref<256x256xf32, #tpu.memory_space<vmem>>, vector<256x256xf32>
    %convert_element_type3A_18 = arith.truncf %get3A_17 : vector<256x256xf32> to vector<256x256xbf16>
    %get3A_19 = arith.constant 0 : index
    %get3A_20 = arith.constant 0 : index
    %get3A_21 = vector.load %arg9[%get3A_19, %get3A_20] : memref<1x256xf32, #tpu.memory_space<vmem>>, vector<1x256xf32>
    %get3A_22 = arith.constant 0 : index
    %get3A_23 = arith.constant 0 : index
    %get3A_24 = vector.load %arg10[%get3A_22, %get3A_23] : memref<256x256xf32, #tpu.memory_space<vmem>>, vector<256x256xf32>
    %convert_element_type3A_25 = arith.truncf %get3A_24 : vector<256x256xf32> to vector<256x256xbf16>
    %get3A_26 = arith.constant 0 : index
    %get3A_27 = arith.constant 0 : index
    %get3A_28 = vector.load %arg11[%get3A_26, %get3A_27] : memref<1x256xf32, #tpu.memory_space<vmem>>, vector<1x256xf32>
    %get3A_29 = arith.constant 0 : index
    %get3A_30 = arith.constant 0 : index
    %get3A_31 = vector.load %arg12[%get3A_29, %get3A_30] : memref<256x256xf32, #tpu.memory_space<vmem>>, vector<256x256xf32>
    %mul3A = arith.constant 6.250000e-02 : f32
    %mul3A_32 = vector.broadcast %mul3A : f32 to vector<256x256xf32>
    %mul3A_33 = arith.mulf %get3A_31, %mul3A_32 : vector<256x256xf32>
    %convert_element_type3A_34 = arith.truncf %mul3A_33 : vector<256x256xf32> to vector<256x256xbf16>
    %get3A_35 = arith.constant 0 : index
    %get3A_36 = arith.constant 0 : index
    %get3A_37 = vector.load %arg13[%get3A_35, %get3A_36] : memref<1x256xf32, #tpu.memory_space<vmem>>, vector<1x256xf32>
    %mul3A_38 = arith.constant 6.250000e-02 : f32
    %mul3A_39 = vector.broadcast %mul3A_38 : f32 to vector<1x256xf32>
    %mul3A_40 = arith.mulf %get3A_37, %mul3A_39 : vector<1x256xf32>
    %get3A_41 = arith.constant 0 : index
    %get3A_42 = arith.constant 0 : index
    %get3A_43 = arith.constant 0 : index
    %get3A_44 = arith.constant 256 : index
    %get3A_45 = vector.load %arg3[%get3A_41, %get3A_42, %get3A_43, %get3A_44] : memref<1x16x128x384xi32, #tpu.memory_space<vmem>>, vector<1x1x128x3xi32>
    %get3A_46 = vector.shape_cast %get3A_45 : vector<1x1x128x3xi32> to vector<128x3xi32>
    %bitcast_convert_type3A = tpu.bitcast %get3A_46 : vector<128x3xi32> -> vector<128x3xf32>
    %sub3A = arith.subf %get3A_8, %bitcast_convert_type3A : vector<128x3xf32>
    %get3A_47 = arith.constant 0 : index
    %get3A_48 = arith.constant 1 : index
    %get3A_49 = arith.constant 0 : index
    %get3A_50 = arith.constant 256 : index
    %get3A_51 = vector.load %arg3[%get3A_47, %get3A_48, %get3A_49, %get3A_50] : memref<1x16x128x384xi32, #tpu.memory_space<vmem>>, vector<1x1x128x3xi32>
    %get3A_52 = vector.shape_cast %get3A_51 : vector<1x1x128x3xi32> to vector<128x3xi32>
    %bitcast_convert_type3A_53 = tpu.bitcast %get3A_52 : vector<128x3xi32> -> vector<128x3xf32>
    %sub3A_54 = arith.subf %get3A_8, %bitcast_convert_type3A_53 : vector<128x3xf32>
    %get3A_55 = arith.constant 0 : index
    %get3A_56 = arith.constant 2 : index
    %get3A_57 = arith.constant 0 : index
    %get3A_58 = arith.constant 256 : index
    %get3A_59 = vector.load %arg3[%get3A_55, %get3A_56, %get3A_57, %get3A_58] : memref<1x16x128x384xi32, #tpu.memory_space<vmem>>, vector<1x1x128x3xi32>
    %get3A_60 = vector.shape_cast %get3A_59 : vector<1x1x128x3xi32> to vector<128x3xi32>
    %bitcast_convert_type3A_61 = tpu.bitcast %get3A_60 : vector<128x3xi32> -> vector<128x3xf32>
    %sub3A_62 = arith.subf %get3A_8, %bitcast_convert_type3A_61 : vector<128x3xf32>
    %get3A_63 = arith.constant 0 : index
    %get3A_64 = arith.constant 3 : index
    %get3A_65 = arith.constant 0 : index
    %get3A_66 = arith.constant 256 : index
    %get3A_67 = vector.load %arg3[%get3A_63, %get3A_64, %get3A_65, %get3A_66] : memref<1x16x128x384xi32, #tpu.memory_space<vmem>>, vector<1x1x128x3xi32>
    %get3A_68 = vector.shape_cast %get3A_67 : vector<1x1x128x3xi32> to vector<128x3xi32>
    %bitcast_convert_type3A_69 = tpu.bitcast %get3A_68 : vector<128x3xi32> -> vector<128x3xf32>
    %sub3A_70 = arith.subf %get3A_8, %bitcast_convert_type3A_69 : vector<128x3xf32>
    %get3A_71 = arith.constant 0 : index
    %get3A_72 = arith.constant 4 : index
    %get3A_73 = arith.constant 0 : index
    %get3A_74 = arith.constant 256 : index
    %get3A_75 = vector.load %arg3[%get3A_71, %get3A_72, %get3A_73, %get3A_74] : memref<1x16x128x384xi32, #tpu.memory_space<vmem>>, vector<1x1x128x3xi32>
    %get3A_76 = vector.shape_cast %get3A_75 : vector<1x1x128x3xi32> to vector<128x3xi32>
    %bitcast_convert_type3A_77 = tpu.bitcast %get3A_76 : vector<128x3xi32> -> vector<128x3xf32>
    %sub3A_78 = arith.subf %get3A_8, %bitcast_convert_type3A_77 : vector<128x3xf32>
    %get3A_79 = arith.constant 0 : index
    %get3A_80 = arith.constant 5 : index
    %get3A_81 = arith.constant 0 : index
    %get3A_82 = arith.constant 256 : index
    %get3A_83 = vector.load %arg3[%get3A_79, %get3A_80, %get3A_81, %get3A_82] : memref<1x16x128x384xi32, #tpu.memory_space<vmem>>, vector<1x1x128x3xi32>
    %get3A_84 = vector.shape_cast %get3A_83 : vector<1x1x128x3xi32> to vector<128x3xi32>
    %bitcast_convert_type3A_85 = tpu.bitcast %get3A_84 : vector<128x3xi32> -> vector<128x3xf32>
    %sub3A_86 = arith.subf %get3A_8, %bitcast_convert_type3A_85 : vector<128x3xf32>
    %get3A_87 = arith.constant 0 : index
    %get3A_88 = arith.constant 6 : index
    %get3A_89 = arith.constant 0 : index
    %get3A_90 = arith.constant 256 : index
    %get3A_91 = vector.load %arg3[%get3A_87, %get3A_88, %get3A_89, %get3A_90] : memref<1x16x128x384xi32, #tpu.memory_space<vmem>>, vector<1x1x128x3xi32>
    %get3A_92 = vector.shape_cast %get3A_91 : vector<1x1x128x3xi32> to vector<128x3xi32>
    %bitcast_convert_type3A_93 = tpu.bitcast %get3A_92 : vector<128x3xi32> -> vector<128x3xf32>
    %sub3A_94 = arith.subf %get3A_8, %bitcast_convert_type3A_93 : vector<128x3xf32>
    %get3A_95 = arith.constant 0 : index
    %get3A_96 = arith.constant 7 : index
    %get3A_97 = arith.constant 0 : index
    %get3A_98 = arith.constant 256 : index
    %get3A_99 = vector.load %arg3[%get3A_95, %get3A_96, %get3A_97, %get3A_98] : memref<1x16x128x384xi32, #tpu.memory_space<vmem>>, vector<1x1x128x3xi32>
    %get3A_100 = vector.shape_cast %get3A_99 : vector<1x1x128x3xi32> to vector<128x3xi32>
    %bitcast_convert_type3A_101 = tpu.bitcast %get3A_100 : vector<128x3xi32> -> vector<128x3xf32>
    %sub3A_102 = arith.subf %get3A_8, %bitcast_convert_type3A_101 : vector<128x3xf32>
    %get3A_103 = arith.constant 0 : index
    %get3A_104 = arith.constant 8 : index
    %get3A_105 = arith.constant 0 : index
    %get3A_106 = arith.constant 256 : index
    %get3A_107 = vector.load %arg3[%get3A_103, %get3A_104, %get3A_105, %get3A_106] : memref<1x16x128x384xi32, #tpu.memory_space<vmem>>, vector<1x1x128x3xi32>
    %get3A_108 = vector.shape_cast %get3A_107 : vector<1x1x128x3xi32> to vector<128x3xi32>
    %bitcast_convert_type3A_109 = tpu.bitcast %get3A_108 : vector<128x3xi32> -> vector<128x3xf32>
    %sub3A_110 = arith.subf %get3A_8, %bitcast_convert_type3A_109 : vector<128x3xf32>
    %get3A_111 = arith.constant 0 : index
    %get3A_112 = arith.constant 9 : index
    %get3A_113 = arith.constant 0 : index
    %get3A_114 = arith.constant 256 : index
    %get3A_115 = vector.load %arg3[%get3A_111, %get3A_112, %get3A_113, %get3A_114] : memref<1x16x128x384xi32, #tpu.memory_space<vmem>>, vector<1x1x128x3xi32>
    %get3A_116 = vector.shape_cast %get3A_115 : vector<1x1x128x3xi32> to vector<128x3xi32>
    %bitcast_convert_type3A_117 = tpu.bitcast %get3A_116 : vector<128x3xi32> -> vector<128x3xf32>
    %sub3A_118 = arith.subf %get3A_8, %bitcast_convert_type3A_117 : vector<128x3xf32>
    %get3A_119 = arith.constant 0 : index
    %get3A_120 = arith.constant 10 : index
    %get3A_121 = arith.constant 0 : index
    %get3A_122 = arith.constant 256 : index
    %get3A_123 = vector.load %arg3[%get3A_119, %get3A_120, %get3A_121, %get3A_122] : memref<1x16x128x384xi32, #tpu.memory_space<vmem>>, vector<1x1x128x3xi32>
    %get3A_124 = vector.shape_cast %get3A_123 : vector<1x1x128x3xi32> to vector<128x3xi32>
    %bitcast_convert_type3A_125 = tpu.bitcast %get3A_124 : vector<128x3xi32> -> vector<128x3xf32>
    %sub3A_126 = arith.subf %get3A_8, %bitcast_convert_type3A_125 : vector<128x3xf32>
    %get3A_127 = arith.constant 0 : index
    %get3A_128 = arith.constant 11 : index
    %get3A_129 = arith.constant 0 : index
    %get3A_130 = arith.constant 256 : index
    %get3A_131 = vector.load %arg3[%get3A_127, %get3A_128, %get3A_129, %get3A_130] : memref<1x16x128x384xi32, #tpu.memory_space<vmem>>, vector<1x1x128x3xi32>
    %get3A_132 = vector.shape_cast %get3A_131 : vector<1x1x128x3xi32> to vector<128x3xi32>
    %bitcast_convert_type3A_133 = tpu.bitcast %get3A_132 : vector<128x3xi32> -> vector<128x3xf32>
    %sub3A_134 = arith.subf %get3A_8, %bitcast_convert_type3A_133 : vector<128x3xf32>
    %get3A_135 = arith.constant 0 : index
    %get3A_136 = arith.constant 12 : index
    %get3A_137 = arith.constant 0 : index
    %get3A_138 = arith.constant 256 : index
    %get3A_139 = vector.load %arg3[%get3A_135, %get3A_136, %get3A_137, %get3A_138] : memref<1x16x128x384xi32, #tpu.memory_space<vmem>>, vector<1x1x128x3xi32>
    %get3A_140 = vector.shape_cast %get3A_139 : vector<1x1x128x3xi32> to vector<128x3xi32>
    %bitcast_convert_type3A_141 = tpu.bitcast %get3A_140 : vector<128x3xi32> -> vector<128x3xf32>
    %sub3A_142 = arith.subf %get3A_8, %bitcast_convert_type3A_141 : vector<128x3xf32>
    %get3A_143 = arith.constant 0 : index
    %get3A_144 = arith.constant 13 : index
    %get3A_145 = arith.constant 0 : index
    %get3A_146 = arith.constant 256 : index
    %get3A_147 = vector.load %arg3[%get3A_143, %get3A_144, %get3A_145, %get3A_146] : memref<1x16x128x384xi32, #tpu.memory_space<vmem>>, vector<1x1x128x3xi32>
    %get3A_148 = vector.shape_cast %get3A_147 : vector<1x1x128x3xi32> to vector<128x3xi32>
    %bitcast_convert_type3A_149 = tpu.bitcast %get3A_148 : vector<128x3xi32> -> vector<128x3xf32>
    %sub3A_150 = arith.subf %get3A_8, %bitcast_convert_type3A_149 : vector<128x3xf32>
    %get3A_151 = arith.constant 0 : index
    %get3A_152 = arith.constant 14 : index
    %get3A_153 = arith.constant 0 : index
    %get3A_154 = arith.constant 256 : index
    %get3A_155 = vector.load %arg3[%get3A_151, %get3A_152, %get3A_153, %get3A_154] : memref<1x16x128x384xi32, #tpu.memory_space<vmem>>, vector<1x1x128x3xi32>
    %get3A_156 = vector.shape_cast %get3A_155 : vector<1x1x128x3xi32> to vector<128x3xi32>
    %bitcast_convert_type3A_157 = tpu.bitcast %get3A_156 : vector<128x3xi32> -> vector<128x3xf32>
    %sub3A_158 = arith.subf %get3A_8, %bitcast_convert_type3A_157 : vector<128x3xf32>
    %get3A_159 = arith.constant 0 : index
    %get3A_160 = arith.constant 15 : index
    %get3A_161 = arith.constant 0 : index
    %get3A_162 = arith.constant 256 : index
    %get3A_163 = vector.load %arg3[%get3A_159, %get3A_160, %get3A_161, %get3A_162] : memref<1x16x128x384xi32, #tpu.memory_space<vmem>>, vector<1x1x128x3xi32>
    %get3A_164 = vector.shape_cast %get3A_163 : vector<1x1x128x3xi32> to vector<128x3xi32>
    %bitcast_convert_type3A_165 = tpu.bitcast %get3A_164 : vector<128x3xi32> -> vector<128x3xf32>
    %sub3A_166 = arith.subf %get3A_8, %bitcast_convert_type3A_165 : vector<128x3xf32>
    %concatenate3A = tpu.concatenate %sub3A, %sub3A_54, %sub3A_62, %sub3A_70, %sub3A_78, %sub3A_86, %sub3A_94, %sub3A_102, %sub3A_110, %sub3A_118, %sub3A_126, %sub3A_134, %sub3A_142, %sub3A_150, %sub3A_158, %sub3A_166 in 0 : vector<128x3xf32>, vector<128x3xf32>, vector<128x3xf32>, vector<128x3xf32>, vector<128x3xf32>, vector<128x3xf32>, vector<128x3xf32>, vector<128x3xf32>, vector<128x3xf32>, vector<128x3xf32>, vector<128x3xf32>, vector<128x3xf32>, vector<128x3xf32>, vector<128x3xf32>, vector<128x3xf32>, vector<128x3xf32> -> vector<2048x3xf32>
    %convert_element_type3A_167 = arith.truncf %concatenate3A : vector<2048x3xf32> to vector<2048x3xbf16>
    %dot_general3A = arith.constant dense<0.000000e+00> : vector<2048x256xf32>
    %dot_general3A_168 = tpu.matmul %convert_element_type3A_167, %convert_element_type3A, %dot_general3A {dimension_numbers = #tpu.dot_dimension_numbers<[1], [0], [0], [1], [0, 0, 1, 1], [], []>, transpose_lhs_hint = false} : vector<2048x3xbf16>, vector<3x256xbf16>, vector<2048x256xf32> -> vector<2048x256xf32>
    %add3A = vector.broadcast %get3A_14 : vector<1x256xf32> to vector<2048x256xf32>
    %add3A_169 = arith.addf %dot_general3A_168, %add3A : vector<2048x256xf32>
    %max3A = arith.constant 0.000000e+00 : f32
    %max3A_170 = vector.broadcast %max3A : f32 to vector<2048x256xf32>
    %max3A_171 = arith.maximumf %add3A_169, %max3A_170 : vector<2048x256xf32>
    %convert_element_type3A_172 = arith.truncf %max3A_171 : vector<2048x256xf32> to vector<2048x256xbf16>
    %dot_general3A_173 = arith.constant dense<0.000000e+00> : vector<2048x256xf32>
    %dot_general3A_174 = tpu.matmul %convert_element_type3A_172, %convert_element_type3A_18, %dot_general3A_173 {dimension_numbers = #tpu.dot_dimension_numbers<[1], [0], [0], [1], [0, 0, 1, 1], [], []>, transpose_lhs_hint = false} : vector<2048x256xbf16>, vector<256x256xbf16>, vector<2048x256xf32> -> vector<2048x256xf32>
    %add3A_175 = vector.broadcast %get3A_21 : vector<1x256xf32> to vector<2048x256xf32>
    %add3A_176 = arith.addf %dot_general3A_174, %add3A_175 : vector<2048x256xf32>
    %get3A_177 = arith.constant 0 : index
    %get3A_178 = arith.constant 0 : index
    %get3A_179 = arith.constant 0 : index
    %get3A_180 = arith.constant 0 : index
    %get3A_181 = vector.load %arg3[%get3A_177, %get3A_178, %get3A_179, %get3A_180] : memref<1x16x128x384xi32, #tpu.memory_space<vmem>>, vector<1x1x128x256xi32>
    %get3A_182 = vector.shape_cast %get3A_181 : vector<1x1x128x256xi32> to vector<128x256xi32>
    %and3A = arith.constant -65536 : i32
    %and3A_183 = vector.broadcast %and3A : i32 to vector<128x256xi32>
    %and3A_184 = arith.andi %get3A_182, %and3A_183 : vector<128x256xi32>
    %bitcast_convert_type3A_185 = tpu.bitcast %and3A_184 : vector<128x256xi32> -> vector<128x256xf32>
    %get3A_186 = arith.constant 0 : index
    %get3A_187 = arith.constant 1 : index
    %get3A_188 = arith.constant 0 : index
    %get3A_189 = arith.constant 0 : index
    %get3A_190 = vector.load %arg3[%get3A_186, %get3A_187, %get3A_188, %get3A_189] : memref<1x16x128x384xi32, #tpu.memory_space<vmem>>, vector<1x1x128x256xi32>
    %get3A_191 = vector.shape_cast %get3A_190 : vector<1x1x128x256xi32> to vector<128x256xi32>
    %and3A_192 = arith.constant -65536 : i32
    %and3A_193 = vector.broadcast %and3A_192 : i32 to vector<128x256xi32>
    %and3A_194 = arith.andi %get3A_191, %and3A_193 : vector<128x256xi32>
    %bitcast_convert_type3A_195 = tpu.bitcast %and3A_194 : vector<128x256xi32> -> vector<128x256xf32>
    %get3A_196 = arith.constant 0 : index
    %get3A_197 = arith.constant 2 : index
    %get3A_198 = arith.constant 0 : index
    %get3A_199 = arith.constant 0 : index
    %get3A_200 = vector.load %arg3[%get3A_196, %get3A_197, %get3A_198, %get3A_199] : memref<1x16x128x384xi32, #tpu.memory_space<vmem>>, vector<1x1x128x256xi32>
    %get3A_201 = vector.shape_cast %get3A_200 : vector<1x1x128x256xi32> to vector<128x256xi32>
    %and3A_202 = arith.constant -65536 : i32
    %and3A_203 = vector.broadcast %and3A_202 : i32 to vector<128x256xi32>
    %and3A_204 = arith.andi %get3A_201, %and3A_203 : vector<128x256xi32>
    %bitcast_convert_type3A_205 = tpu.bitcast %and3A_204 : vector<128x256xi32> -> vector<128x256xf32>
    %get3A_206 = arith.constant 0 : index
    %get3A_207 = arith.constant 3 : index
    %get3A_208 = arith.constant 0 : index
    %get3A_209 = arith.constant 0 : index
    %get3A_210 = vector.load %arg3[%get3A_206, %get3A_207, %get3A_208, %get3A_209] : memref<1x16x128x384xi32, #tpu.memory_space<vmem>>, vector<1x1x128x256xi32>
    %get3A_211 = vector.shape_cast %get3A_210 : vector<1x1x128x256xi32> to vector<128x256xi32>
    %and3A_212 = arith.constant -65536 : i32
    %and3A_213 = vector.broadcast %and3A_212 : i32 to vector<128x256xi32>
    %and3A_214 = arith.andi %get3A_211, %and3A_213 : vector<128x256xi32>
    %bitcast_convert_type3A_215 = tpu.bitcast %and3A_214 : vector<128x256xi32> -> vector<128x256xf32>
    %get3A_216 = arith.constant 0 : index
    %get3A_217 = arith.constant 4 : index
    %get3A_218 = arith.constant 0 : index
    %get3A_219 = arith.constant 0 : index
    %get3A_220 = vector.load %arg3[%get3A_216, %get3A_217, %get3A_218, %get3A_219] : memref<1x16x128x384xi32, #tpu.memory_space<vmem>>, vector<1x1x128x256xi32>
    %get3A_221 = vector.shape_cast %get3A_220 : vector<1x1x128x256xi32> to vector<128x256xi32>
    %and3A_222 = arith.constant -65536 : i32
    %and3A_223 = vector.broadcast %and3A_222 : i32 to vector<128x256xi32>
    %and3A_224 = arith.andi %get3A_221, %and3A_223 : vector<128x256xi32>
    %bitcast_convert_type3A_225 = tpu.bitcast %and3A_224 : vector<128x256xi32> -> vector<128x256xf32>
    %get3A_226 = arith.constant 0 : index
    %get3A_227 = arith.constant 5 : index
    %get3A_228 = arith.constant 0 : index
    %get3A_229 = arith.constant 0 : index
    %get3A_230 = vector.load %arg3[%get3A_226, %get3A_227, %get3A_228, %get3A_229] : memref<1x16x128x384xi32, #tpu.memory_space<vmem>>, vector<1x1x128x256xi32>
    %get3A_231 = vector.shape_cast %get3A_230 : vector<1x1x128x256xi32> to vector<128x256xi32>
    %and3A_232 = arith.constant -65536 : i32
    %and3A_233 = vector.broadcast %and3A_232 : i32 to vector<128x256xi32>
    %and3A_234 = arith.andi %get3A_231, %and3A_233 : vector<128x256xi32>
    %bitcast_convert_type3A_235 = tpu.bitcast %and3A_234 : vector<128x256xi32> -> vector<128x256xf32>
    %get3A_236 = arith.constant 0 : index
    %get3A_237 = arith.constant 6 : index
    %get3A_238 = arith.constant 0 : index
    %get3A_239 = arith.constant 0 : index
    %get3A_240 = vector.load %arg3[%get3A_236, %get3A_237, %get3A_238, %get3A_239] : memref<1x16x128x384xi32, #tpu.memory_space<vmem>>, vector<1x1x128x256xi32>
    %get3A_241 = vector.shape_cast %get3A_240 : vector<1x1x128x256xi32> to vector<128x256xi32>
    %and3A_242 = arith.constant -65536 : i32
    %and3A_243 = vector.broadcast %and3A_242 : i32 to vector<128x256xi32>
    %and3A_244 = arith.andi %get3A_241, %and3A_243 : vector<128x256xi32>
    %bitcast_convert_type3A_245 = tpu.bitcast %and3A_244 : vector<128x256xi32> -> vector<128x256xf32>
    %get3A_246 = arith.constant 0 : index
    %get3A_247 = arith.constant 7 : index
    %get3A_248 = arith.constant 0 : index
    %get3A_249 = arith.constant 0 : index
    %get3A_250 = vector.load %arg3[%get3A_246, %get3A_247, %get3A_248, %get3A_249] : memref<1x16x128x384xi32, #tpu.memory_space<vmem>>, vector<1x1x128x256xi32>
    %get3A_251 = vector.shape_cast %get3A_250 : vector<1x1x128x256xi32> to vector<128x256xi32>
    %and3A_252 = arith.constant -65536 : i32
    %and3A_253 = vector.broadcast %and3A_252 : i32 to vector<128x256xi32>
    %and3A_254 = arith.andi %get3A_251, %and3A_253 : vector<128x256xi32>
    %bitcast_convert_type3A_255 = tpu.bitcast %and3A_254 : vector<128x256xi32> -> vector<128x256xf32>
    %get3A_256 = arith.constant 0 : index
    %get3A_257 = arith.constant 8 : index
    %get3A_258 = arith.constant 0 : index
    %get3A_259 = arith.constant 0 : index
    %get3A_260 = vector.load %arg3[%get3A_256, %get3A_257, %get3A_258, %get3A_259] : memref<1x16x128x384xi32, #tpu.memory_space<vmem>>, vector<1x1x128x256xi32>
    %get3A_261 = vector.shape_cast %get3A_260 : vector<1x1x128x256xi32> to vector<128x256xi32>
    %and3A_262 = arith.constant -65536 : i32
    %and3A_263 = vector.broadcast %and3A_262 : i32 to vector<128x256xi32>
    %and3A_264 = arith.andi %get3A_261, %and3A_263 : vector<128x256xi32>
    %bitcast_convert_type3A_265 = tpu.bitcast %and3A_264 : vector<128x256xi32> -> vector<128x256xf32>
    %get3A_266 = arith.constant 0 : index
    %get3A_267 = arith.constant 9 : index
    %get3A_268 = arith.constant 0 : index
    %get3A_269 = arith.constant 0 : index
    %get3A_270 = vector.load %arg3[%get3A_266, %get3A_267, %get3A_268, %get3A_269] : memref<1x16x128x384xi32, #tpu.memory_space<vmem>>, vector<1x1x128x256xi32>
    %get3A_271 = vector.shape_cast %get3A_270 : vector<1x1x128x256xi32> to vector<128x256xi32>
    %and3A_272 = arith.constant -65536 : i32
    %and3A_273 = vector.broadcast %and3A_272 : i32 to vector<128x256xi32>
    %and3A_274 = arith.andi %get3A_271, %and3A_273 : vector<128x256xi32>
    %bitcast_convert_type3A_275 = tpu.bitcast %and3A_274 : vector<128x256xi32> -> vector<128x256xf32>
    %get3A_276 = arith.constant 0 : index
    %get3A_277 = arith.constant 10 : index
    %get3A_278 = arith.constant 0 : index
    %get3A_279 = arith.constant 0 : index
    %get3A_280 = vector.load %arg3[%get3A_276, %get3A_277, %get3A_278, %get3A_279] : memref<1x16x128x384xi32, #tpu.memory_space<vmem>>, vector<1x1x128x256xi32>
    %get3A_281 = vector.shape_cast %get3A_280 : vector<1x1x128x256xi32> to vector<128x256xi32>
    %and3A_282 = arith.constant -65536 : i32
    %and3A_283 = vector.broadcast %and3A_282 : i32 to vector<128x256xi32>
    %and3A_284 = arith.andi %get3A_281, %and3A_283 : vector<128x256xi32>
    %bitcast_convert_type3A_285 = tpu.bitcast %and3A_284 : vector<128x256xi32> -> vector<128x256xf32>
    %get3A_286 = arith.constant 0 : index
    %get3A_287 = arith.constant 11 : index
    %get3A_288 = arith.constant 0 : index
    %get3A_289 = arith.constant 0 : index
    %get3A_290 = vector.load %arg3[%get3A_286, %get3A_287, %get3A_288, %get3A_289] : memref<1x16x128x384xi32, #tpu.memory_space<vmem>>, vector<1x1x128x256xi32>
    %get3A_291 = vector.shape_cast %get3A_290 : vector<1x1x128x256xi32> to vector<128x256xi32>
    %and3A_292 = arith.constant -65536 : i32
    %and3A_293 = vector.broadcast %and3A_292 : i32 to vector<128x256xi32>
    %and3A_294 = arith.andi %get3A_291, %and3A_293 : vector<128x256xi32>
    %bitcast_convert_type3A_295 = tpu.bitcast %and3A_294 : vector<128x256xi32> -> vector<128x256xf32>
    %get3A_296 = arith.constant 0 : index
    %get3A_297 = arith.constant 12 : index
    %get3A_298 = arith.constant 0 : index
    %get3A_299 = arith.constant 0 : index
    %get3A_300 = vector.load %arg3[%get3A_296, %get3A_297, %get3A_298, %get3A_299] : memref<1x16x128x384xi32, #tpu.memory_space<vmem>>, vector<1x1x128x256xi32>
    %get3A_301 = vector.shape_cast %get3A_300 : vector<1x1x128x256xi32> to vector<128x256xi32>
    %and3A_302 = arith.constant -65536 : i32
    %and3A_303 = vector.broadcast %and3A_302 : i32 to vector<128x256xi32>
    %and3A_304 = arith.andi %get3A_301, %and3A_303 : vector<128x256xi32>
    %bitcast_convert_type3A_305 = tpu.bitcast %and3A_304 : vector<128x256xi32> -> vector<128x256xf32>
    %get3A_306 = arith.constant 0 : index
    %get3A_307 = arith.constant 13 : index
    %get3A_308 = arith.constant 0 : index
    %get3A_309 = arith.constant 0 : index
    %get3A_310 = vector.load %arg3[%get3A_306, %get3A_307, %get3A_308, %get3A_309] : memref<1x16x128x384xi32, #tpu.memory_space<vmem>>, vector<1x1x128x256xi32>
    %get3A_311 = vector.shape_cast %get3A_310 : vector<1x1x128x256xi32> to vector<128x256xi32>
    %and3A_312 = arith.constant -65536 : i32
    %and3A_313 = vector.broadcast %and3A_312 : i32 to vector<128x256xi32>
    %and3A_314 = arith.andi %get3A_311, %and3A_313 : vector<128x256xi32>
    %bitcast_convert_type3A_315 = tpu.bitcast %and3A_314 : vector<128x256xi32> -> vector<128x256xf32>
    %get3A_316 = arith.constant 0 : index
    %get3A_317 = arith.constant 14 : index
    %get3A_318 = arith.constant 0 : index
    %get3A_319 = arith.constant 0 : index
    %get3A_320 = vector.load %arg3[%get3A_316, %get3A_317, %get3A_318, %get3A_319] : memref<1x16x128x384xi32, #tpu.memory_space<vmem>>, vector<1x1x128x256xi32>
    %get3A_321 = vector.shape_cast %get3A_320 : vector<1x1x128x256xi32> to vector<128x256xi32>
    %and3A_322 = arith.constant -65536 : i32
    %and3A_323 = vector.broadcast %and3A_322 : i32 to vector<128x256xi32>
    %and3A_324 = arith.andi %get3A_321, %and3A_323 : vector<128x256xi32>
    %bitcast_convert_type3A_325 = tpu.bitcast %and3A_324 : vector<128x256xi32> -> vector<128x256xf32>
    %get3A_326 = arith.constant 0 : index
    %get3A_327 = arith.constant 15 : index
    %get3A_328 = arith.constant 0 : index
    %get3A_329 = arith.constant 0 : index
    %get3A_330 = vector.load %arg3[%get3A_326, %get3A_327, %get3A_328, %get3A_329] : memref<1x16x128x384xi32, #tpu.memory_space<vmem>>, vector<1x1x128x256xi32>
    %get3A_331 = vector.shape_cast %get3A_330 : vector<1x1x128x256xi32> to vector<128x256xi32>
    %and3A_332 = arith.constant -65536 : i32
    %and3A_333 = vector.broadcast %and3A_332 : i32 to vector<128x256xi32>
    %and3A_334 = arith.andi %get3A_331, %and3A_333 : vector<128x256xi32>
    %bitcast_convert_type3A_335 = tpu.bitcast %and3A_334 : vector<128x256xi32> -> vector<128x256xf32>
    %concatenate3A_336 = tpu.concatenate %bitcast_convert_type3A_185, %bitcast_convert_type3A_195, %bitcast_convert_type3A_205, %bitcast_convert_type3A_215, %bitcast_convert_type3A_225, %bitcast_convert_type3A_235, %bitcast_convert_type3A_245, %bitcast_convert_type3A_255, %bitcast_convert_type3A_265, %bitcast_convert_type3A_275, %bitcast_convert_type3A_285, %bitcast_convert_type3A_295, %bitcast_convert_type3A_305, %bitcast_convert_type3A_315, %bitcast_convert_type3A_325, %bitcast_convert_type3A_335 in 0 : vector<128x256xf32>, vector<128x256xf32>, vector<128x256xf32>, vector<128x256xf32>, vector<128x256xf32>, vector<128x256xf32>, vector<128x256xf32>, vector<128x256xf32>, vector<128x256xf32>, vector<128x256xf32>, vector<128x256xf32>, vector<128x256xf32>, vector<128x256xf32>, vector<128x256xf32>, vector<128x256xf32>, vector<128x256xf32> -> vector<2048x256xf32>
    %concatenate3A_337 = tpu.concatenate %get3A_3, %get3A_3, %get3A_3, %get3A_3, %get3A_3, %get3A_3, %get3A_3, %get3A_3, %get3A_3, %get3A_3, %get3A_3, %get3A_3, %get3A_3, %get3A_3, %get3A_3, %get3A_3 in 0 : vector<128x256xf32>, vector<128x256xf32>, vector<128x256xf32>, vector<128x256xf32>, vector<128x256xf32>, vector<128x256xf32>, vector<128x256xf32>, vector<128x256xf32>, vector<128x256xf32>, vector<128x256xf32>, vector<128x256xf32>, vector<128x256xf32>, vector<128x256xf32>, vector<128x256xf32>, vector<128x256xf32>, vector<128x256xf32> -> vector<2048x256xf32>
    %sub3A_338 = arith.subf %concatenate3A_337, %concatenate3A_336 : vector<2048x256xf32>
    %add3A_339 = arith.addf %sub3A_338, %add3A_176 : vector<2048x256xf32>
    %convert_element_type3A_340 = arith.truncf %add3A_339 : vector<2048x256xf32> to vector<2048x256xbf16>
    %dot_general3A_341 = arith.constant dense<0.000000e+00> : vector<2048x256xf32>
    %dot_general3A_342 = tpu.matmul %convert_element_type3A_340, %convert_element_type3A_25, %dot_general3A_341 {dimension_numbers = #tpu.dot_dimension_numbers<[1], [0], [0], [1], [0, 0, 1, 1], [], []>, transpose_lhs_hint = false} : vector<2048x256xbf16>, vector<256x256xbf16>, vector<2048x256xf32> -> vector<2048x256xf32>
    %add3A_343 = vector.broadcast %get3A_28 : vector<1x256xf32> to vector<2048x256xf32>
    %add3A_344 = arith.addf %dot_general3A_342, %add3A_343 : vector<2048x256xf32>
    %max3A_345 = arith.constant 0.000000e+00 : f32
    %max3A_346 = vector.broadcast %max3A_345 : f32 to vector<2048x256xf32>
    %max3A_347 = arith.maximumf %add3A_344, %max3A_346 : vector<2048x256xf32>
    %convert_element_type3A_348 = arith.truncf %max3A_347 : vector<2048x256xf32> to vector<2048x256xbf16>
    %dot_general3A_349 = arith.constant dense<0.000000e+00> : vector<2048x256xf32>
    %dot_general3A_350 = tpu.matmul %convert_element_type3A_348, %convert_element_type3A_34, %dot_general3A_349 {dimension_numbers = #tpu.dot_dimension_numbers<[1], [0], [0], [1], [0, 0, 1, 1], [], []>, transpose_lhs_hint = false} : vector<2048x256xbf16>, vector<256x256xbf16>, vector<2048x256xf32> -> vector<2048x256xf32>
    %add3A_351 = vector.broadcast %mul3A_40 : vector<1x256xf32> to vector<2048x256xf32>
    %add3A_352 = arith.addf %dot_general3A_350, %add3A_351 : vector<2048x256xf32>
    %broadcast_in_dim3A = arith.constant 0.000000e+00 : f32
    %broadcast_in_dim3A_353 = vector.broadcast %broadcast_in_dim3A : f32 to vector<128x256xf32>
    %broadcast_in_dim3A_354 = arith.constant 0.000000e+00 : f32
    %broadcast_in_dim3A_355 = vector.broadcast %broadcast_in_dim3A_354 : f32 to vector<128x256xf32>
    %slice3A = vector.extract_strided_slice %add3A_352 {offsets = [0, 0], sizes = [128, 256], strides = [1, 1]} : vector<2048x256xf32> to vector<128x256xf32>
    %exp3A = math.exp %slice3A : vector<128x256xf32>
    %get3A_356 = arith.constant 0 : index
    %get3A_357 = arith.constant 0 : index
    %get3A_358 = arith.constant 0 : index
    %get3A_359 = arith.constant 0 : index
    %get3A_360 = vector.load %arg3[%get3A_356, %get3A_357, %get3A_358, %get3A_359] : memref<1x16x128x384xi32, #tpu.memory_space<vmem>>, vector<1x1x128x256xi32>
    %get3A_361 = vector.shape_cast %get3A_360 : vector<1x1x128x256xi32> to vector<128x256xi32>
    %shift_left3A = arith.constant 16 : i32
    %shift_left3A_362 = vector.broadcast %shift_left3A : i32 to vector<128x256xi32>
    %shift_left3A_363 = arith.shli %get3A_361, %shift_left3A_362 : vector<128x256xi32>
    %bitcast_convert_type3A_364 = tpu.bitcast %shift_left3A_363 : vector<128x256xi32> -> vector<128x256xf32>
    %slice3A_365 = vector.extract_strided_slice %add3A_176 {offsets = [0, 0], sizes = [128, 256], strides = [1, 1]} : vector<2048x256xf32> to vector<128x256xf32>
    %add3A_366 = arith.addf %bitcast_convert_type3A_364, %slice3A_365 : vector<128x256xf32>
    %add3A_367 = arith.addf %broadcast_in_dim3A_353, %exp3A : vector<128x256xf32>
    %mul3A_368 = arith.mulf %exp3A, %add3A_366 : vector<128x256xf32>
    %add3A_369 = arith.addf %broadcast_in_dim3A_355, %mul3A_368 : vector<128x256xf32>
    %slice3A_370 = vector.extract_strided_slice %add3A_352 {offsets = [128, 0], sizes = [128, 256], strides = [1, 1]} : vector<2048x256xf32> to vector<128x256xf32>
    %exp3A_371 = math.exp %slice3A_370 : vector<128x256xf32>
    %get3A_372 = arith.constant 0 : index
    %get3A_373 = arith.constant 1 : index
    %get3A_374 = arith.constant 0 : index
    %get3A_375 = arith.constant 0 : index
    %get3A_376 = vector.load %arg3[%get3A_372, %get3A_373, %get3A_374, %get3A_375] : memref<1x16x128x384xi32, #tpu.memory_space<vmem>>, vector<1x1x128x256xi32>
    %get3A_377 = vector.shape_cast %get3A_376 : vector<1x1x128x256xi32> to vector<128x256xi32>
    %shift_left3A_378 = arith.constant 16 : i32
    %shift_left3A_379 = vector.broadcast %shift_left3A_378 : i32 to vector<128x256xi32>
    %shift_left3A_380 = arith.shli %get3A_377, %shift_left3A_379 : vector<128x256xi32>
    %bitcast_convert_type3A_381 = tpu.bitcast %shift_left3A_380 : vector<128x256xi32> -> vector<128x256xf32>
    %slice3A_382 = vector.extract_strided_slice %add3A_176 {offsets = [128, 0], sizes = [128, 256], strides = [1, 1]} : vector<2048x256xf32> to vector<128x256xf32>
    %add3A_383 = arith.addf %bitcast_convert_type3A_381, %slice3A_382 : vector<128x256xf32>
    %add3A_384 = arith.addf %add3A_367, %exp3A_371 : vector<128x256xf32>
    %mul3A_385 = arith.mulf %exp3A_371, %add3A_383 : vector<128x256xf32>
    %add3A_386 = arith.addf %add3A_369, %mul3A_385 : vector<128x256xf32>
    %slice3A_387 = vector.extract_strided_slice %add3A_352 {offsets = [256, 0], sizes = [128, 256], strides = [1, 1]} : vector<2048x256xf32> to vector<128x256xf32>
    %exp3A_388 = math.exp %slice3A_387 : vector<128x256xf32>
    %get3A_389 = arith.constant 0 : index
    %get3A_390 = arith.constant 2 : index
    %get3A_391 = arith.constant 0 : index
    %get3A_392 = arith.constant 0 : index
    %get3A_393 = vector.load %arg3[%get3A_389, %get3A_390, %get3A_391, %get3A_392] : memref<1x16x128x384xi32, #tpu.memory_space<vmem>>, vector<1x1x128x256xi32>
    %get3A_394 = vector.shape_cast %get3A_393 : vector<1x1x128x256xi32> to vector<128x256xi32>
    %shift_left3A_395 = arith.constant 16 : i32
    %shift_left3A_396 = vector.broadcast %shift_left3A_395 : i32 to vector<128x256xi32>
    %shift_left3A_397 = arith.shli %get3A_394, %shift_left3A_396 : vector<128x256xi32>
    %bitcast_convert_type3A_398 = tpu.bitcast %shift_left3A_397 : vector<128x256xi32> -> vector<128x256xf32>
    %slice3A_399 = vector.extract_strided_slice %add3A_176 {offsets = [256, 0], sizes = [128, 256], strides = [1, 1]} : vector<2048x256xf32> to vector<128x256xf32>
    %add3A_400 = arith.addf %bitcast_convert_type3A_398, %slice3A_399 : vector<128x256xf32>
    %add3A_401 = arith.addf %add3A_384, %exp3A_388 : vector<128x256xf32>
    %mul3A_402 = arith.mulf %exp3A_388, %add3A_400 : vector<128x256xf32>
    %add3A_403 = arith.addf %add3A_386, %mul3A_402 : vector<128x256xf32>
    %slice3A_404 = vector.extract_strided_slice %add3A_352 {offsets = [384, 0], sizes = [128, 256], strides = [1, 1]} : vector<2048x256xf32> to vector<128x256xf32>
    %exp3A_405 = math.exp %slice3A_404 : vector<128x256xf32>
    %get3A_406 = arith.constant 0 : index
    %get3A_407 = arith.constant 3 : index
    %get3A_408 = arith.constant 0 : index
    %get3A_409 = arith.constant 0 : index
    %get3A_410 = vector.load %arg3[%get3A_406, %get3A_407, %get3A_408, %get3A_409] : memref<1x16x128x384xi32, #tpu.memory_space<vmem>>, vector<1x1x128x256xi32>
    %get3A_411 = vector.shape_cast %get3A_410 : vector<1x1x128x256xi32> to vector<128x256xi32>
    %shift_left3A_412 = arith.constant 16 : i32
    %shift_left3A_413 = vector.broadcast %shift_left3A_412 : i32 to vector<128x256xi32>
    %shift_left3A_414 = arith.shli %get3A_411, %shift_left3A_413 : vector<128x256xi32>
    %bitcast_convert_type3A_415 = tpu.bitcast %shift_left3A_414 : vector<128x256xi32> -> vector<128x256xf32>
    %slice3A_416 = vector.extract_strided_slice %add3A_176 {offsets = [384, 0], sizes = [128, 256], strides = [1, 1]} : vector<2048x256xf32> to vector<128x256xf32>
    %add3A_417 = arith.addf %bitcast_convert_type3A_415, %slice3A_416 : vector<128x256xf32>
    %add3A_418 = arith.addf %add3A_401, %exp3A_405 : vector<128x256xf32>
    %mul3A_419 = arith.mulf %exp3A_405, %add3A_417 : vector<128x256xf32>
    %add3A_420 = arith.addf %add3A_403, %mul3A_419 : vector<128x256xf32>
    %slice3A_421 = vector.extract_strided_slice %add3A_352 {offsets = [512, 0], sizes = [128, 256], strides = [1, 1]} : vector<2048x256xf32> to vector<128x256xf32>
    %exp3A_422 = math.exp %slice3A_421 : vector<128x256xf32>
    %get3A_423 = arith.constant 0 : index
    %get3A_424 = arith.constant 4 : index
    %get3A_425 = arith.constant 0 : index
    %get3A_426 = arith.constant 0 : index
    %get3A_427 = vector.load %arg3[%get3A_423, %get3A_424, %get3A_425, %get3A_426] : memref<1x16x128x384xi32, #tpu.memory_space<vmem>>, vector<1x1x128x256xi32>
    %get3A_428 = vector.shape_cast %get3A_427 : vector<1x1x128x256xi32> to vector<128x256xi32>
    %shift_left3A_429 = arith.constant 16 : i32
    %shift_left3A_430 = vector.broadcast %shift_left3A_429 : i32 to vector<128x256xi32>
    %shift_left3A_431 = arith.shli %get3A_428, %shift_left3A_430 : vector<128x256xi32>
    %bitcast_convert_type3A_432 = tpu.bitcast %shift_left3A_431 : vector<128x256xi32> -> vector<128x256xf32>
    %slice3A_433 = vector.extract_strided_slice %add3A_176 {offsets = [512, 0], sizes = [128, 256], strides = [1, 1]} : vector<2048x256xf32> to vector<128x256xf32>
    %add3A_434 = arith.addf %bitcast_convert_type3A_432, %slice3A_433 : vector<128x256xf32>
    %add3A_435 = arith.addf %add3A_418, %exp3A_422 : vector<128x256xf32>
    %mul3A_436 = arith.mulf %exp3A_422, %add3A_434 : vector<128x256xf32>
    %add3A_437 = arith.addf %add3A_420, %mul3A_436 : vector<128x256xf32>
    %slice3A_438 = vector.extract_strided_slice %add3A_352 {offsets = [640, 0], sizes = [128, 256], strides = [1, 1]} : vector<2048x256xf32> to vector<128x256xf32>
    %exp3A_439 = math.exp %slice3A_438 : vector<128x256xf32>
    %get3A_440 = arith.constant 0 : index
    %get3A_441 = arith.constant 5 : index
    %get3A_442 = arith.constant 0 : index
    %get3A_443 = arith.constant 0 : index
    %get3A_444 = vector.load %arg3[%get3A_440, %get3A_441, %get3A_442, %get3A_443] : memref<1x16x128x384xi32, #tpu.memory_space<vmem>>, vector<1x1x128x256xi32>
    %get3A_445 = vector.shape_cast %get3A_444 : vector<1x1x128x256xi32> to vector<128x256xi32>
    %shift_left3A_446 = arith.constant 16 : i32
    %shift_left3A_447 = vector.broadcast %shift_left3A_446 : i32 to vector<128x256xi32>
    %shift_left3A_448 = arith.shli %get3A_445, %shift_left3A_447 : vector<128x256xi32>
    %bitcast_convert_type3A_449 = tpu.bitcast %shift_left3A_448 : vector<128x256xi32> -> vector<128x256xf32>
    %slice3A_450 = vector.extract_strided_slice %add3A_176 {offsets = [640, 0], sizes = [128, 256], strides = [1, 1]} : vector<2048x256xf32> to vector<128x256xf32>
    %add3A_451 = arith.addf %bitcast_convert_type3A_449, %slice3A_450 : vector<128x256xf32>
    %add3A_452 = arith.addf %add3A_435, %exp3A_439 : vector<128x256xf32>
    %mul3A_453 = arith.mulf %exp3A_439, %add3A_451 : vector<128x256xf32>
    %add3A_454 = arith.addf %add3A_437, %mul3A_453 : vector<128x256xf32>
    %slice3A_455 = vector.extract_strided_slice %add3A_352 {offsets = [768, 0], sizes = [128, 256], strides = [1, 1]} : vector<2048x256xf32> to vector<128x256xf32>
    %exp3A_456 = math.exp %slice3A_455 : vector<128x256xf32>
    %get3A_457 = arith.constant 0 : index
    %get3A_458 = arith.constant 6 : index
    %get3A_459 = arith.constant 0 : index
    %get3A_460 = arith.constant 0 : index
    %get3A_461 = vector.load %arg3[%get3A_457, %get3A_458, %get3A_459, %get3A_460] : memref<1x16x128x384xi32, #tpu.memory_space<vmem>>, vector<1x1x128x256xi32>
    %get3A_462 = vector.shape_cast %get3A_461 : vector<1x1x128x256xi32> to vector<128x256xi32>
    %shift_left3A_463 = arith.constant 16 : i32
    %shift_left3A_464 = vector.broadcast %shift_left3A_463 : i32 to vector<128x256xi32>
    %shift_left3A_465 = arith.shli %get3A_462, %shift_left3A_464 : vector<128x256xi32>
    %bitcast_convert_type3A_466 = tpu.bitcast %shift_left3A_465 : vector<128x256xi32> -> vector<128x256xf32>
    %slice3A_467 = vector.extract_strided_slice %add3A_176 {offsets = [768, 0], sizes = [128, 256], strides = [1, 1]} : vector<2048x256xf32> to vector<128x256xf32>
    %add3A_468 = arith.addf %bitcast_convert_type3A_466, %slice3A_467 : vector<128x256xf32>
    %add3A_469 = arith.addf %add3A_452, %exp3A_456 : vector<128x256xf32>
    %mul3A_470 = arith.mulf %exp3A_456, %add3A_468 : vector<128x256xf32>
    %add3A_471 = arith.addf %add3A_454, %mul3A_470 : vector<128x256xf32>
    %slice3A_472 = vector.extract_strided_slice %add3A_352 {offsets = [896, 0], sizes = [128, 256], strides = [1, 1]} : vector<2048x256xf32> to vector<128x256xf32>
    %exp3A_473 = math.exp %slice3A_472 : vector<128x256xf32>
    %get3A_474 = arith.constant 0 : index
    %get3A_475 = arith.constant 7 : index
    %get3A_476 = arith.constant 0 : index
    %get3A_477 = arith.constant 0 : index
    %get3A_478 = vector.load %arg3[%get3A_474, %get3A_475, %get3A_476, %get3A_477] : memref<1x16x128x384xi32, #tpu.memory_space<vmem>>, vector<1x1x128x256xi32>
    %get3A_479 = vector.shape_cast %get3A_478 : vector<1x1x128x256xi32> to vector<128x256xi32>
    %shift_left3A_480 = arith.constant 16 : i32
    %shift_left3A_481 = vector.broadcast %shift_left3A_480 : i32 to vector<128x256xi32>
    %shift_left3A_482 = arith.shli %get3A_479, %shift_left3A_481 : vector<128x256xi32>
    %bitcast_convert_type3A_483 = tpu.bitcast %shift_left3A_482 : vector<128x256xi32> -> vector<128x256xf32>
    %slice3A_484 = vector.extract_strided_slice %add3A_176 {offsets = [896, 0], sizes = [128, 256], strides = [1, 1]} : vector<2048x256xf32> to vector<128x256xf32>
    %add3A_485 = arith.addf %bitcast_convert_type3A_483, %slice3A_484 : vector<128x256xf32>
    %add3A_486 = arith.addf %add3A_469, %exp3A_473 : vector<128x256xf32>
    %mul3A_487 = arith.mulf %exp3A_473, %add3A_485 : vector<128x256xf32>
    %add3A_488 = arith.addf %add3A_471, %mul3A_487 : vector<128x256xf32>
    %slice3A_489 = vector.extract_strided_slice %add3A_352 {offsets = [1024, 0], sizes = [128, 256], strides = [1, 1]} : vector<2048x256xf32> to vector<128x256xf32>
    %exp3A_490 = math.exp %slice3A_489 : vector<128x256xf32>
    %get3A_491 = arith.constant 0 : index
    %get3A_492 = arith.constant 8 : index
    %get3A_493 = arith.constant 0 : index
    %get3A_494 = arith.constant 0 : index
    %get3A_495 = vector.load %arg3[%get3A_491, %get3A_492, %get3A_493, %get3A_494] : memref<1x16x128x384xi32, #tpu.memory_space<vmem>>, vector<1x1x128x256xi32>
    %get3A_496 = vector.shape_cast %get3A_495 : vector<1x1x128x256xi32> to vector<128x256xi32>
    %shift_left3A_497 = arith.constant 16 : i32
    %shift_left3A_498 = vector.broadcast %shift_left3A_497 : i32 to vector<128x256xi32>
    %shift_left3A_499 = arith.shli %get3A_496, %shift_left3A_498 : vector<128x256xi32>
    %bitcast_convert_type3A_500 = tpu.bitcast %shift_left3A_499 : vector<128x256xi32> -> vector<128x256xf32>
    %slice3A_501 = vector.extract_strided_slice %add3A_176 {offsets = [1024, 0], sizes = [128, 256], strides = [1, 1]} : vector<2048x256xf32> to vector<128x256xf32>
    %add3A_502 = arith.addf %bitcast_convert_type3A_500, %slice3A_501 : vector<128x256xf32>
    %add3A_503 = arith.addf %add3A_486, %exp3A_490 : vector<128x256xf32>
    %mul3A_504 = arith.mulf %exp3A_490, %add3A_502 : vector<128x256xf32>
    %add3A_505 = arith.addf %add3A_488, %mul3A_504 : vector<128x256xf32>
    %slice3A_506 = vector.extract_strided_slice %add3A_352 {offsets = [1152, 0], sizes = [128, 256], strides = [1, 1]} : vector<2048x256xf32> to vector<128x256xf32>
    %exp3A_507 = math.exp %slice3A_506 : vector<128x256xf32>
    %get3A_508 = arith.constant 0 : index
    %get3A_509 = arith.constant 9 : index
    %get3A_510 = arith.constant 0 : index
    %get3A_511 = arith.constant 0 : index
    %get3A_512 = vector.load %arg3[%get3A_508, %get3A_509, %get3A_510, %get3A_511] : memref<1x16x128x384xi32, #tpu.memory_space<vmem>>, vector<1x1x128x256xi32>
    %get3A_513 = vector.shape_cast %get3A_512 : vector<1x1x128x256xi32> to vector<128x256xi32>
    %shift_left3A_514 = arith.constant 16 : i32
    %shift_left3A_515 = vector.broadcast %shift_left3A_514 : i32 to vector<128x256xi32>
    %shift_left3A_516 = arith.shli %get3A_513, %shift_left3A_515 : vector<128x256xi32>
    %bitcast_convert_type3A_517 = tpu.bitcast %shift_left3A_516 : vector<128x256xi32> -> vector<128x256xf32>
    %slice3A_518 = vector.extract_strided_slice %add3A_176 {offsets = [1152, 0], sizes = [128, 256], strides = [1, 1]} : vector<2048x256xf32> to vector<128x256xf32>
    %add3A_519 = arith.addf %bitcast_convert_type3A_517, %slice3A_518 : vector<128x256xf32>
    %add3A_520 = arith.addf %add3A_503, %exp3A_507 : vector<128x256xf32>
    %mul3A_521 = arith.mulf %exp3A_507, %add3A_519 : vector<128x256xf32>
    %add3A_522 = arith.addf %add3A_505, %mul3A_521 : vector<128x256xf32>
    %slice3A_523 = vector.extract_strided_slice %add3A_352 {offsets = [1280, 0], sizes = [128, 256], strides = [1, 1]} : vector<2048x256xf32> to vector<128x256xf32>
    %exp3A_524 = math.exp %slice3A_523 : vector<128x256xf32>
    %get3A_525 = arith.constant 0 : index
    %get3A_526 = arith.constant 10 : index
    %get3A_527 = arith.constant 0 : index
    %get3A_528 = arith.constant 0 : index
    %get3A_529 = vector.load %arg3[%get3A_525, %get3A_526, %get3A_527, %get3A_528] : memref<1x16x128x384xi32, #tpu.memory_space<vmem>>, vector<1x1x128x256xi32>
    %get3A_530 = vector.shape_cast %get3A_529 : vector<1x1x128x256xi32> to vector<128x256xi32>
    %shift_left3A_531 = arith.constant 16 : i32
    %shift_left3A_532 = vector.broadcast %shift_left3A_531 : i32 to vector<128x256xi32>
    %shift_left3A_533 = arith.shli %get3A_530, %shift_left3A_532 : vector<128x256xi32>
    %bitcast_convert_type3A_534 = tpu.bitcast %shift_left3A_533 : vector<128x256xi32> -> vector<128x256xf32>
    %slice3A_535 = vector.extract_strided_slice %add3A_176 {offsets = [1280, 0], sizes = [128, 256], strides = [1, 1]} : vector<2048x256xf32> to vector<128x256xf32>
    %add3A_536 = arith.addf %bitcast_convert_type3A_534, %slice3A_535 : vector<128x256xf32>
    %add3A_537 = arith.addf %add3A_520, %exp3A_524 : vector<128x256xf32>
    %mul3A_538 = arith.mulf %exp3A_524, %add3A_536 : vector<128x256xf32>
    %add3A_539 = arith.addf %add3A_522, %mul3A_538 : vector<128x256xf32>
    %slice3A_540 = vector.extract_strided_slice %add3A_352 {offsets = [1408, 0], sizes = [128, 256], strides = [1, 1]} : vector<2048x256xf32> to vector<128x256xf32>
    %exp3A_541 = math.exp %slice3A_540 : vector<128x256xf32>
    %get3A_542 = arith.constant 0 : index
    %get3A_543 = arith.constant 11 : index
    %get3A_544 = arith.constant 0 : index
    %get3A_545 = arith.constant 0 : index
    %get3A_546 = vector.load %arg3[%get3A_542, %get3A_543, %get3A_544, %get3A_545] : memref<1x16x128x384xi32, #tpu.memory_space<vmem>>, vector<1x1x128x256xi32>
    %get3A_547 = vector.shape_cast %get3A_546 : vector<1x1x128x256xi32> to vector<128x256xi32>
    %shift_left3A_548 = arith.constant 16 : i32
    %shift_left3A_549 = vector.broadcast %shift_left3A_548 : i32 to vector<128x256xi32>
    %shift_left3A_550 = arith.shli %get3A_547, %shift_left3A_549 : vector<128x256xi32>
    %bitcast_convert_type3A_551 = tpu.bitcast %shift_left3A_550 : vector<128x256xi32> -> vector<128x256xf32>
    %slice3A_552 = vector.extract_strided_slice %add3A_176 {offsets = [1408, 0], sizes = [128, 256], strides = [1, 1]} : vector<2048x256xf32> to vector<128x256xf32>
    %add3A_553 = arith.addf %bitcast_convert_type3A_551, %slice3A_552 : vector<128x256xf32>
    %add3A_554 = arith.addf %add3A_537, %exp3A_541 : vector<128x256xf32>
    %mul3A_555 = arith.mulf %exp3A_541, %add3A_553 : vector<128x256xf32>
    %add3A_556 = arith.addf %add3A_539, %mul3A_555 : vector<128x256xf32>
    %slice3A_557 = vector.extract_strided_slice %add3A_352 {offsets = [1536, 0], sizes = [128, 256], strides = [1, 1]} : vector<2048x256xf32> to vector<128x256xf32>
    %exp3A_558 = math.exp %slice3A_557 : vector<128x256xf32>
    %get3A_559 = arith.constant 0 : index
    %get3A_560 = arith.constant 12 : index
    %get3A_561 = arith.constant 0 : index
    %get3A_562 = arith.constant 0 : index
    %get3A_563 = vector.load %arg3[%get3A_559, %get3A_560, %get3A_561, %get3A_562] : memref<1x16x128x384xi32, #tpu.memory_space<vmem>>, vector<1x1x128x256xi32>
    %get3A_564 = vector.shape_cast %get3A_563 : vector<1x1x128x256xi32> to vector<128x256xi32>
    %shift_left3A_565 = arith.constant 16 : i32
    %shift_left3A_566 = vector.broadcast %shift_left3A_565 : i32 to vector<128x256xi32>
    %shift_left3A_567 = arith.shli %get3A_564, %shift_left3A_566 : vector<128x256xi32>
    %bitcast_convert_type3A_568 = tpu.bitcast %shift_left3A_567 : vector<128x256xi32> -> vector<128x256xf32>
    %slice3A_569 = vector.extract_strided_slice %add3A_176 {offsets = [1536, 0], sizes = [128, 256], strides = [1, 1]} : vector<2048x256xf32> to vector<128x256xf32>
    %add3A_570 = arith.addf %bitcast_convert_type3A_568, %slice3A_569 : vector<128x256xf32>
    %add3A_571 = arith.addf %add3A_554, %exp3A_558 : vector<128x256xf32>
    %mul3A_572 = arith.mulf %exp3A_558, %add3A_570 : vector<128x256xf32>
    %add3A_573 = arith.addf %add3A_556, %mul3A_572 : vector<128x256xf32>
    %slice3A_574 = vector.extract_strided_slice %add3A_352 {offsets = [1664, 0], sizes = [128, 256], strides = [1, 1]} : vector<2048x256xf32> to vector<128x256xf32>
    %exp3A_575 = math.exp %slice3A_574 : vector<128x256xf32>
    %get3A_576 = arith.constant 0 : index
    %get3A_577 = arith.constant 13 : index
    %get3A_578 = arith.constant 0 : index
    %get3A_579 = arith.constant 0 : index
    %get3A_580 = vector.load %arg3[%get3A_576, %get3A_577, %get3A_578, %get3A_579] : memref<1x16x128x384xi32, #tpu.memory_space<vmem>>, vector<1x1x128x256xi32>
    %get3A_581 = vector.shape_cast %get3A_580 : vector<1x1x128x256xi32> to vector<128x256xi32>
    %shift_left3A_582 = arith.constant 16 : i32
    %shift_left3A_583 = vector.broadcast %shift_left3A_582 : i32 to vector<128x256xi32>
    %shift_left3A_584 = arith.shli %get3A_581, %shift_left3A_583 : vector<128x256xi32>
    %bitcast_convert_type3A_585 = tpu.bitcast %shift_left3A_584 : vector<128x256xi32> -> vector<128x256xf32>
    %slice3A_586 = vector.extract_strided_slice %add3A_176 {offsets = [1664, 0], sizes = [128, 256], strides = [1, 1]} : vector<2048x256xf32> to vector<128x256xf32>
    %add3A_587 = arith.addf %bitcast_convert_type3A_585, %slice3A_586 : vector<128x256xf32>
    %add3A_588 = arith.addf %add3A_571, %exp3A_575 : vector<128x256xf32>
    %mul3A_589 = arith.mulf %exp3A_575, %add3A_587 : vector<128x256xf32>
    %add3A_590 = arith.addf %add3A_573, %mul3A_589 : vector<128x256xf32>
    %slice3A_591 = vector.extract_strided_slice %add3A_352 {offsets = [1792, 0], sizes = [128, 256], strides = [1, 1]} : vector<2048x256xf32> to vector<128x256xf32>
    %exp3A_592 = math.exp %slice3A_591 : vector<128x256xf32>
    %get3A_593 = arith.constant 0 : index
    %get3A_594 = arith.constant 14 : index
    %get3A_595 = arith.constant 0 : index
    %get3A_596 = arith.constant 0 : index
    %get3A_597 = vector.load %arg3[%get3A_593, %get3A_594, %get3A_595, %get3A_596] : memref<1x16x128x384xi32, #tpu.memory_space<vmem>>, vector<1x1x128x256xi32>
    %get3A_598 = vector.shape_cast %get3A_597 : vector<1x1x128x256xi32> to vector<128x256xi32>
    %shift_left3A_599 = arith.constant 16 : i32
    %shift_left3A_600 = vector.broadcast %shift_left3A_599 : i32 to vector<128x256xi32>
    %shift_left3A_601 = arith.shli %get3A_598, %shift_left3A_600 : vector<128x256xi32>
    %bitcast_convert_type3A_602 = tpu.bitcast %shift_left3A_601 : vector<128x256xi32> -> vector<128x256xf32>
    %slice3A_603 = vector.extract_strided_slice %add3A_176 {offsets = [1792, 0], sizes = [128, 256], strides = [1, 1]} : vector<2048x256xf32> to vector<128x256xf32>
    %add3A_604 = arith.addf %bitcast_convert_type3A_602, %slice3A_603 : vector<128x256xf32>
    %add3A_605 = arith.addf %add3A_588, %exp3A_592 : vector<128x256xf32>
    %mul3A_606 = arith.mulf %exp3A_592, %add3A_604 : vector<128x256xf32>
    %add3A_607 = arith.addf %add3A_590, %mul3A_606 : vector<128x256xf32>
    %slice3A_608 = vector.extract_strided_slice %add3A_352 {offsets = [1920, 0], sizes = [128, 256], strides = [1, 1]} : vector<2048x256xf32> to vector<128x256xf32>
    %exp3A_609 = math.exp %slice3A_608 : vector<128x256xf32>
    %get3A_610 = arith.constant 0 : index
    %get3A_611 = arith.constant 15 : index
    %get3A_612 = arith.constant 0 : index
    %get3A_613 = arith.constant 0 : index
    %get3A_614 = vector.load %arg3[%get3A_610, %get3A_611, %get3A_612, %get3A_613] : memref<1x16x128x384xi32, #tpu.memory_space<vmem>>, vector<1x1x128x256xi32>
    %get3A_615 = vector.shape_cast %get3A_614 : vector<1x1x128x256xi32> to vector<128x256xi32>
    %shift_left3A_616 = arith.constant 16 : i32
    %shift_left3A_617 = vector.broadcast %shift_left3A_616 : i32 to vector<128x256xi32>
    %shift_left3A_618 = arith.shli %get3A_615, %shift_left3A_617 : vector<128x256xi32>
    %bitcast_convert_type3A_619 = tpu.bitcast %shift_left3A_618 : vector<128x256xi32> -> vector<128x256xf32>
    %slice3A_620 = vector.extract_strided_slice %add3A_176 {offsets = [1920, 0], sizes = [128, 256], strides = [1, 1]} : vector<2048x256xf32> to vector<128x256xf32>
    %add3A_621 = arith.addf %bitcast_convert_type3A_619, %slice3A_620 : vector<128x256xf32>
    %add3A_622 = arith.addf %add3A_605, %exp3A_609 : vector<128x256xf32>
    %mul3A_623 = arith.mulf %exp3A_609, %add3A_621 : vector<128x256xf32>
    %add3A_624 = arith.addf %add3A_607, %mul3A_623 : vector<128x256xf32>
    %div3A = arith.divf %add3A_624, %add3A_622 : vector<128x256xf32>
    %get3A_625 = arith.constant 0 : index
    %get3A_626 = arith.constant 0 : index
    %get3A_627 = vector.load %arg14[%get3A_625, %get3A_626] : memref<256x256xf32, #tpu.memory_space<vmem>>, vector<256x256xf32>
    %convert_element_type3A_628 = arith.truncf %get3A_627 : vector<256x256xf32> to vector<256x256xbf16>
    %convert_element_type3A_629 = arith.truncf %div3A : vector<128x256xf32> to vector<128x256xbf16>
    %dot_general3A_630 = arith.constant dense<0.000000e+00> : vector<128x256xf32>
    %dot_general3A_631 = tpu.matmul %convert_element_type3A_629, %convert_element_type3A_628, %dot_general3A_630 {dimension_numbers = #tpu.dot_dimension_numbers<[1], [0], [0], [1], [0, 0, 1, 1], [], []>, transpose_lhs_hint = false} : vector<128x256xbf16>, vector<256x256xbf16>, vector<128x256xf32> -> vector<128x256xf32>
    %get3A_632 = arith.constant 0 : index
    %get3A_633 = arith.constant 0 : index
    %get3A_634 = vector.load %arg15[%get3A_632, %get3A_633] : memref<1x256xf32, #tpu.memory_space<vmem>>, vector<1x256xf32>
    %add3A_635 = vector.broadcast %get3A_634 : vector<1x256xf32> to vector<128x256xf32>
    %add3A_636 = arith.addf %dot_general3A_631, %add3A_635 : vector<128x256xf32>
    %get3A_637 = arith.constant 0 : index
    %get3A_638 = arith.constant 0 : index
    %get3A_639 = arith.constant 0 : index
    %get3A_640 = vector.load %arg5[%get3A_637, %get3A_638, %get3A_639] : memref<1x128x256xf32, #tpu.memory_space<vmem>>, vector<1x128x256xf32>
    %get3A_641 = vector.shape_cast %get3A_640 : vector<1x128x256xf32> to vector<128x256xf32>
    %add3A_642 = arith.addf %add3A_636, %get3A_641 : vector<128x256xf32>
    %swap3A = arith.constant 0 : index
    %swap3A_643 = arith.constant 0 : index
    %swap3A_644 = arith.constant 0 : index
    %swap3A_645 = vector.load %arg16[%swap3A, %swap3A_643, %swap3A_644] : memref<1x128x256xf32, #tpu.memory_space<vmem>>, vector<1x128x256xf32>
    %swap3A_646 = vector.shape_cast %swap3A_645 : vector<1x128x256xf32> to vector<128x256xf32>
    %swap3A_647 = vector.shape_cast %add3A_642 : vector<128x256xf32> to vector<1x128x256xf32>
    tpu.vector_store %arg16[%swap3A, %swap3A_643, %swap3A_644], %swap3A_647 {strides = array<i32>} : memref<1x128x256xf32, #tpu.memory_space<vmem>>, vector<1x128x256xf32>,
    return
  }
  func.func @transform_0(%arg0: i32, %arg1: i32) -> (i32, i32, i32) {
    %c0_i32 = arith.constant 0 : i32
    %c0_i32_0 = arith.constant 0 : i32
    return %arg0, %arg1, %c0_i32 : i32, i32, i32
  }
  func.func @transform_1(%arg0: i32, %arg1: i32) -> (i32, i32, i32, i32) {
    %c0_i32 = arith.constant 0 : i32
    %c0_i32_0 = arith.constant 0 : i32
    %c0_i32_1 = arith.constant 0 : i32
    return %arg0, %c0_i32, %arg1, %c0_i32_0 : i32, i32, i32, i32
  }
  func.func @transform_2(%arg0: i32, %arg1: i32) -> (i32, i32, i32) {
    %c0_i32 = arith.constant 0 : i32
    %c0_i32_0 = arith.constant 0 : i32
    return %arg0, %arg1, %c0_i32 : i32, i32, i32
  }
  func.func @transform_3(%arg0: i32, %arg1: i32) -> (i32, i32, i32) {
    %c0_i32 = arith.constant 0 : i32
    %c0_i32_0 = arith.constant 0 : i32
    return %arg0, %arg1, %c0_i32 : i32, i32, i32
  }
  func.func @transform_4(%arg0: i32, %arg1: i32) -> (i32, i32) {
    %c0_i32 = arith.constant 0 : i32
    %c0_i32_0 = arith.constant 0 : i32
    %c0_i32_1 = arith.constant 0 : i32
    return %c0_i32, %c0_i32_0 : i32, i32
  }
  func.func @transform_5(%arg0: i32, %arg1: i32) -> (i32, i32) {
    %c0_i32 = arith.constant 0 : i32
    %c0_i32_0 = arith.constant 0 : i32
    %c0_i32_1 = arith.constant 0 : i32
    return %c0_i32, %c0_i32_0 : i32, i32
  }
  func.func @transform_6(%arg0: i32, %arg1: i32) -> (i32, i32) {
    %c0_i32 = arith.constant 0 : i32
    %c0_i32_0 = arith.constant 0 : i32
    %c0_i32_1 = arith.constant 0 : i32
    return %c0_i32, %c0_i32_0 : i32, i32
  }
  func.func @transform_7(%arg0: i32, %arg1: i32) -> (i32, i32) {
    %c0_i32 = arith.constant 0 : i32
    %c0_i32_0 = arith.constant 0 : i32
    %c0_i32_1 = arith.constant 0 : i32
    return %c0_i32, %c0_i32_0 : i32, i32
  }
  func.func @transform_8(%arg0: i32, %arg1: i32) -> (i32, i32) {
    %c0_i32 = arith.constant 0 : i32
    %c0_i32_0 = arith.constant 0 : i32
    %c0_i32_1 = arith.constant 0 : i32
    return %c0_i32, %c0_i32_0 : i32, i32
  }
  func.func @transform_9(%arg0: i32, %arg1: i32) -> (i32, i32) {
    %c0_i32 = arith.constant 0 : i32
    %c0_i32_0 = arith.constant 0 : i32
    %c0_i32_1 = arith.constant 0 : i32
    return %c0_i32, %c0_i32_0 : i32, i32
  }
  func.func @transform_10(%arg0: i32, %arg1: i32) -> (i32, i32) {
    %c0_i32 = arith.constant 0 : i32
    %c0_i32_0 = arith.constant 0 : i32
    %c0_i32_1 = arith.constant 0 : i32
    return %c0_i32, %c0_i32_0 : i32, i32
  }
  func.func @transform_11(%arg0: i32, %arg1: i32) -> (i32, i32) {
    %c0_i32 = arith.constant 0 : i32
    %c0_i32_0 = arith.constant 0 : i32
    %c0_i32_1 = arith.constant 0 : i32
    return %c0_i32, %c0_i32_0 : i32, i32
  }
  func.func @transform_12(%arg0: i32, %arg1: i32) -> (i32, i32) {
    %c0_i32 = arith.constant 0 : i32
    %c0_i32_0 = arith.constant 0 : i32
    %c0_i32_1 = arith.constant 0 : i32
    return %c0_i32, %c0_i32_0 : i32, i32
  }
  func.func @transform_13(%arg0: i32, %arg1: i32) -> (i32, i32) {
    %c0_i32 = arith.constant 0 : i32
    %c0_i32_0 = arith.constant 0 : i32
    %c0_i32_1 = arith.constant 0 : i32
    return %c0_i32, %c0_i32_0 : i32, i32
  }
  func.func @transform_14(%arg0: i32, %arg1: i32) -> (i32, i32, i32) {
    %c0_i32 = arith.constant 0 : i32
    %c0_i32_0 = arith.constant 0 : i32
    return %arg0, %arg1, %c0_i32 : i32, i32, i32
  }
}

module attributes {stable_mosaic.version = 14 : i64} {
  func.func @_cross_attn_body(%arg0: i32, %arg1: i32, %arg2: memref<1x128x256xf32, #tpu.memory_space<vmem>>, %arg3: memref<1x16x128x384xi32, #tpu.memory_space<vmem>>, %arg4: memref<1x128x3xf32, #tpu.memory_space<vmem>>, %arg5: memref<256x256xf32, #tpu.memory_space<vmem>>, %arg6: memref<1x256xf32, #tpu.memory_space<vmem>>, %arg7: memref<3x256xf32, #tpu.memory_space<vmem>>, %arg8: memref<1x256xf32, #tpu.memory_space<vmem>>, %arg9: memref<256x256xf32, #tpu.memory_space<vmem>>, %arg10: memref<1x256xf32, #tpu.memory_space<vmem>>, %arg11: memref<256x256xf32, #tpu.memory_space<vmem>>, %arg12: memref<1x256xf32, #tpu.memory_space<vmem>>, %arg13: memref<256x256xf32, #tpu.memory_space<vmem>>, %arg14: memref<1x256xf32, #tpu.memory_space<vmem>>, %arg15: memref<256x256xf32, #tpu.memory_space<vmem>>, %arg16: memref<1x256xf32, #tpu.memory_space<vmem>>, %arg17: memref<256x256xf32, #tpu.memory_space<vmem>>, %arg18: memref<1x256xf32, #tpu.memory_space<vmem>>, %arg19: memref<256x3xf32, #tpu.memory_space<vmem>>, %arg20: memref<1x3xf32, #tpu.memory_space<vmem>>, %arg21: memref<1x128x256xf32, #tpu.memory_space<vmem>>, %arg22: memref<1x128x3xf32, #tpu.memory_space<vmem>>) attributes {dimension_semantics = [#tpu.dimension_semantics<arbitrary>, #tpu.dimension_semantics<arbitrary>], iteration_bounds = array<i64: 8, 4>, scalar_prefetch = 0 : i64, scratch_operands = 0 : i64, tpu.core_type = #tpu.core_type<tc>, window_params = [{transform_indices = @transform_0, window_bounds = array<i64: 1, 128, 256>}, {transform_indices = @transform_1, window_bounds = array<i64: 1, 16, 128, 384>}, {transform_indices = @transform_2, window_bounds = array<i64: 1, 128, 3>}, {pipeline_mode = #tpu.pipeline_mode<synchronous>, transform_indices = @transform_3, window_bounds = array<i64: 256, 256>}, {pipeline_mode = #tpu.pipeline_mode<synchronous>, transform_indices = @transform_4, window_bounds = array<i64: 1, 256>}, {pipeline_mode = #tpu.pipeline_mode<synchronous>, transform_indices = @transform_5, window_bounds = array<i64: 3, 256>}, {pipeline_mode = #tpu.pipeline_mode<synchronous>, transform_indices = @transform_6, window_bounds = array<i64: 1, 256>}, {pipeline_mode = #tpu.pipeline_mode<synchronous>, transform_indices = @transform_7, window_bounds = array<i64: 256, 256>}, {pipeline_mode = #tpu.pipeline_mode<synchronous>, transform_indices = @transform_8, window_bounds = array<i64: 1, 256>}, {pipeline_mode = #tpu.pipeline_mode<synchronous>, transform_indices = @transform_9, window_bounds = array<i64: 256, 256>}, {pipeline_mode = #tpu.pipeline_mode<synchronous>, transform_indices = @transform_10, window_bounds = array<i64: 1, 256>}, {pipeline_mode = #tpu.pipeline_mode<synchronous>, transform_indices = @transform_11, window_bounds = array<i64: 256, 256>}, {pipeline_mode = #tpu.pipeline_mode<synchronous>, transform_indices = @transform_12, window_bounds = array<i64: 1, 256>}, {pipeline_mode = #tpu.pipeline_mode<synchronous>, transform_indices = @transform_13, window_bounds = array<i64: 256, 256>}, {pipeline_mode = #tpu.pipeline_mode<synchronous>, transform_indices = @transform_14, window_bounds = array<i64: 1, 256>}, {pipeline_mode = #tpu.pipeline_mode<synchronous>, transform_indices = @transform_15, window_bounds = array<i64: 256, 256>}, {pipeline_mode = #tpu.pipeline_mode<synchronous>, transform_indices = @transform_16, window_bounds = array<i64: 1, 256>}, {pipeline_mode = #tpu.pipeline_mode<synchronous>, transform_indices = @transform_17, window_bounds = array<i64: 256, 3>}, {pipeline_mode = #tpu.pipeline_mode<synchronous>, transform_indices = @transform_18, window_bounds = array<i64: 1, 3>}, {transform_indices = @transform_19, window_bounds = array<i64: 1, 128, 256>}, {transform_indices = @transform_20, window_bounds = array<i64: 1, 128, 3>}]} {
    %get3A = arith.constant 0 : index
    %get3A_0 = arith.constant 0 : index
    %get3A_1 = arith.constant 0 : index
    %get3A_2 = vector.load %arg2[%get3A, %get3A_0, %get3A_1] : memref<1x128x256xf32, #tpu.memory_space<vmem>>, vector<1x128x256xf32>
    %get3A_3 = vector.shape_cast %get3A_2 : vector<1x128x256xf32> to vector<128x256xf32>
    %get3A_4 = arith.constant 0 : index
    %get3A_5 = arith.constant 0 : index
    %get3A_6 = vector.load %arg5[%get3A_4, %get3A_5] : memref<256x256xf32, #tpu.memory_space<vmem>>, vector<256x256xf32>
    %convert_element_type3A = arith.truncf %get3A_6 : vector<256x256xf32> to vector<256x256xbf16>
    %convert_element_type3A_7 = arith.truncf %get3A_3 : vector<128x256xf32> to vector<128x256xbf16>
    %dot_general3A = arith.constant dense<0.000000e+00> : vector<128x256xf32>
    %dot_general3A_8 = tpu.matmul %convert_element_type3A_7, %convert_element_type3A, %dot_general3A {dimension_numbers = #tpu.dot_dimension_numbers<[1], [0], [0], [1], [0, 0, 1, 1], [], []>, transpose_lhs_hint = false} : vector<128x256xbf16>, vector<256x256xbf16>, vector<128x256xf32> -> vector<128x256xf32>
    %get3A_9 = arith.constant 0 : index
    %get3A_10 = arith.constant 0 : index
    %get3A_11 = vector.load %arg6[%get3A_9, %get3A_10] : memref<1x256xf32, #tpu.memory_space<vmem>>, vector<1x256xf32>
    %add3A = vector.broadcast %get3A_11 : vector<1x256xf32> to vector<128x256xf32>
    %add3A_12 = arith.addf %dot_general3A_8, %add3A : vector<128x256xf32>
    %get3A_13 = arith.constant 0 : index
    %get3A_14 = arith.constant 0 : index
    %get3A_15 = arith.constant 0 : index
    %get3A_16 = vector.load %arg4[%get3A_13, %get3A_14, %get3A_15] : memref<1x128x3xf32, #tpu.memory_space<vmem>>, vector<1x128x3xf32>
    %get3A_17 = vector.shape_cast %get3A_16 : vector<1x128x3xf32> to vector<128x3xf32>
    %get3A_18 = arith.constant 0 : index
    %get3A_19 = arith.constant 0 : index
    %get3A_20 = vector.load %arg7[%get3A_18, %get3A_19] : memref<3x256xf32, #tpu.memory_space<vmem>>, vector<3x256xf32>
    %convert_element_type3A_21 = arith.truncf %get3A_20 : vector<3x256xf32> to vector<3x256xbf16>
    %get3A_22 = arith.constant 0 : index
    %get3A_23 = arith.constant 0 : index
    %get3A_24 = vector.load %arg8[%get3A_22, %get3A_23] : memref<1x256xf32, #tpu.memory_space<vmem>>, vector<1x256xf32>
    %get3A_25 = arith.constant 0 : index
    %get3A_26 = arith.constant 0 : index
    %get3A_27 = vector.load %arg9[%get3A_25, %get3A_26] : memref<256x256xf32, #tpu.memory_space<vmem>>, vector<256x256xf32>
    %convert_element_type3A_28 = arith.truncf %get3A_27 : vector<256x256xf32> to vector<256x256xbf16>
    %get3A_29 = arith.constant 0 : index
    %get3A_30 = arith.constant 0 : index
    %get3A_31 = vector.load %arg10[%get3A_29, %get3A_30] : memref<1x256xf32, #tpu.memory_space<vmem>>, vector<1x256xf32>
    %get3A_32 = arith.constant 0 : index
    %get3A_33 = arith.constant 0 : index
    %get3A_34 = vector.load %arg11[%get3A_32, %get3A_33] : memref<256x256xf32, #tpu.memory_space<vmem>>, vector<256x256xf32>
    %convert_element_type3A_35 = arith.truncf %get3A_34 : vector<256x256xf32> to vector<256x256xbf16>
    %get3A_36 = arith.constant 0 : index
    %get3A_37 = arith.constant 0 : index
    %get3A_38 = vector.load %arg12[%get3A_36, %get3A_37] : memref<1x256xf32, #tpu.memory_space<vmem>>, vector<1x256xf32>
    %get3A_39 = arith.constant 0 : index
    %get3A_40 = arith.constant 0 : index
    %get3A_41 = vector.load %arg13[%get3A_39, %get3A_40] : memref<256x256xf32, #tpu.memory_space<vmem>>, vector<256x256xf32>
    %mul3A = arith.constant 6.250000e-02 : f32
    %mul3A_42 = vector.broadcast %mul3A : f32 to vector<256x256xf32>
    %mul3A_43 = arith.mulf %get3A_41, %mul3A_42 : vector<256x256xf32>
    %convert_element_type3A_44 = arith.truncf %mul3A_43 : vector<256x256xf32> to vector<256x256xbf16>
    %get3A_45 = arith.constant 0 : index
    %get3A_46 = arith.constant 0 : index
    %get3A_47 = vector.load %arg14[%get3A_45, %get3A_46] : memref<1x256xf32, #tpu.memory_space<vmem>>, vector<1x256xf32>
    %mul3A_48 = arith.constant 6.250000e-02 : f32
    %mul3A_49 = vector.broadcast %mul3A_48 : f32 to vector<1x256xf32>
    %mul3A_50 = arith.mulf %get3A_47, %mul3A_49 : vector<1x256xf32>
    %get3A_51 = arith.constant 0 : index
    %get3A_52 = arith.constant 0 : index
    %get3A_53 = arith.constant 0 : index
    %get3A_54 = arith.constant 256 : index
    %get3A_55 = vector.load %arg3[%get3A_51, %get3A_52, %get3A_53, %get3A_54] : memref<1x16x128x384xi32, #tpu.memory_space<vmem>>, vector<1x1x128x3xi32>
    %get3A_56 = vector.shape_cast %get3A_55 : vector<1x1x128x3xi32> to vector<128x3xi32>
    %bitcast_convert_type3A = tpu.bitcast %get3A_56 : vector<128x3xi32> -> vector<128x3xf32>
    %sub3A = arith.subf %get3A_17, %bitcast_convert_type3A : vector<128x3xf32>
    %get3A_57 = arith.constant 0 : index
    %get3A_58 = arith.constant 1 : index
    %get3A_59 = arith.constant 0 : index
    %get3A_60 = arith.constant 256 : index
    %get3A_61 = vector.load %arg3[%get3A_57, %get3A_58, %get3A_59, %get3A_60] : memref<1x16x128x384xi32, #tpu.memory_space<vmem>>, vector<1x1x128x3xi32>
    %get3A_62 = vector.shape_cast %get3A_61 : vector<1x1x128x3xi32> to vector<128x3xi32>
    %bitcast_convert_type3A_63 = tpu.bitcast %get3A_62 : vector<128x3xi32> -> vector<128x3xf32>
    %sub3A_64 = arith.subf %get3A_17, %bitcast_convert_type3A_63 : vector<128x3xf32>
    %get3A_65 = arith.constant 0 : index
    %get3A_66 = arith.constant 2 : index
    %get3A_67 = arith.constant 0 : index
    %get3A_68 = arith.constant 256 : index
    %get3A_69 = vector.load %arg3[%get3A_65, %get3A_66, %get3A_67, %get3A_68] : memref<1x16x128x384xi32, #tpu.memory_space<vmem>>, vector<1x1x128x3xi32>
    %get3A_70 = vector.shape_cast %get3A_69 : vector<1x1x128x3xi32> to vector<128x3xi32>
    %bitcast_convert_type3A_71 = tpu.bitcast %get3A_70 : vector<128x3xi32> -> vector<128x3xf32>
    %sub3A_72 = arith.subf %get3A_17, %bitcast_convert_type3A_71 : vector<128x3xf32>
    %get3A_73 = arith.constant 0 : index
    %get3A_74 = arith.constant 3 : index
    %get3A_75 = arith.constant 0 : index
    %get3A_76 = arith.constant 256 : index
    %get3A_77 = vector.load %arg3[%get3A_73, %get3A_74, %get3A_75, %get3A_76] : memref<1x16x128x384xi32, #tpu.memory_space<vmem>>, vector<1x1x128x3xi32>
    %get3A_78 = vector.shape_cast %get3A_77 : vector<1x1x128x3xi32> to vector<128x3xi32>
    %bitcast_convert_type3A_79 = tpu.bitcast %get3A_78 : vector<128x3xi32> -> vector<128x3xf32>
    %sub3A_80 = arith.subf %get3A_17, %bitcast_convert_type3A_79 : vector<128x3xf32>
    %get3A_81 = arith.constant 0 : index
    %get3A_82 = arith.constant 4 : index
    %get3A_83 = arith.constant 0 : index
    %get3A_84 = arith.constant 256 : index
    %get3A_85 = vector.load %arg3[%get3A_81, %get3A_82, %get3A_83, %get3A_84] : memref<1x16x128x384xi32, #tpu.memory_space<vmem>>, vector<1x1x128x3xi32>
    %get3A_86 = vector.shape_cast %get3A_85 : vector<1x1x128x3xi32> to vector<128x3xi32>
    %bitcast_convert_type3A_87 = tpu.bitcast %get3A_86 : vector<128x3xi32> -> vector<128x3xf32>
    %sub3A_88 = arith.subf %get3A_17, %bitcast_convert_type3A_87 : vector<128x3xf32>
    %get3A_89 = arith.constant 0 : index
    %get3A_90 = arith.constant 5 : index
    %get3A_91 = arith.constant 0 : index
    %get3A_92 = arith.constant 256 : index
    %get3A_93 = vector.load %arg3[%get3A_89, %get3A_90, %get3A_91, %get3A_92] : memref<1x16x128x384xi32, #tpu.memory_space<vmem>>, vector<1x1x128x3xi32>
    %get3A_94 = vector.shape_cast %get3A_93 : vector<1x1x128x3xi32> to vector<128x3xi32>
    %bitcast_convert_type3A_95 = tpu.bitcast %get3A_94 : vector<128x3xi32> -> vector<128x3xf32>
    %sub3A_96 = arith.subf %get3A_17, %bitcast_convert_type3A_95 : vector<128x3xf32>
    %get3A_97 = arith.constant 0 : index
    %get3A_98 = arith.constant 6 : index
    %get3A_99 = arith.constant 0 : index
    %get3A_100 = arith.constant 256 : index
    %get3A_101 = vector.load %arg3[%get3A_97, %get3A_98, %get3A_99, %get3A_100] : memref<1x16x128x384xi32, #tpu.memory_space<vmem>>, vector<1x1x128x3xi32>
    %get3A_102 = vector.shape_cast %get3A_101 : vector<1x1x128x3xi32> to vector<128x3xi32>
    %bitcast_convert_type3A_103 = tpu.bitcast %get3A_102 : vector<128x3xi32> -> vector<128x3xf32>
    %sub3A_104 = arith.subf %get3A_17, %bitcast_convert_type3A_103 : vector<128x3xf32>
    %get3A_105 = arith.constant 0 : index
    %get3A_106 = arith.constant 7 : index
    %get3A_107 = arith.constant 0 : index
    %get3A_108 = arith.constant 256 : index
    %get3A_109 = vector.load %arg3[%get3A_105, %get3A_106, %get3A_107, %get3A_108] : memref<1x16x128x384xi32, #tpu.memory_space<vmem>>, vector<1x1x128x3xi32>
    %get3A_110 = vector.shape_cast %get3A_109 : vector<1x1x128x3xi32> to vector<128x3xi32>
    %bitcast_convert_type3A_111 = tpu.bitcast %get3A_110 : vector<128x3xi32> -> vector<128x3xf32>
    %sub3A_112 = arith.subf %get3A_17, %bitcast_convert_type3A_111 : vector<128x3xf32>
    %get3A_113 = arith.constant 0 : index
    %get3A_114 = arith.constant 8 : index
    %get3A_115 = arith.constant 0 : index
    %get3A_116 = arith.constant 256 : index
    %get3A_117 = vector.load %arg3[%get3A_113, %get3A_114, %get3A_115, %get3A_116] : memref<1x16x128x384xi32, #tpu.memory_space<vmem>>, vector<1x1x128x3xi32>
    %get3A_118 = vector.shape_cast %get3A_117 : vector<1x1x128x3xi32> to vector<128x3xi32>
    %bitcast_convert_type3A_119 = tpu.bitcast %get3A_118 : vector<128x3xi32> -> vector<128x3xf32>
    %sub3A_120 = arith.subf %get3A_17, %bitcast_convert_type3A_119 : vector<128x3xf32>
    %get3A_121 = arith.constant 0 : index
    %get3A_122 = arith.constant 9 : index
    %get3A_123 = arith.constant 0 : index
    %get3A_124 = arith.constant 256 : index
    %get3A_125 = vector.load %arg3[%get3A_121, %get3A_122, %get3A_123, %get3A_124] : memref<1x16x128x384xi32, #tpu.memory_space<vmem>>, vector<1x1x128x3xi32>
    %get3A_126 = vector.shape_cast %get3A_125 : vector<1x1x128x3xi32> to vector<128x3xi32>
    %bitcast_convert_type3A_127 = tpu.bitcast %get3A_126 : vector<128x3xi32> -> vector<128x3xf32>
    %sub3A_128 = arith.subf %get3A_17, %bitcast_convert_type3A_127 : vector<128x3xf32>
    %get3A_129 = arith.constant 0 : index
    %get3A_130 = arith.constant 10 : index
    %get3A_131 = arith.constant 0 : index
    %get3A_132 = arith.constant 256 : index
    %get3A_133 = vector.load %arg3[%get3A_129, %get3A_130, %get3A_131, %get3A_132] : memref<1x16x128x384xi32, #tpu.memory_space<vmem>>, vector<1x1x128x3xi32>
    %get3A_134 = vector.shape_cast %get3A_133 : vector<1x1x128x3xi32> to vector<128x3xi32>
    %bitcast_convert_type3A_135 = tpu.bitcast %get3A_134 : vector<128x3xi32> -> vector<128x3xf32>
    %sub3A_136 = arith.subf %get3A_17, %bitcast_convert_type3A_135 : vector<128x3xf32>
    %get3A_137 = arith.constant 0 : index
    %get3A_138 = arith.constant 11 : index
    %get3A_139 = arith.constant 0 : index
    %get3A_140 = arith.constant 256 : index
    %get3A_141 = vector.load %arg3[%get3A_137, %get3A_138, %get3A_139, %get3A_140] : memref<1x16x128x384xi32, #tpu.memory_space<vmem>>, vector<1x1x128x3xi32>
    %get3A_142 = vector.shape_cast %get3A_141 : vector<1x1x128x3xi32> to vector<128x3xi32>
    %bitcast_convert_type3A_143 = tpu.bitcast %get3A_142 : vector<128x3xi32> -> vector<128x3xf32>
    %sub3A_144 = arith.subf %get3A_17, %bitcast_convert_type3A_143 : vector<128x3xf32>
    %get3A_145 = arith.constant 0 : index
    %get3A_146 = arith.constant 12 : index
    %get3A_147 = arith.constant 0 : index
    %get3A_148 = arith.constant 256 : index
    %get3A_149 = vector.load %arg3[%get3A_145, %get3A_146, %get3A_147, %get3A_148] : memref<1x16x128x384xi32, #tpu.memory_space<vmem>>, vector<1x1x128x3xi32>
    %get3A_150 = vector.shape_cast %get3A_149 : vector<1x1x128x3xi32> to vector<128x3xi32>
    %bitcast_convert_type3A_151 = tpu.bitcast %get3A_150 : vector<128x3xi32> -> vector<128x3xf32>
    %sub3A_152 = arith.subf %get3A_17, %bitcast_convert_type3A_151 : vector<128x3xf32>
    %get3A_153 = arith.constant 0 : index
    %get3A_154 = arith.constant 13 : index
    %get3A_155 = arith.constant 0 : index
    %get3A_156 = arith.constant 256 : index
    %get3A_157 = vector.load %arg3[%get3A_153, %get3A_154, %get3A_155, %get3A_156] : memref<1x16x128x384xi32, #tpu.memory_space<vmem>>, vector<1x1x128x3xi32>
    %get3A_158 = vector.shape_cast %get3A_157 : vector<1x1x128x3xi32> to vector<128x3xi32>
    %bitcast_convert_type3A_159 = tpu.bitcast %get3A_158 : vector<128x3xi32> -> vector<128x3xf32>
    %sub3A_160 = arith.subf %get3A_17, %bitcast_convert_type3A_159 : vector<128x3xf32>
    %get3A_161 = arith.constant 0 : index
    %get3A_162 = arith.constant 14 : index
    %get3A_163 = arith.constant 0 : index
    %get3A_164 = arith.constant 256 : index
    %get3A_165 = vector.load %arg3[%get3A_161, %get3A_162, %get3A_163, %get3A_164] : memref<1x16x128x384xi32, #tpu.memory_space<vmem>>, vector<1x1x128x3xi32>
    %get3A_166 = vector.shape_cast %get3A_165 : vector<1x1x128x3xi32> to vector<128x3xi32>
    %bitcast_convert_type3A_167 = tpu.bitcast %get3A_166 : vector<128x3xi32> -> vector<128x3xf32>
    %sub3A_168 = arith.subf %get3A_17, %bitcast_convert_type3A_167 : vector<128x3xf32>
    %get3A_169 = arith.constant 0 : index
    %get3A_170 = arith.constant 15 : index
    %get3A_171 = arith.constant 0 : index
    %get3A_172 = arith.constant 256 : index
    %get3A_173 = vector.load %arg3[%get3A_169, %get3A_170, %get3A_171, %get3A_172] : memref<1x16x128x384xi32, #tpu.memory_space<vmem>>, vector<1x1x128x3xi32>
    %get3A_174 = vector.shape_cast %get3A_173 : vector<1x1x128x3xi32> to vector<128x3xi32>
    %bitcast_convert_type3A_175 = tpu.bitcast %get3A_174 : vector<128x3xi32> -> vector<128x3xf32>
    %sub3A_176 = arith.subf %get3A_17, %bitcast_convert_type3A_175 : vector<128x3xf32>
    %concatenate3A = tpu.concatenate %sub3A, %sub3A_64, %sub3A_72, %sub3A_80, %sub3A_88, %sub3A_96, %sub3A_104, %sub3A_112, %sub3A_120, %sub3A_128, %sub3A_136, %sub3A_144, %sub3A_152, %sub3A_160, %sub3A_168, %sub3A_176 in 0 : vector<128x3xf32>, vector<128x3xf32>, vector<128x3xf32>, vector<128x3xf32>, vector<128x3xf32>, vector<128x3xf32>, vector<128x3xf32>, vector<128x3xf32>, vector<128x3xf32>, vector<128x3xf32>, vector<128x3xf32>, vector<128x3xf32>, vector<128x3xf32>, vector<128x3xf32>, vector<128x3xf32>, vector<128x3xf32> -> vector<2048x3xf32>
    %convert_element_type3A_177 = arith.truncf %concatenate3A : vector<2048x3xf32> to vector<2048x3xbf16>
    %dot_general3A_178 = arith.constant dense<0.000000e+00> : vector<2048x256xf32>
    %dot_general3A_179 = tpu.matmul %convert_element_type3A_177, %convert_element_type3A_21, %dot_general3A_178 {dimension_numbers = #tpu.dot_dimension_numbers<[1], [0], [0], [1], [0, 0, 1, 1], [], []>, transpose_lhs_hint = false} : vector<2048x3xbf16>, vector<3x256xbf16>, vector<2048x256xf32> -> vector<2048x256xf32>
    %add3A_180 = vector.broadcast %get3A_24 : vector<1x256xf32> to vector<2048x256xf32>
    %add3A_181 = arith.addf %dot_general3A_179, %add3A_180 : vector<2048x256xf32>
    %max3A = arith.constant 0.000000e+00 : f32
    %max3A_182 = vector.broadcast %max3A : f32 to vector<2048x256xf32>
    %max3A_183 = arith.maximumf %add3A_181, %max3A_182 : vector<2048x256xf32>
    %convert_element_type3A_184 = arith.truncf %max3A_183 : vector<2048x256xf32> to vector<2048x256xbf16>
    %dot_general3A_185 = arith.constant dense<0.000000e+00> : vector<2048x256xf32>
    %dot_general3A_186 = tpu.matmul %convert_element_type3A_184, %convert_element_type3A_28, %dot_general3A_185 {dimension_numbers = #tpu.dot_dimension_numbers<[1], [0], [0], [1], [0, 0, 1, 1], [], []>, transpose_lhs_hint = false} : vector<2048x256xbf16>, vector<256x256xbf16>, vector<2048x256xf32> -> vector<2048x256xf32>
    %add3A_187 = vector.broadcast %get3A_31 : vector<1x256xf32> to vector<2048x256xf32>
    %add3A_188 = arith.addf %dot_general3A_186, %add3A_187 : vector<2048x256xf32>
    %get3A_189 = arith.constant 0 : index
    %get3A_190 = arith.constant 0 : index
    %get3A_191 = arith.constant 0 : index
    %get3A_192 = arith.constant 0 : index
    %get3A_193 = vector.load %arg3[%get3A_189, %get3A_190, %get3A_191, %get3A_192] : memref<1x16x128x384xi32, #tpu.memory_space<vmem>>, vector<1x1x128x256xi32>
    %get3A_194 = vector.shape_cast %get3A_193 : vector<1x1x128x256xi32> to vector<128x256xi32>
    %and3A = arith.constant -65536 : i32
    %and3A_195 = vector.broadcast %and3A : i32 to vector<128x256xi32>
    %and3A_196 = arith.andi %get3A_194, %and3A_195 : vector<128x256xi32>
    %bitcast_convert_type3A_197 = tpu.bitcast %and3A_196 : vector<128x256xi32> -> vector<128x256xf32>
    %get3A_198 = arith.constant 0 : index
    %get3A_199 = arith.constant 1 : index
    %get3A_200 = arith.constant 0 : index
    %get3A_201 = arith.constant 0 : index
    %get3A_202 = vector.load %arg3[%get3A_198, %get3A_199, %get3A_200, %get3A_201] : memref<1x16x128x384xi32, #tpu.memory_space<vmem>>, vector<1x1x128x256xi32>
    %get3A_203 = vector.shape_cast %get3A_202 : vector<1x1x128x256xi32> to vector<128x256xi32>
    %and3A_204 = arith.constant -65536 : i32
    %and3A_205 = vector.broadcast %and3A_204 : i32 to vector<128x256xi32>
    %and3A_206 = arith.andi %get3A_203, %and3A_205 : vector<128x256xi32>
    %bitcast_convert_type3A_207 = tpu.bitcast %and3A_206 : vector<128x256xi32> -> vector<128x256xf32>
    %get3A_208 = arith.constant 0 : index
    %get3A_209 = arith.constant 2 : index
    %get3A_210 = arith.constant 0 : index
    %get3A_211 = arith.constant 0 : index
    %get3A_212 = vector.load %arg3[%get3A_208, %get3A_209, %get3A_210, %get3A_211] : memref<1x16x128x384xi32, #tpu.memory_space<vmem>>, vector<1x1x128x256xi32>
    %get3A_213 = vector.shape_cast %get3A_212 : vector<1x1x128x256xi32> to vector<128x256xi32>
    %and3A_214 = arith.constant -65536 : i32
    %and3A_215 = vector.broadcast %and3A_214 : i32 to vector<128x256xi32>
    %and3A_216 = arith.andi %get3A_213, %and3A_215 : vector<128x256xi32>
    %bitcast_convert_type3A_217 = tpu.bitcast %and3A_216 : vector<128x256xi32> -> vector<128x256xf32>
    %get3A_218 = arith.constant 0 : index
    %get3A_219 = arith.constant 3 : index
    %get3A_220 = arith.constant 0 : index
    %get3A_221 = arith.constant 0 : index
    %get3A_222 = vector.load %arg3[%get3A_218, %get3A_219, %get3A_220, %get3A_221] : memref<1x16x128x384xi32, #tpu.memory_space<vmem>>, vector<1x1x128x256xi32>
    %get3A_223 = vector.shape_cast %get3A_222 : vector<1x1x128x256xi32> to vector<128x256xi32>
    %and3A_224 = arith.constant -65536 : i32
    %and3A_225 = vector.broadcast %and3A_224 : i32 to vector<128x256xi32>
    %and3A_226 = arith.andi %get3A_223, %and3A_225 : vector<128x256xi32>
    %bitcast_convert_type3A_227 = tpu.bitcast %and3A_226 : vector<128x256xi32> -> vector<128x256xf32>
    %get3A_228 = arith.constant 0 : index
    %get3A_229 = arith.constant 4 : index
    %get3A_230 = arith.constant 0 : index
    %get3A_231 = arith.constant 0 : index
    %get3A_232 = vector.load %arg3[%get3A_228, %get3A_229, %get3A_230, %get3A_231] : memref<1x16x128x384xi32, #tpu.memory_space<vmem>>, vector<1x1x128x256xi32>
    %get3A_233 = vector.shape_cast %get3A_232 : vector<1x1x128x256xi32> to vector<128x256xi32>
    %and3A_234 = arith.constant -65536 : i32
    %and3A_235 = vector.broadcast %and3A_234 : i32 to vector<128x256xi32>
    %and3A_236 = arith.andi %get3A_233, %and3A_235 : vector<128x256xi32>
    %bitcast_convert_type3A_237 = tpu.bitcast %and3A_236 : vector<128x256xi32> -> vector<128x256xf32>
    %get3A_238 = arith.constant 0 : index
    %get3A_239 = arith.constant 5 : index
    %get3A_240 = arith.constant 0 : index
    %get3A_241 = arith.constant 0 : index
    %get3A_242 = vector.load %arg3[%get3A_238, %get3A_239, %get3A_240, %get3A_241] : memref<1x16x128x384xi32, #tpu.memory_space<vmem>>, vector<1x1x128x256xi32>
    %get3A_243 = vector.shape_cast %get3A_242 : vector<1x1x128x256xi32> to vector<128x256xi32>
    %and3A_244 = arith.constant -65536 : i32
    %and3A_245 = vector.broadcast %and3A_244 : i32 to vector<128x256xi32>
    %and3A_246 = arith.andi %get3A_243, %and3A_245 : vector<128x256xi32>
    %bitcast_convert_type3A_247 = tpu.bitcast %and3A_246 : vector<128x256xi32> -> vector<128x256xf32>
    %get3A_248 = arith.constant 0 : index
    %get3A_249 = arith.constant 6 : index
    %get3A_250 = arith.constant 0 : index
    %get3A_251 = arith.constant 0 : index
    %get3A_252 = vector.load %arg3[%get3A_248, %get3A_249, %get3A_250, %get3A_251] : memref<1x16x128x384xi32, #tpu.memory_space<vmem>>, vector<1x1x128x256xi32>
    %get3A_253 = vector.shape_cast %get3A_252 : vector<1x1x128x256xi32> to vector<128x256xi32>
    %and3A_254 = arith.constant -65536 : i32
    %and3A_255 = vector.broadcast %and3A_254 : i32 to vector<128x256xi32>
    %and3A_256 = arith.andi %get3A_253, %and3A_255 : vector<128x256xi32>
    %bitcast_convert_type3A_257 = tpu.bitcast %and3A_256 : vector<128x256xi32> -> vector<128x256xf32>
    %get3A_258 = arith.constant 0 : index
    %get3A_259 = arith.constant 7 : index
    %get3A_260 = arith.constant 0 : index
    %get3A_261 = arith.constant 0 : index
    %get3A_262 = vector.load %arg3[%get3A_258, %get3A_259, %get3A_260, %get3A_261] : memref<1x16x128x384xi32, #tpu.memory_space<vmem>>, vector<1x1x128x256xi32>
    %get3A_263 = vector.shape_cast %get3A_262 : vector<1x1x128x256xi32> to vector<128x256xi32>
    %and3A_264 = arith.constant -65536 : i32
    %and3A_265 = vector.broadcast %and3A_264 : i32 to vector<128x256xi32>
    %and3A_266 = arith.andi %get3A_263, %and3A_265 : vector<128x256xi32>
    %bitcast_convert_type3A_267 = tpu.bitcast %and3A_266 : vector<128x256xi32> -> vector<128x256xf32>
    %get3A_268 = arith.constant 0 : index
    %get3A_269 = arith.constant 8 : index
    %get3A_270 = arith.constant 0 : index
    %get3A_271 = arith.constant 0 : index
    %get3A_272 = vector.load %arg3[%get3A_268, %get3A_269, %get3A_270, %get3A_271] : memref<1x16x128x384xi32, #tpu.memory_space<vmem>>, vector<1x1x128x256xi32>
    %get3A_273 = vector.shape_cast %get3A_272 : vector<1x1x128x256xi32> to vector<128x256xi32>
    %and3A_274 = arith.constant -65536 : i32
    %and3A_275 = vector.broadcast %and3A_274 : i32 to vector<128x256xi32>
    %and3A_276 = arith.andi %get3A_273, %and3A_275 : vector<128x256xi32>
    %bitcast_convert_type3A_277 = tpu.bitcast %and3A_276 : vector<128x256xi32> -> vector<128x256xf32>
    %get3A_278 = arith.constant 0 : index
    %get3A_279 = arith.constant 9 : index
    %get3A_280 = arith.constant 0 : index
    %get3A_281 = arith.constant 0 : index
    %get3A_282 = vector.load %arg3[%get3A_278, %get3A_279, %get3A_280, %get3A_281] : memref<1x16x128x384xi32, #tpu.memory_space<vmem>>, vector<1x1x128x256xi32>
    %get3A_283 = vector.shape_cast %get3A_282 : vector<1x1x128x256xi32> to vector<128x256xi32>
    %and3A_284 = arith.constant -65536 : i32
    %and3A_285 = vector.broadcast %and3A_284 : i32 to vector<128x256xi32>
    %and3A_286 = arith.andi %get3A_283, %and3A_285 : vector<128x256xi32>
    %bitcast_convert_type3A_287 = tpu.bitcast %and3A_286 : vector<128x256xi32> -> vector<128x256xf32>
    %get3A_288 = arith.constant 0 : index
    %get3A_289 = arith.constant 10 : index
    %get3A_290 = arith.constant 0 : index
    %get3A_291 = arith.constant 0 : index
    %get3A_292 = vector.load %arg3[%get3A_288, %get3A_289, %get3A_290, %get3A_291] : memref<1x16x128x384xi32, #tpu.memory_space<vmem>>, vector<1x1x128x256xi32>
    %get3A_293 = vector.shape_cast %get3A_292 : vector<1x1x128x256xi32> to vector<128x256xi32>
    %and3A_294 = arith.constant -65536 : i32
    %and3A_295 = vector.broadcast %and3A_294 : i32 to vector<128x256xi32>
    %and3A_296 = arith.andi %get3A_293, %and3A_295 : vector<128x256xi32>
    %bitcast_convert_type3A_297 = tpu.bitcast %and3A_296 : vector<128x256xi32> -> vector<128x256xf32>
    %get3A_298 = arith.constant 0 : index
    %get3A_299 = arith.constant 11 : index
    %get3A_300 = arith.constant 0 : index
    %get3A_301 = arith.constant 0 : index
    %get3A_302 = vector.load %arg3[%get3A_298, %get3A_299, %get3A_300, %get3A_301] : memref<1x16x128x384xi32, #tpu.memory_space<vmem>>, vector<1x1x128x256xi32>
    %get3A_303 = vector.shape_cast %get3A_302 : vector<1x1x128x256xi32> to vector<128x256xi32>
    %and3A_304 = arith.constant -65536 : i32
    %and3A_305 = vector.broadcast %and3A_304 : i32 to vector<128x256xi32>
    %and3A_306 = arith.andi %get3A_303, %and3A_305 : vector<128x256xi32>
    %bitcast_convert_type3A_307 = tpu.bitcast %and3A_306 : vector<128x256xi32> -> vector<128x256xf32>
    %get3A_308 = arith.constant 0 : index
    %get3A_309 = arith.constant 12 : index
    %get3A_310 = arith.constant 0 : index
    %get3A_311 = arith.constant 0 : index
    %get3A_312 = vector.load %arg3[%get3A_308, %get3A_309, %get3A_310, %get3A_311] : memref<1x16x128x384xi32, #tpu.memory_space<vmem>>, vector<1x1x128x256xi32>
    %get3A_313 = vector.shape_cast %get3A_312 : vector<1x1x128x256xi32> to vector<128x256xi32>
    %and3A_314 = arith.constant -65536 : i32
    %and3A_315 = vector.broadcast %and3A_314 : i32 to vector<128x256xi32>
    %and3A_316 = arith.andi %get3A_313, %and3A_315 : vector<128x256xi32>
    %bitcast_convert_type3A_317 = tpu.bitcast %and3A_316 : vector<128x256xi32> -> vector<128x256xf32>
    %get3A_318 = arith.constant 0 : index
    %get3A_319 = arith.constant 13 : index
    %get3A_320 = arith.constant 0 : index
    %get3A_321 = arith.constant 0 : index
    %get3A_322 = vector.load %arg3[%get3A_318, %get3A_319, %get3A_320, %get3A_321] : memref<1x16x128x384xi32, #tpu.memory_space<vmem>>, vector<1x1x128x256xi32>
    %get3A_323 = vector.shape_cast %get3A_322 : vector<1x1x128x256xi32> to vector<128x256xi32>
    %and3A_324 = arith.constant -65536 : i32
    %and3A_325 = vector.broadcast %and3A_324 : i32 to vector<128x256xi32>
    %and3A_326 = arith.andi %get3A_323, %and3A_325 : vector<128x256xi32>
    %bitcast_convert_type3A_327 = tpu.bitcast %and3A_326 : vector<128x256xi32> -> vector<128x256xf32>
    %get3A_328 = arith.constant 0 : index
    %get3A_329 = arith.constant 14 : index
    %get3A_330 = arith.constant 0 : index
    %get3A_331 = arith.constant 0 : index
    %get3A_332 = vector.load %arg3[%get3A_328, %get3A_329, %get3A_330, %get3A_331] : memref<1x16x128x384xi32, #tpu.memory_space<vmem>>, vector<1x1x128x256xi32>
    %get3A_333 = vector.shape_cast %get3A_332 : vector<1x1x128x256xi32> to vector<128x256xi32>
    %and3A_334 = arith.constant -65536 : i32
    %and3A_335 = vector.broadcast %and3A_334 : i32 to vector<128x256xi32>
    %and3A_336 = arith.andi %get3A_333, %and3A_335 : vector<128x256xi32>
    %bitcast_convert_type3A_337 = tpu.bitcast %and3A_336 : vector<128x256xi32> -> vector<128x256xf32>
    %get3A_338 = arith.constant 0 : index
    %get3A_339 = arith.constant 15 : index
    %get3A_340 = arith.constant 0 : index
    %get3A_341 = arith.constant 0 : index
    %get3A_342 = vector.load %arg3[%get3A_338, %get3A_339, %get3A_340, %get3A_341] : memref<1x16x128x384xi32, #tpu.memory_space<vmem>>, vector<1x1x128x256xi32>
    %get3A_343 = vector.shape_cast %get3A_342 : vector<1x1x128x256xi32> to vector<128x256xi32>
    %and3A_344 = arith.constant -65536 : i32
    %and3A_345 = vector.broadcast %and3A_344 : i32 to vector<128x256xi32>
    %and3A_346 = arith.andi %get3A_343, %and3A_345 : vector<128x256xi32>
    %bitcast_convert_type3A_347 = tpu.bitcast %and3A_346 : vector<128x256xi32> -> vector<128x256xf32>
    %concatenate3A_348 = tpu.concatenate %bitcast_convert_type3A_197, %bitcast_convert_type3A_207, %bitcast_convert_type3A_217, %bitcast_convert_type3A_227, %bitcast_convert_type3A_237, %bitcast_convert_type3A_247, %bitcast_convert_type3A_257, %bitcast_convert_type3A_267, %bitcast_convert_type3A_277, %bitcast_convert_type3A_287, %bitcast_convert_type3A_297, %bitcast_convert_type3A_307, %bitcast_convert_type3A_317, %bitcast_convert_type3A_327, %bitcast_convert_type3A_337, %bitcast_convert_type3A_347 in 0 : vector<128x256xf32>, vector<128x256xf32>, vector<128x256xf32>, vector<128x256xf32>, vector<128x256xf32>, vector<128x256xf32>, vector<128x256xf32>, vector<128x256xf32>, vector<128x256xf32>, vector<128x256xf32>, vector<128x256xf32>, vector<128x256xf32>, vector<128x256xf32>, vector<128x256xf32>, vector<128x256xf32>, vector<128x256xf32> -> vector<2048x256xf32>
    %concatenate3A_349 = tpu.concatenate %add3A_12, %add3A_12, %add3A_12, %add3A_12, %add3A_12, %add3A_12, %add3A_12, %add3A_12, %add3A_12, %add3A_12, %add3A_12, %add3A_12, %add3A_12, %add3A_12, %add3A_12, %add3A_12 in 0 : vector<128x256xf32>, vector<128x256xf32>, vector<128x256xf32>, vector<128x256xf32>, vector<128x256xf32>, vector<128x256xf32>, vector<128x256xf32>, vector<128x256xf32>, vector<128x256xf32>, vector<128x256xf32>, vector<128x256xf32>, vector<128x256xf32>, vector<128x256xf32>, vector<128x256xf32>, vector<128x256xf32>, vector<128x256xf32> -> vector<2048x256xf32>
    %sub3A_350 = arith.subf %concatenate3A_349, %concatenate3A_348 : vector<2048x256xf32>
    %add3A_351 = arith.addf %sub3A_350, %add3A_188 : vector<2048x256xf32>
    %convert_element_type3A_352 = arith.truncf %add3A_351 : vector<2048x256xf32> to vector<2048x256xbf16>
    %dot_general3A_353 = arith.constant dense<0.000000e+00> : vector<2048x256xf32>
    %dot_general3A_354 = tpu.matmul %convert_element_type3A_352, %convert_element_type3A_35, %dot_general3A_353 {dimension_numbers = #tpu.dot_dimension_numbers<[1], [0], [0], [1], [0, 0, 1, 1], [], []>, transpose_lhs_hint = false} : vector<2048x256xbf16>, vector<256x256xbf16>, vector<2048x256xf32> -> vector<2048x256xf32>
    %add3A_355 = vector.broadcast %get3A_38 : vector<1x256xf32> to vector<2048x256xf32>
    %add3A_356 = arith.addf %dot_general3A_354, %add3A_355 : vector<2048x256xf32>
    %max3A_357 = arith.constant 0.000000e+00 : f32
    %max3A_358 = vector.broadcast %max3A_357 : f32 to vector<2048x256xf32>
    %max3A_359 = arith.maximumf %add3A_356, %max3A_358 : vector<2048x256xf32>
    %convert_element_type3A_360 = arith.truncf %max3A_359 : vector<2048x256xf32> to vector<2048x256xbf16>
    %dot_general3A_361 = arith.constant dense<0.000000e+00> : vector<2048x256xf32>
    %dot_general3A_362 = tpu.matmul %convert_element_type3A_360, %convert_element_type3A_44, %dot_general3A_361 {dimension_numbers = #tpu.dot_dimension_numbers<[1], [0], [0], [1], [0, 0, 1, 1], [], []>, transpose_lhs_hint = false} : vector<2048x256xbf16>, vector<256x256xbf16>, vector<2048x256xf32> -> vector<2048x256xf32>
    %add3A_363 = vector.broadcast %mul3A_50 : vector<1x256xf32> to vector<2048x256xf32>
    %add3A_364 = arith.addf %dot_general3A_362, %add3A_363 : vector<2048x256xf32>
    %broadcast_in_dim3A = arith.constant 0.000000e+00 : f32
    %broadcast_in_dim3A_365 = vector.broadcast %broadcast_in_dim3A : f32 to vector<128x256xf32>
    %broadcast_in_dim3A_366 = arith.constant 0.000000e+00 : f32
    %broadcast_in_dim3A_367 = vector.broadcast %broadcast_in_dim3A_366 : f32 to vector<128x256xf32>
    %slice3A = vector.extract_strided_slice %add3A_364 {offsets = [0, 0], sizes = [128, 256], strides = [1, 1]} : vector<2048x256xf32> to vector<128x256xf32>
    %exp3A = math.exp %slice3A : vector<128x256xf32>
    %get3A_368 = arith.constant 0 : index
    %get3A_369 = arith.constant 0 : index
    %get3A_370 = arith.constant 0 : index
    %get3A_371 = arith.constant 0 : index
    %get3A_372 = vector.load %arg3[%get3A_368, %get3A_369, %get3A_370, %get3A_371] : memref<1x16x128x384xi32, #tpu.memory_space<vmem>>, vector<1x1x128x256xi32>
    %get3A_373 = vector.shape_cast %get3A_372 : vector<1x1x128x256xi32> to vector<128x256xi32>
    %shift_left3A = arith.constant 16 : i32
    %shift_left3A_374 = vector.broadcast %shift_left3A : i32 to vector<128x256xi32>
    %shift_left3A_375 = arith.shli %get3A_373, %shift_left3A_374 : vector<128x256xi32>
    %bitcast_convert_type3A_376 = tpu.bitcast %shift_left3A_375 : vector<128x256xi32> -> vector<128x256xf32>
    %slice3A_377 = vector.extract_strided_slice %add3A_188 {offsets = [0, 0], sizes = [128, 256], strides = [1, 1]} : vector<2048x256xf32> to vector<128x256xf32>
    %add3A_378 = arith.addf %bitcast_convert_type3A_376, %slice3A_377 : vector<128x256xf32>
    %add3A_379 = arith.addf %broadcast_in_dim3A_365, %exp3A : vector<128x256xf32>
    %mul3A_380 = arith.mulf %exp3A, %add3A_378 : vector<128x256xf32>
    %add3A_381 = arith.addf %broadcast_in_dim3A_367, %mul3A_380 : vector<128x256xf32>
    %slice3A_382 = vector.extract_strided_slice %add3A_364 {offsets = [128, 0], sizes = [128, 256], strides = [1, 1]} : vector<2048x256xf32> to vector<128x256xf32>
    %exp3A_383 = math.exp %slice3A_382 : vector<128x256xf32>
    %get3A_384 = arith.constant 0 : index
    %get3A_385 = arith.constant 1 : index
    %get3A_386 = arith.constant 0 : index
    %get3A_387 = arith.constant 0 : index
    %get3A_388 = vector.load %arg3[%get3A_384, %get3A_385, %get3A_386, %get3A_387] : memref<1x16x128x384xi32, #tpu.memory_space<vmem>>, vector<1x1x128x256xi32>
    %get3A_389 = vector.shape_cast %get3A_388 : vector<1x1x128x256xi32> to vector<128x256xi32>
    %shift_left3A_390 = arith.constant 16 : i32
    %shift_left3A_391 = vector.broadcast %shift_left3A_390 : i32 to vector<128x256xi32>
    %shift_left3A_392 = arith.shli %get3A_389, %shift_left3A_391 : vector<128x256xi32>
    %bitcast_convert_type3A_393 = tpu.bitcast %shift_left3A_392 : vector<128x256xi32> -> vector<128x256xf32>
    %slice3A_394 = vector.extract_strided_slice %add3A_188 {offsets = [128, 0], sizes = [128, 256], strides = [1, 1]} : vector<2048x256xf32> to vector<128x256xf32>
    %add3A_395 = arith.addf %bitcast_convert_type3A_393, %slice3A_394 : vector<128x256xf32>
    %add3A_396 = arith.addf %add3A_379, %exp3A_383 : vector<128x256xf32>
    %mul3A_397 = arith.mulf %exp3A_383, %add3A_395 : vector<128x256xf32>
    %add3A_398 = arith.addf %add3A_381, %mul3A_397 : vector<128x256xf32>
    %slice3A_399 = vector.extract_strided_slice %add3A_364 {offsets = [256, 0], sizes = [128, 256], strides = [1, 1]} : vector<2048x256xf32> to vector<128x256xf32>
    %exp3A_400 = math.exp %slice3A_399 : vector<128x256xf32>
    %get3A_401 = arith.constant 0 : index
    %get3A_402 = arith.constant 2 : index
    %get3A_403 = arith.constant 0 : index
    %get3A_404 = arith.constant 0 : index
    %get3A_405 = vector.load %arg3[%get3A_401, %get3A_402, %get3A_403, %get3A_404] : memref<1x16x128x384xi32, #tpu.memory_space<vmem>>, vector<1x1x128x256xi32>
    %get3A_406 = vector.shape_cast %get3A_405 : vector<1x1x128x256xi32> to vector<128x256xi32>
    %shift_left3A_407 = arith.constant 16 : i32
    %shift_left3A_408 = vector.broadcast %shift_left3A_407 : i32 to vector<128x256xi32>
    %shift_left3A_409 = arith.shli %get3A_406, %shift_left3A_408 : vector<128x256xi32>
    %bitcast_convert_type3A_410 = tpu.bitcast %shift_left3A_409 : vector<128x256xi32> -> vector<128x256xf32>
    %slice3A_411 = vector.extract_strided_slice %add3A_188 {offsets = [256, 0], sizes = [128, 256], strides = [1, 1]} : vector<2048x256xf32> to vector<128x256xf32>
    %add3A_412 = arith.addf %bitcast_convert_type3A_410, %slice3A_411 : vector<128x256xf32>
    %add3A_413 = arith.addf %add3A_396, %exp3A_400 : vector<128x256xf32>
    %mul3A_414 = arith.mulf %exp3A_400, %add3A_412 : vector<128x256xf32>
    %add3A_415 = arith.addf %add3A_398, %mul3A_414 : vector<128x256xf32>
    %slice3A_416 = vector.extract_strided_slice %add3A_364 {offsets = [384, 0], sizes = [128, 256], strides = [1, 1]} : vector<2048x256xf32> to vector<128x256xf32>
    %exp3A_417 = math.exp %slice3A_416 : vector<128x256xf32>
    %get3A_418 = arith.constant 0 : index
    %get3A_419 = arith.constant 3 : index
    %get3A_420 = arith.constant 0 : index
    %get3A_421 = arith.constant 0 : index
    %get3A_422 = vector.load %arg3[%get3A_418, %get3A_419, %get3A_420, %get3A_421] : memref<1x16x128x384xi32, #tpu.memory_space<vmem>>, vector<1x1x128x256xi32>
    %get3A_423 = vector.shape_cast %get3A_422 : vector<1x1x128x256xi32> to vector<128x256xi32>
    %shift_left3A_424 = arith.constant 16 : i32
    %shift_left3A_425 = vector.broadcast %shift_left3A_424 : i32 to vector<128x256xi32>
    %shift_left3A_426 = arith.shli %get3A_423, %shift_left3A_425 : vector<128x256xi32>
    %bitcast_convert_type3A_427 = tpu.bitcast %shift_left3A_426 : vector<128x256xi32> -> vector<128x256xf32>
    %slice3A_428 = vector.extract_strided_slice %add3A_188 {offsets = [384, 0], sizes = [128, 256], strides = [1, 1]} : vector<2048x256xf32> to vector<128x256xf32>
    %add3A_429 = arith.addf %bitcast_convert_type3A_427, %slice3A_428 : vector<128x256xf32>
    %add3A_430 = arith.addf %add3A_413, %exp3A_417 : vector<128x256xf32>
    %mul3A_431 = arith.mulf %exp3A_417, %add3A_429 : vector<128x256xf32>
    %add3A_432 = arith.addf %add3A_415, %mul3A_431 : vector<128x256xf32>
    %slice3A_433 = vector.extract_strided_slice %add3A_364 {offsets = [512, 0], sizes = [128, 256], strides = [1, 1]} : vector<2048x256xf32> to vector<128x256xf32>
    %exp3A_434 = math.exp %slice3A_433 : vector<128x256xf32>
    %get3A_435 = arith.constant 0 : index
    %get3A_436 = arith.constant 4 : index
    %get3A_437 = arith.constant 0 : index
    %get3A_438 = arith.constant 0 : index
    %get3A_439 = vector.load %arg3[%get3A_435, %get3A_436, %get3A_437, %get3A_438] : memref<1x16x128x384xi32, #tpu.memory_space<vmem>>, vector<1x1x128x256xi32>
    %get3A_440 = vector.shape_cast %get3A_439 : vector<1x1x128x256xi32> to vector<128x256xi32>
    %shift_left3A_441 = arith.constant 16 : i32
    %shift_left3A_442 = vector.broadcast %shift_left3A_441 : i32 to vector<128x256xi32>
    %shift_left3A_443 = arith.shli %get3A_440, %shift_left3A_442 : vector<128x256xi32>
    %bitcast_convert_type3A_444 = tpu.bitcast %shift_left3A_443 : vector<128x256xi32> -> vector<128x256xf32>
    %slice3A_445 = vector.extract_strided_slice %add3A_188 {offsets = [512, 0], sizes = [128, 256], strides = [1, 1]} : vector<2048x256xf32> to vector<128x256xf32>
    %add3A_446 = arith.addf %bitcast_convert_type3A_444, %slice3A_445 : vector<128x256xf32>
    %add3A_447 = arith.addf %add3A_430, %exp3A_434 : vector<128x256xf32>
    %mul3A_448 = arith.mulf %exp3A_434, %add3A_446 : vector<128x256xf32>
    %add3A_449 = arith.addf %add3A_432, %mul3A_448 : vector<128x256xf32>
    %slice3A_450 = vector.extract_strided_slice %add3A_364 {offsets = [640, 0], sizes = [128, 256], strides = [1, 1]} : vector<2048x256xf32> to vector<128x256xf32>
    %exp3A_451 = math.exp %slice3A_450 : vector<128x256xf32>
    %get3A_452 = arith.constant 0 : index
    %get3A_453 = arith.constant 5 : index
    %get3A_454 = arith.constant 0 : index
    %get3A_455 = arith.constant 0 : index
    %get3A_456 = vector.load %arg3[%get3A_452, %get3A_453, %get3A_454, %get3A_455] : memref<1x16x128x384xi32, #tpu.memory_space<vmem>>, vector<1x1x128x256xi32>
    %get3A_457 = vector.shape_cast %get3A_456 : vector<1x1x128x256xi32> to vector<128x256xi32>
    %shift_left3A_458 = arith.constant 16 : i32
    %shift_left3A_459 = vector.broadcast %shift_left3A_458 : i32 to vector<128x256xi32>
    %shift_left3A_460 = arith.shli %get3A_457, %shift_left3A_459 : vector<128x256xi32>
    %bitcast_convert_type3A_461 = tpu.bitcast %shift_left3A_460 : vector<128x256xi32> -> vector<128x256xf32>
    %slice3A_462 = vector.extract_strided_slice %add3A_188 {offsets = [640, 0], sizes = [128, 256], strides = [1, 1]} : vector<2048x256xf32> to vector<128x256xf32>
    %add3A_463 = arith.addf %bitcast_convert_type3A_461, %slice3A_462 : vector<128x256xf32>
    %add3A_464 = arith.addf %add3A_447, %exp3A_451 : vector<128x256xf32>
    %mul3A_465 = arith.mulf %exp3A_451, %add3A_463 : vector<128x256xf32>
    %add3A_466 = arith.addf %add3A_449, %mul3A_465 : vector<128x256xf32>
    %slice3A_467 = vector.extract_strided_slice %add3A_364 {offsets = [768, 0], sizes = [128, 256], strides = [1, 1]} : vector<2048x256xf32> to vector<128x256xf32>
    %exp3A_468 = math.exp %slice3A_467 : vector<128x256xf32>
    %get3A_469 = arith.constant 0 : index
    %get3A_470 = arith.constant 6 : index
    %get3A_471 = arith.constant 0 : index
    %get3A_472 = arith.constant 0 : index
    %get3A_473 = vector.load %arg3[%get3A_469, %get3A_470, %get3A_471, %get3A_472] : memref<1x16x128x384xi32, #tpu.memory_space<vmem>>, vector<1x1x128x256xi32>
    %get3A_474 = vector.shape_cast %get3A_473 : vector<1x1x128x256xi32> to vector<128x256xi32>
    %shift_left3A_475 = arith.constant 16 : i32
    %shift_left3A_476 = vector.broadcast %shift_left3A_475 : i32 to vector<128x256xi32>
    %shift_left3A_477 = arith.shli %get3A_474, %shift_left3A_476 : vector<128x256xi32>
    %bitcast_convert_type3A_478 = tpu.bitcast %shift_left3A_477 : vector<128x256xi32> -> vector<128x256xf32>
    %slice3A_479 = vector.extract_strided_slice %add3A_188 {offsets = [768, 0], sizes = [128, 256], strides = [1, 1]} : vector<2048x256xf32> to vector<128x256xf32>
    %add3A_480 = arith.addf %bitcast_convert_type3A_478, %slice3A_479 : vector<128x256xf32>
    %add3A_481 = arith.addf %add3A_464, %exp3A_468 : vector<128x256xf32>
    %mul3A_482 = arith.mulf %exp3A_468, %add3A_480 : vector<128x256xf32>
    %add3A_483 = arith.addf %add3A_466, %mul3A_482 : vector<128x256xf32>
    %slice3A_484 = vector.extract_strided_slice %add3A_364 {offsets = [896, 0], sizes = [128, 256], strides = [1, 1]} : vector<2048x256xf32> to vector<128x256xf32>
    %exp3A_485 = math.exp %slice3A_484 : vector<128x256xf32>
    %get3A_486 = arith.constant 0 : index
    %get3A_487 = arith.constant 7 : index
    %get3A_488 = arith.constant 0 : index
    %get3A_489 = arith.constant 0 : index
    %get3A_490 = vector.load %arg3[%get3A_486, %get3A_487, %get3A_488, %get3A_489] : memref<1x16x128x384xi32, #tpu.memory_space<vmem>>, vector<1x1x128x256xi32>
    %get3A_491 = vector.shape_cast %get3A_490 : vector<1x1x128x256xi32> to vector<128x256xi32>
    %shift_left3A_492 = arith.constant 16 : i32
    %shift_left3A_493 = vector.broadcast %shift_left3A_492 : i32 to vector<128x256xi32>
    %shift_left3A_494 = arith.shli %get3A_491, %shift_left3A_493 : vector<128x256xi32>
    %bitcast_convert_type3A_495 = tpu.bitcast %shift_left3A_494 : vector<128x256xi32> -> vector<128x256xf32>
    %slice3A_496 = vector.extract_strided_slice %add3A_188 {offsets = [896, 0], sizes = [128, 256], strides = [1, 1]} : vector<2048x256xf32> to vector<128x256xf32>
    %add3A_497 = arith.addf %bitcast_convert_type3A_495, %slice3A_496 : vector<128x256xf32>
    %add3A_498 = arith.addf %add3A_481, %exp3A_485 : vector<128x256xf32>
    %mul3A_499 = arith.mulf %exp3A_485, %add3A_497 : vector<128x256xf32>
    %add3A_500 = arith.addf %add3A_483, %mul3A_499 : vector<128x256xf32>
    %slice3A_501 = vector.extract_strided_slice %add3A_364 {offsets = [1024, 0], sizes = [128, 256], strides = [1, 1]} : vector<2048x256xf32> to vector<128x256xf32>
    %exp3A_502 = math.exp %slice3A_501 : vector<128x256xf32>
    %get3A_503 = arith.constant 0 : index
    %get3A_504 = arith.constant 8 : index
    %get3A_505 = arith.constant 0 : index
    %get3A_506 = arith.constant 0 : index
    %get3A_507 = vector.load %arg3[%get3A_503, %get3A_504, %get3A_505, %get3A_506] : memref<1x16x128x384xi32, #tpu.memory_space<vmem>>, vector<1x1x128x256xi32>
    %get3A_508 = vector.shape_cast %get3A_507 : vector<1x1x128x256xi32> to vector<128x256xi32>
    %shift_left3A_509 = arith.constant 16 : i32
    %shift_left3A_510 = vector.broadcast %shift_left3A_509 : i32 to vector<128x256xi32>
    %shift_left3A_511 = arith.shli %get3A_508, %shift_left3A_510 : vector<128x256xi32>
    %bitcast_convert_type3A_512 = tpu.bitcast %shift_left3A_511 : vector<128x256xi32> -> vector<128x256xf32>
    %slice3A_513 = vector.extract_strided_slice %add3A_188 {offsets = [1024, 0], sizes = [128, 256], strides = [1, 1]} : vector<2048x256xf32> to vector<128x256xf32>
    %add3A_514 = arith.addf %bitcast_convert_type3A_512, %slice3A_513 : vector<128x256xf32>
    %add3A_515 = arith.addf %add3A_498, %exp3A_502 : vector<128x256xf32>
    %mul3A_516 = arith.mulf %exp3A_502, %add3A_514 : vector<128x256xf32>
    %add3A_517 = arith.addf %add3A_500, %mul3A_516 : vector<128x256xf32>
    %slice3A_518 = vector.extract_strided_slice %add3A_364 {offsets = [1152, 0], sizes = [128, 256], strides = [1, 1]} : vector<2048x256xf32> to vector<128x256xf32>
    %exp3A_519 = math.exp %slice3A_518 : vector<128x256xf32>
    %get3A_520 = arith.constant 0 : index
    %get3A_521 = arith.constant 9 : index
    %get3A_522 = arith.constant 0 : index
    %get3A_523 = arith.constant 0 : index
    %get3A_524 = vector.load %arg3[%get3A_520, %get3A_521, %get3A_522, %get3A_523] : memref<1x16x128x384xi32, #tpu.memory_space<vmem>>, vector<1x1x128x256xi32>
    %get3A_525 = vector.shape_cast %get3A_524 : vector<1x1x128x256xi32> to vector<128x256xi32>
    %shift_left3A_526 = arith.constant 16 : i32
    %shift_left3A_527 = vector.broadcast %shift_left3A_526 : i32 to vector<128x256xi32>
    %shift_left3A_528 = arith.shli %get3A_525, %shift_left3A_527 : vector<128x256xi32>
    %bitcast_convert_type3A_529 = tpu.bitcast %shift_left3A_528 : vector<128x256xi32> -> vector<128x256xf32>
    %slice3A_530 = vector.extract_strided_slice %add3A_188 {offsets = [1152, 0], sizes = [128, 256], strides = [1, 1]} : vector<2048x256xf32> to vector<128x256xf32>
    %add3A_531 = arith.addf %bitcast_convert_type3A_529, %slice3A_530 : vector<128x256xf32>
    %add3A_532 = arith.addf %add3A_515, %exp3A_519 : vector<128x256xf32>
    %mul3A_533 = arith.mulf %exp3A_519, %add3A_531 : vector<128x256xf32>
    %add3A_534 = arith.addf %add3A_517, %mul3A_533 : vector<128x256xf32>
    %slice3A_535 = vector.extract_strided_slice %add3A_364 {offsets = [1280, 0], sizes = [128, 256], strides = [1, 1]} : vector<2048x256xf32> to vector<128x256xf32>
    %exp3A_536 = math.exp %slice3A_535 : vector<128x256xf32>
    %get3A_537 = arith.constant 0 : index
    %get3A_538 = arith.constant 10 : index
    %get3A_539 = arith.constant 0 : index
    %get3A_540 = arith.constant 0 : index
    %get3A_541 = vector.load %arg3[%get3A_537, %get3A_538, %get3A_539, %get3A_540] : memref<1x16x128x384xi32, #tpu.memory_space<vmem>>, vector<1x1x128x256xi32>
    %get3A_542 = vector.shape_cast %get3A_541 : vector<1x1x128x256xi32> to vector<128x256xi32>
    %shift_left3A_543 = arith.constant 16 : i32
    %shift_left3A_544 = vector.broadcast %shift_left3A_543 : i32 to vector<128x256xi32>
    %shift_left3A_545 = arith.shli %get3A_542, %shift_left3A_544 : vector<128x256xi32>
    %bitcast_convert_type3A_546 = tpu.bitcast %shift_left3A_545 : vector<128x256xi32> -> vector<128x256xf32>
    %slice3A_547 = vector.extract_strided_slice %add3A_188 {offsets = [1280, 0], sizes = [128, 256], strides = [1, 1]} : vector<2048x256xf32> to vector<128x256xf32>
    %add3A_548 = arith.addf %bitcast_convert_type3A_546, %slice3A_547 : vector<128x256xf32>
    %add3A_549 = arith.addf %add3A_532, %exp3A_536 : vector<128x256xf32>
    %mul3A_550 = arith.mulf %exp3A_536, %add3A_548 : vector<128x256xf32>
    %add3A_551 = arith.addf %add3A_534, %mul3A_550 : vector<128x256xf32>
    %slice3A_552 = vector.extract_strided_slice %add3A_364 {offsets = [1408, 0], sizes = [128, 256], strides = [1, 1]} : vector<2048x256xf32> to vector<128x256xf32>
    %exp3A_553 = math.exp %slice3A_552 : vector<128x256xf32>
    %get3A_554 = arith.constant 0 : index
    %get3A_555 = arith.constant 11 : index
    %get3A_556 = arith.constant 0 : index
    %get3A_557 = arith.constant 0 : index
    %get3A_558 = vector.load %arg3[%get3A_554, %get3A_555, %get3A_556, %get3A_557] : memref<1x16x128x384xi32, #tpu.memory_space<vmem>>, vector<1x1x128x256xi32>
    %get3A_559 = vector.shape_cast %get3A_558 : vector<1x1x128x256xi32> to vector<128x256xi32>
    %shift_left3A_560 = arith.constant 16 : i32
    %shift_left3A_561 = vector.broadcast %shift_left3A_560 : i32 to vector<128x256xi32>
    %shift_left3A_562 = arith.shli %get3A_559, %shift_left3A_561 : vector<128x256xi32>
    %bitcast_convert_type3A_563 = tpu.bitcast %shift_left3A_562 : vector<128x256xi32> -> vector<128x256xf32>
    %slice3A_564 = vector.extract_strided_slice %add3A_188 {offsets = [1408, 0], sizes = [128, 256], strides = [1, 1]} : vector<2048x256xf32> to vector<128x256xf32>
    %add3A_565 = arith.addf %bitcast_convert_type3A_563, %slice3A_564 : vector<128x256xf32>
    %add3A_566 = arith.addf %add3A_549, %exp3A_553 : vector<128x256xf32>
    %mul3A_567 = arith.mulf %exp3A_553, %add3A_565 : vector<128x256xf32>
    %add3A_568 = arith.addf %add3A_551, %mul3A_567 : vector<128x256xf32>
    %slice3A_569 = vector.extract_strided_slice %add3A_364 {offsets = [1536, 0], sizes = [128, 256], strides = [1, 1]} : vector<2048x256xf32> to vector<128x256xf32>
    %exp3A_570 = math.exp %slice3A_569 : vector<128x256xf32>
    %get3A_571 = arith.constant 0 : index
    %get3A_572 = arith.constant 12 : index
    %get3A_573 = arith.constant 0 : index
    %get3A_574 = arith.constant 0 : index
    %get3A_575 = vector.load %arg3[%get3A_571, %get3A_572, %get3A_573, %get3A_574] : memref<1x16x128x384xi32, #tpu.memory_space<vmem>>, vector<1x1x128x256xi32>
    %get3A_576 = vector.shape_cast %get3A_575 : vector<1x1x128x256xi32> to vector<128x256xi32>
    %shift_left3A_577 = arith.constant 16 : i32
    %shift_left3A_578 = vector.broadcast %shift_left3A_577 : i32 to vector<128x256xi32>
    %shift_left3A_579 = arith.shli %get3A_576, %shift_left3A_578 : vector<128x256xi32>
    %bitcast_convert_type3A_580 = tpu.bitcast %shift_left3A_579 : vector<128x256xi32> -> vector<128x256xf32>
    %slice3A_581 = vector.extract_strided_slice %add3A_188 {offsets = [1536, 0], sizes = [128, 256], strides = [1, 1]} : vector<2048x256xf32> to vector<128x256xf32>
    %add3A_582 = arith.addf %bitcast_convert_type3A_580, %slice3A_581 : vector<128x256xf32>
    %add3A_583 = arith.addf %add3A_566, %exp3A_570 : vector<128x256xf32>
    %mul3A_584 = arith.mulf %exp3A_570, %add3A_582 : vector<128x256xf32>
    %add3A_585 = arith.addf %add3A_568, %mul3A_584 : vector<128x256xf32>
    %slice3A_586 = vector.extract_strided_slice %add3A_364 {offsets = [1664, 0], sizes = [128, 256], strides = [1, 1]} : vector<2048x256xf32> to vector<128x256xf32>
    %exp3A_587 = math.exp %slice3A_586 : vector<128x256xf32>
    %get3A_588 = arith.constant 0 : index
    %get3A_589 = arith.constant 13 : index
    %get3A_590 = arith.constant 0 : index
    %get3A_591 = arith.constant 0 : index
    %get3A_592 = vector.load %arg3[%get3A_588, %get3A_589, %get3A_590, %get3A_591] : memref<1x16x128x384xi32, #tpu.memory_space<vmem>>, vector<1x1x128x256xi32>
    %get3A_593 = vector.shape_cast %get3A_592 : vector<1x1x128x256xi32> to vector<128x256xi32>
    %shift_left3A_594 = arith.constant 16 : i32
    %shift_left3A_595 = vector.broadcast %shift_left3A_594 : i32 to vector<128x256xi32>
    %shift_left3A_596 = arith.shli %get3A_593, %shift_left3A_595 : vector<128x256xi32>
    %bitcast_convert_type3A_597 = tpu.bitcast %shift_left3A_596 : vector<128x256xi32> -> vector<128x256xf32>
    %slice3A_598 = vector.extract_strided_slice %add3A_188 {offsets = [1664, 0], sizes = [128, 256], strides = [1, 1]} : vector<2048x256xf32> to vector<128x256xf32>
    %add3A_599 = arith.addf %bitcast_convert_type3A_597, %slice3A_598 : vector<128x256xf32>
    %add3A_600 = arith.addf %add3A_583, %exp3A_587 : vector<128x256xf32>
    %mul3A_601 = arith.mulf %exp3A_587, %add3A_599 : vector<128x256xf32>
    %add3A_602 = arith.addf %add3A_585, %mul3A_601 : vector<128x256xf32>
    %slice3A_603 = vector.extract_strided_slice %add3A_364 {offsets = [1792, 0], sizes = [128, 256], strides = [1, 1]} : vector<2048x256xf32> to vector<128x256xf32>
    %exp3A_604 = math.exp %slice3A_603 : vector<128x256xf32>
    %get3A_605 = arith.constant 0 : index
    %get3A_606 = arith.constant 14 : index
    %get3A_607 = arith.constant 0 : index
    %get3A_608 = arith.constant 0 : index
    %get3A_609 = vector.load %arg3[%get3A_605, %get3A_606, %get3A_607, %get3A_608] : memref<1x16x128x384xi32, #tpu.memory_space<vmem>>, vector<1x1x128x256xi32>
    %get3A_610 = vector.shape_cast %get3A_609 : vector<1x1x128x256xi32> to vector<128x256xi32>
    %shift_left3A_611 = arith.constant 16 : i32
    %shift_left3A_612 = vector.broadcast %shift_left3A_611 : i32 to vector<128x256xi32>
    %shift_left3A_613 = arith.shli %get3A_610, %shift_left3A_612 : vector<128x256xi32>
    %bitcast_convert_type3A_614 = tpu.bitcast %shift_left3A_613 : vector<128x256xi32> -> vector<128x256xf32>
    %slice3A_615 = vector.extract_strided_slice %add3A_188 {offsets = [1792, 0], sizes = [128, 256], strides = [1, 1]} : vector<2048x256xf32> to vector<128x256xf32>
    %add3A_616 = arith.addf %bitcast_convert_type3A_614, %slice3A_615 : vector<128x256xf32>
    %add3A_617 = arith.addf %add3A_600, %exp3A_604 : vector<128x256xf32>
    %mul3A_618 = arith.mulf %exp3A_604, %add3A_616 : vector<128x256xf32>
    %add3A_619 = arith.addf %add3A_602, %mul3A_618 : vector<128x256xf32>
    %slice3A_620 = vector.extract_strided_slice %add3A_364 {offsets = [1920, 0], sizes = [128, 256], strides = [1, 1]} : vector<2048x256xf32> to vector<128x256xf32>
    %exp3A_621 = math.exp %slice3A_620 : vector<128x256xf32>
    %get3A_622 = arith.constant 0 : index
    %get3A_623 = arith.constant 15 : index
    %get3A_624 = arith.constant 0 : index
    %get3A_625 = arith.constant 0 : index
    %get3A_626 = vector.load %arg3[%get3A_622, %get3A_623, %get3A_624, %get3A_625] : memref<1x16x128x384xi32, #tpu.memory_space<vmem>>, vector<1x1x128x256xi32>
    %get3A_627 = vector.shape_cast %get3A_626 : vector<1x1x128x256xi32> to vector<128x256xi32>
    %shift_left3A_628 = arith.constant 16 : i32
    %shift_left3A_629 = vector.broadcast %shift_left3A_628 : i32 to vector<128x256xi32>
    %shift_left3A_630 = arith.shli %get3A_627, %shift_left3A_629 : vector<128x256xi32>
    %bitcast_convert_type3A_631 = tpu.bitcast %shift_left3A_630 : vector<128x256xi32> -> vector<128x256xf32>
    %slice3A_632 = vector.extract_strided_slice %add3A_188 {offsets = [1920, 0], sizes = [128, 256], strides = [1, 1]} : vector<2048x256xf32> to vector<128x256xf32>
    %add3A_633 = arith.addf %bitcast_convert_type3A_631, %slice3A_632 : vector<128x256xf32>
    %add3A_634 = arith.addf %add3A_617, %exp3A_621 : vector<128x256xf32>
    %mul3A_635 = arith.mulf %exp3A_621, %add3A_633 : vector<128x256xf32>
    %add3A_636 = arith.addf %add3A_619, %mul3A_635 : vector<128x256xf32>
    %div3A = arith.divf %add3A_636, %add3A_634 : vector<128x256xf32>
    %get3A_637 = arith.constant 0 : index
    %get3A_638 = arith.constant 0 : index
    %get3A_639 = vector.load %arg15[%get3A_637, %get3A_638] : memref<256x256xf32, #tpu.memory_space<vmem>>, vector<256x256xf32>
    %convert_element_type3A_640 = arith.truncf %get3A_639 : vector<256x256xf32> to vector<256x256xbf16>
    %convert_element_type3A_641 = arith.truncf %div3A : vector<128x256xf32> to vector<128x256xbf16>
    %dot_general3A_642 = arith.constant dense<0.000000e+00> : vector<128x256xf32>
    %dot_general3A_643 = tpu.matmul %convert_element_type3A_641, %convert_element_type3A_640, %dot_general3A_642 {dimension_numbers = #tpu.dot_dimension_numbers<[1], [0], [0], [1], [0, 0, 1, 1], [], []>, transpose_lhs_hint = false} : vector<128x256xbf16>, vector<256x256xbf16>, vector<128x256xf32> -> vector<128x256xf32>
    %get3A_644 = arith.constant 0 : index
    %get3A_645 = arith.constant 0 : index
    %get3A_646 = vector.load %arg16[%get3A_644, %get3A_645] : memref<1x256xf32, #tpu.memory_space<vmem>>, vector<1x256xf32>
    %add3A_647 = vector.broadcast %get3A_646 : vector<1x256xf32> to vector<128x256xf32>
    %add3A_648 = arith.addf %dot_general3A_643, %add3A_647 : vector<128x256xf32>
    %add3A_649 = arith.addf %add3A_648, %get3A_3 : vector<128x256xf32>
    %swap3A = arith.constant 0 : index
    %swap3A_650 = arith.constant 0 : index
    %swap3A_651 = arith.constant 0 : index
    %swap3A_652 = vector.load %arg21[%swap3A, %swap3A_650, %swap3A_651] : memref<1x128x256xf32, #tpu.memory_space<vmem>>, vector<1x128x256xf32>
    %swap3A_653 = vector.shape_cast %swap3A_652 : vector<1x128x256xf32> to vector<128x256xf32>
    %swap3A_654 = vector.shape_cast %add3A_649 : vector<128x256xf32> to vector<1x128x256xf32>
    tpu.vector_store %arg21[%swap3A, %swap3A_650, %swap3A_651], %swap3A_654 {strides = array<i32>} : memref<1x128x256xf32, #tpu.memory_space<vmem>>, vector<1x128x256xf32>,
    %get3A_655 = arith.constant 0 : index
    %get3A_656 = arith.constant 0 : index
    %get3A_657 = vector.load %arg17[%get3A_655, %get3A_656] : memref<256x256xf32, #tpu.memory_space<vmem>>, vector<256x256xf32>
    %convert_element_type3A_658 = arith.truncf %get3A_657 : vector<256x256xf32> to vector<256x256xbf16>
    %convert_element_type3A_659 = arith.truncf %add3A_649 : vector<128x256xf32> to vector<128x256xbf16>
    %dot_general3A_660 = arith.constant dense<0.000000e+00> : vector<128x256xf32>
    %dot_general3A_661 = tpu.matmul %convert_element_type3A_659, %convert_element_type3A_658, %dot_general3A_660 {dimension_numbers = #tpu.dot_dimension_numbers<[1], [0], [0], [1], [0, 0, 1, 1], [], []>, transpose_lhs_hint = false} : vector<128x256xbf16>, vector<256x256xbf16>, vector<128x256xf32> -> vector<128x256xf32>
    %get3A_662 = arith.constant 0 : index
    %get3A_663 = arith.constant 0 : index
    %get3A_664 = vector.load %arg18[%get3A_662, %get3A_663] : memref<1x256xf32, #tpu.memory_space<vmem>>, vector<1x256xf32>
    %add3A_665 = vector.broadcast %get3A_664 : vector<1x256xf32> to vector<128x256xf32>
    %add3A_666 = arith.addf %dot_general3A_661, %add3A_665 : vector<128x256xf32>
    %max3A_667 = arith.constant 0.000000e+00 : f32
    %max3A_668 = vector.broadcast %max3A_667 : f32 to vector<128x256xf32>
    %max3A_669 = arith.maximumf %add3A_666, %max3A_668 : vector<128x256xf32>
    %get3A_670 = arith.constant 0 : index
    %get3A_671 = arith.constant 0 : index
    %get3A_672 = vector.load %arg19[%get3A_670, %get3A_671] : memref<256x3xf32, #tpu.memory_space<vmem>>, vector<256x3xf32>
    %convert_element_type3A_673 = arith.truncf %get3A_672 : vector<256x3xf32> to vector<256x3xbf16>
    %convert_element_type3A_674 = arith.truncf %max3A_669 : vector<128x256xf32> to vector<128x256xbf16>
    %dot_general3A_675 = arith.constant dense<0.000000e+00> : vector<128x3xf32>
    %dot_general3A_676 = tpu.matmul %convert_element_type3A_674, %convert_element_type3A_673, %dot_general3A_675 {dimension_numbers = #tpu.dot_dimension_numbers<[1], [0], [0], [1], [0, 0, 1, 1], [], []>, transpose_lhs_hint = false} : vector<128x256xbf16>, vector<256x3xbf16>, vector<128x3xf32> -> vector<128x3xf32>
    %get3A_677 = arith.constant 0 : index
    %get3A_678 = arith.constant 0 : index
    %get3A_679 = vector.load %arg20[%get3A_677, %get3A_678] : memref<1x3xf32, #tpu.memory_space<vmem>>, vector<1x3xf32>
    %add3A_680 = vector.broadcast %get3A_679 : vector<1x3xf32> to vector<128x3xf32>
    %add3A_681 = arith.addf %dot_general3A_676, %add3A_680 : vector<128x3xf32>
    %get3A_682 = arith.constant 0 : index
    %get3A_683 = arith.constant 0 : index
    %get3A_684 = arith.constant 0 : index
    %get3A_685 = vector.load %arg4[%get3A_682, %get3A_683, %get3A_684] : memref<1x128x3xf32, #tpu.memory_space<vmem>>, vector<1x128x3xf32>
    %get3A_686 = vector.shape_cast %get3A_685 : vector<1x128x3xf32> to vector<128x3xf32>
    %add3A_687 = arith.addf %add3A_681, %get3A_686 : vector<128x3xf32>
    %swap3A_688 = arith.constant 0 : index
    %swap3A_689 = arith.constant 0 : index
    %swap3A_690 = arith.constant 0 : index
    %swap3A_691 = vector.load %arg22[%swap3A_688, %swap3A_689, %swap3A_690] : memref<1x128x3xf32, #tpu.memory_space<vmem>>, vector<1x128x3xf32>
    %swap3A_692 = vector.shape_cast %swap3A_691 : vector<1x128x3xf32> to vector<128x3xf32>
    %swap3A_693 = vector.shape_cast %add3A_687 : vector<128x3xf32> to vector<1x128x3xf32>
    tpu.vector_store %arg22[%swap3A_688, %swap3A_689, %swap3A_690], %swap3A_693 {strides = array<i32>} : memref<1x128x3xf32, #tpu.memory_space<vmem>>, vector<1x128x3xf32>,
    return
  }
  func.func @transform_0(%arg0: i32, %arg1: i32) -> (i32, i32, i32) {
    %c0_i32 = arith.constant 0 : i32
    %c0_i32_0 = arith.constant 0 : i32
    return %arg0, %arg1, %c0_i32 : i32, i32, i32
  }
  func.func @transform_1(%arg0: i32, %arg1: i32) -> (i32, i32, i32, i32) {
    %c0_i32 = arith.constant 0 : i32
    %c0_i32_0 = arith.constant 0 : i32
    %c0_i32_1 = arith.constant 0 : i32
    return %arg0, %c0_i32, %arg1, %c0_i32_0 : i32, i32, i32, i32
  }
  func.func @transform_2(%arg0: i32, %arg1: i32) -> (i32, i32, i32) {
    %c0_i32 = arith.constant 0 : i32
    %c0_i32_0 = arith.constant 0 : i32
    return %arg0, %arg1, %c0_i32 : i32, i32, i32
  }
  func.func @transform_3(%arg0: i32, %arg1: i32) -> (i32, i32) {
    %c0_i32 = arith.constant 0 : i32
    %c0_i32_0 = arith.constant 0 : i32
    %c0_i32_1 = arith.constant 0 : i32
    return %c0_i32, %c0_i32_0 : i32, i32
  }
  func.func @transform_4(%arg0: i32, %arg1: i32) -> (i32, i32) {
    %c0_i32 = arith.constant 0 : i32
    %c0_i32_0 = arith.constant 0 : i32
    %c0_i32_1 = arith.constant 0 : i32
    return %c0_i32, %c0_i32_0 : i32, i32
  }
  func.func @transform_5(%arg0: i32, %arg1: i32) -> (i32, i32) {
    %c0_i32 = arith.constant 0 : i32
    %c0_i32_0 = arith.constant 0 : i32
    %c0_i32_1 = arith.constant 0 : i32
    return %c0_i32, %c0_i32_0 : i32, i32
  }
  func.func @transform_6(%arg0: i32, %arg1: i32) -> (i32, i32) {
    %c0_i32 = arith.constant 0 : i32
    %c0_i32_0 = arith.constant 0 : i32
    %c0_i32_1 = arith.constant 0 : i32
    return %c0_i32, %c0_i32_0 : i32, i32
  }
  func.func @transform_7(%arg0: i32, %arg1: i32) -> (i32, i32) {
    %c0_i32 = arith.constant 0 : i32
    %c0_i32_0 = arith.constant 0 : i32
    %c0_i32_1 = arith.constant 0 : i32
    return %c0_i32, %c0_i32_0 : i32, i32
  }
  func.func @transform_8(%arg0: i32, %arg1: i32) -> (i32, i32) {
    %c0_i32 = arith.constant 0 : i32
    %c0_i32_0 = arith.constant 0 : i32
    %c0_i32_1 = arith.constant 0 : i32
    return %c0_i32, %c0_i32_0 : i32, i32
  }
  func.func @transform_9(%arg0: i32, %arg1: i32) -> (i32, i32) {
    %c0_i32 = arith.constant 0 : i32
    %c0_i32_0 = arith.constant 0 : i32
    %c0_i32_1 = arith.constant 0 : i32
    return %c0_i32, %c0_i32_0 : i32, i32
  }
  func.func @transform_10(%arg0: i32, %arg1: i32) -> (i32, i32) {
    %c0_i32 = arith.constant 0 : i32
    %c0_i32_0 = arith.constant 0 : i32
    %c0_i32_1 = arith.constant 0 : i32
    return %c0_i32, %c0_i32_0 : i32, i32
  }
  func.func @transform_11(%arg0: i32, %arg1: i32) -> (i32, i32) {
    %c0_i32 = arith.constant 0 : i32
    %c0_i32_0 = arith.constant 0 : i32
    %c0_i32_1 = arith.constant 0 : i32
    return %c0_i32, %c0_i32_0 : i32, i32
  }
  func.func @transform_12(%arg0: i32, %arg1: i32) -> (i32, i32) {
    %c0_i32 = arith.constant 0 : i32
    %c0_i32_0 = arith.constant 0 : i32
    %c0_i32_1 = arith.constant 0 : i32
    return %c0_i32, %c0_i32_0 : i32, i32
  }
  func.func @transform_13(%arg0: i32, %arg1: i32) -> (i32, i32) {
    %c0_i32 = arith.constant 0 : i32
    %c0_i32_0 = arith.constant 0 : i32
    %c0_i32_1 = arith.constant 0 : i32
    return %c0_i32, %c0_i32_0 : i32, i32
  }
  func.func @transform_14(%arg0: i32, %arg1: i32) -> (i32, i32) {
    %c0_i32 = arith.constant 0 : i32
    %c0_i32_0 = arith.constant 0 : i32
    %c0_i32_1 = arith.constant 0 : i32
    return %c0_i32, %c0_i32_0 : i32, i32
  }
  func.func @transform_15(%arg0: i32, %arg1: i32) -> (i32, i32) {
    %c0_i32 = arith.constant 0 : i32
    %c0_i32_0 = arith.constant 0 : i32
    %c0_i32_1 = arith.constant 0 : i32
    return %c0_i32, %c0_i32_0 : i32, i32
  }
  func.func @transform_16(%arg0: i32, %arg1: i32) -> (i32, i32) {
    %c0_i32 = arith.constant 0 : i32
    %c0_i32_0 = arith.constant 0 : i32
    %c0_i32_1 = arith.constant 0 : i32
    return %c0_i32, %c0_i32_0 : i32, i32
  }
  func.func @transform_17(%arg0: i32, %arg1: i32) -> (i32, i32) {
    %c0_i32 = arith.constant 0 : i32
    %c0_i32_0 = arith.constant 0 : i32
    %c0_i32_1 = arith.constant 0 : i32
    return %c0_i32, %c0_i32_0 : i32, i32
  }
  func.func @transform_18(%arg0: i32, %arg1: i32) -> (i32, i32) {
    %c0_i32 = arith.constant 0 : i32
    %c0_i32_0 = arith.constant 0 : i32
    %c0_i32_1 = arith.constant 0 : i32
    return %c0_i32, %c0_i32_0 : i32, i32
  }
  func.func @transform_19(%arg0: i32, %arg1: i32) -> (i32, i32, i32) {
    %c0_i32 = arith.constant 0 : i32
    %c0_i32_0 = arith.constant 0 : i32
    return %arg0, %arg1, %c0_i32 : i32, i32, i32
  }
  func.func @transform_20(%arg0: i32, %arg1: i32) -> (i32, i32, i32) {
    %c0_i32 = arith.constant 0 : i32
    %c0_i32_0 = arith.constant 0 : i32
    return %arg0, %arg1, %c0_i32 : i32, i32, i32
  }
}

</mosaic_0001>

<sc_bundles>
// kernel: kernel.12.cloned.1.call-start
scs
__scs_entry_jumppad:
0x0: {  	(pc) =	sbr.rel $0x88, $3  }
0x1: {  	(tag) =	ssettag $0x0;
	lr =	simm.s32 $0x1  }
0x2: {  	[smem:$0x3F79] =	sst lr;
	_ =	strace $0xD0000000  }
0x3: {  	_ = 	snop  }
0x4: {  	_ = 	snop  }
0x5: {  	_ = 	snop  }
0x6: {  	_ = 	snop  }
0x7: {  	_ = 	snop  }
__scs_overlays_trampoline_lowered:
0x8: {  	[smem:$0x3F88] =	sst s0  }
0x9: {  	[smem:$0x3F89] =	sst s1  }
0xa: {  	[smem:$0x3F8A] =	sst s2  }
0xb: {  	[smem:$0x3F8B] =	sst s3  }
0xc: {  	[smem:$0x3F8C] =	sst s4  }
0xd: {  	[smem:$0x3F8D] =	sst s5  }
0xe: {  	[smem:$0x3F8E] =	sst s6  }
0xf: {  	[smem:$0x3F8F] =	sst s7  }
0x10: {  	[smem:$0x3F90] =	sst s8  }
0x11: {  	[smem:$0x3F91] =	sst s9;
	s0 =	simm.s32 @!p0 $0x0  }
0x12: {  	s1 =	sld [smem:$0x3F77];
	s0 =	simm.s32 @p0 $0x1  }
0x13: {  	[smem:$0x3F92] =	sst s0;
	s0 =	simm.s32 @!p1 $0x0  }
0x14: {  	s2 =	sld [smem:$0x3F76];
	s0 =	simm.s32 @p1 $0x1  }
0x15: {  	[smem:$0x3F93] =	sst s0;
	s0 =	simm.s32 @!p2 $0x0  }
0x16: {  	s3 =	sld [smem:$0x3FDB];
	s0 =	simm.s32 @p2 $0x1  }
0x17: {  	s4 =	simm.s32 $0x1BF5;
	[smem:$0x3F95] =	sst s0  }
0x18: {  	s0 =	sld [smem:$0x3F78];
	_ =	swait.ge [sflag:s4], $0x0  }
0x19: {  	s7 =	sld [smem:$0x3F79]  }
0x1a: {  	s8 =	sadd.s32 $0xFFFFE003, lr  }
0x1b: {  	s9 =	sadd.s32 $0xFFFFFEF7, lr;
	s5 =	simm.s32 $0xFFFFFFFF;
	p2 =	slt.u32 s8, $0xFFFFF086  }
0x1c: {  	p1 =	slt.u32 s9, $0xF7A;
	s5 =	simm.s32 @!p2 $0x0  }
0x1d: {  	s5 =	simm.s32 @p1 $0x1;
	p0 =	seq.s32 s7, s2  }
0x1e: {  	s7 =	smul.u32 @!p0 $0xF7A, s2;
	p2 =	seq.s32 @!p0 s5, $0x0  }
0x1f: {  	s9 =	smul.u32 $0xF7A, s1;
	s8 =	simm.s32 @!p0 $0x1BF5;
	p2 =	por !p2, p0  }
0x20: {  	[sflag:s8] =	ssyncset.s32 @!p0 $0xFFFFF086;
	s6 =	sadd.s32 @!p0 s3, s7;
	s7 =	simm.s32 @!p0 $0x108  }
0x21: {  	s3 =	sadd.s32 s3, s9;
	s6 =	sadd.s32 @!p0 $0x88, s6;
	s7 =	simm.s32 @p2 $0x1082  }
0x22: {  	[simem:s7], [sflag:s8] =	dma.local @!p0 [hbm:s6], $0xF7A  }
0x23: {  	s9 =	sor.u32 $0xD0000000, s2;
	s6 =	simm.s32 $0x108;
	_ =	swait.ge @!p0 [sflag:s8], $0x0  }
0x24: {  	s3 =	sadd.s32 $0x88, s3;
	s6 =	simm.s32 @!p1 $0x1082;
	[sflag:s4] =	ssyncset.s32 $0xFFFFF086  }
0x25: {  	[simem:s6], [sflag:s4] =	dma.local [hbm:s3], $0xF7A  }
0x26: {  	[smem:$0x3F79] =	sst s1;
	(tag) =	ssettag s2;
	_ =	strace s9  }
0x27: {  	s1 =	sld [smem:$0x3F89]  }
0x28: {  	s2 =	sld [smem:$0x3F8A]  }
0x29: {  	s4 =	sld [smem:$0x3F8C]  }
0x2a: {  	p0 =	seq.s32 s5, $0x0;
	s5 =	sld [smem:$0x3F8D]  }
0x2b: {  	s6 =	sld [smem:$0x3F8E]  }
0x2c: {  	s7 =	sld [smem:$0x3F8F]  }
0x2d: {  	s3 =	simm.s32 $0x108;
	s8 =	sld [smem:$0x3F90]  }
0x2e: {  	s3 =	simm.s32 @!p0 $0x1082;
	s9 =	sld [smem:$0x3F91]  }
0x2f: {  	lr =	sadd.s32 s0, s3;
	s0 =	sld [smem:$0x3F88]  }
0x30: {  	s3 =	sld [smem:$0x3F8B]  }
0x31: {  	[smem:$0x3F94] =	sst s10  }
0x32: {  	s10 =	sld [smem:$0x3F92];
	_ =	sdelay $0x3  }
0x33: {  	p0 =	seq.s32 s10, $0x1;
	s10 =	sld [smem:$0x3F94];
	_ =	sdelay $0x3  }
0x34: {  	[smem:$0x3F94] =	sst s10  }
0x35: {  	s10 =	sld [smem:$0x3F93];
	_ =	sdelay $0x3  }
0x36: {  	p1 =	seq.s32 s10, $0x1;
	s10 =	sld [smem:$0x3F94];
	_ =	sdelay $0x3  }
0x37: {  	[smem:$0x3F94] =	sst s10  }
0x38: {  	s10 =	sld [smem:$0x3F95]  }
0x39: {  	_ = 	snop;
	(pc) =	sbr.ind lr, $3  }
0x3a: {  	_ = 	snop  }
0x3b: {  	_ = 	snop  }
0x3c: {  	p2 =	seq.s32 s10, $0x1;
	s10 =	sld [smem:$0x3F94]  }
0x3d: {  	_ =	shalt  }
0x3e: {  	_ =	shalt  }
0x3f: {  	_ =	shalt  }
0x40: {  	_ =	shalt  }
0x41: {  	_ =	shalt  }
0x42: {  	_ =	shalt  }
0x43: {  	_ =	shalt  }
0x44: {  	_ =	shalt  }
0x45: {  	_ =	shalt  }
0x46: {  	_ =	shalt  }
0x47: {  	_ =	shalt  }
0x48: {  	_ =	shalt  }
0x49: {  	_ =	shalt  }
0x4a: {  	_ =	shalt  }
0x4b: {  	_ =	shalt  }
0x4c: {  	_ =	shalt  }
0x4d: {  	_ =	shalt  }
0x4e: {  	_ =	shalt  }
0x4f: {  	_ =	shalt  }
0x50: {  	_ =	shalt  }
0x51: {  	_ =	shalt  }
0x52: {  	_ =	shalt  }
0x53: {  	_ =	shalt  }
0x54: {  	_ =	shalt  }
0x55: {  	_ =	shalt  }
0x56: {  	_ =	shalt  }
0x57: {  	_ =	shalt  }
0x58: {  	_ =	shalt  }
0x59: {  	_ =	shalt  }
0x5a: {  	_ =	shalt  }
0x5b: {  	_ =	shalt  }
0x5c: {  	_ =	shalt  }
0x5d: {  	_ =	shalt  }
0x5e: {  	_ =	shalt  }
0x5f: {  	_ =	shalt  }
0x60: {  	_ =	shalt  }
0x61: {  	_ =	shalt  }
0x62: {  	_ =	shalt  }
0x63: {  	_ =	shalt  }
0x64: {  	_ =	shalt  }
0x65: {  	_ =	shalt  }
0x66: {  	_ =	shalt  }
0x67: {  	_ =	shalt  }
0x68: {  	_ =	shalt  }
0x69: {  	_ =	shalt  }
0x6a: {  	_ =	shalt  }
0x6b: {  	_ =	shalt  }
0x6c: {  	_ =	shalt  }
0x6d: {  	_ =	shalt  }
0x6e: {  	_ =	shalt  }
0x6f: {  	_ =	shalt  }
0x70: {  	_ =	shalt  }
0x71: {  	_ =	shalt  }
0x72: {  	_ =	shalt  }
0x73: {  	_ =	shalt  }
0x74: {  	_ =	shalt  }
0x75: {  	_ =	shalt  }
0x76: {  	_ =	shalt  }
0x77: {  	_ =	shalt  }
0x78: {  	_ =	shalt  }
0x79: {  	_ =	shalt  }
0x7a: {  	_ =	shalt  }
0x7b: {  	_ =	shalt  }
0x7c: {  	_ =	shalt  }
0x7d: {  	_ =	shalt  }
0x7e: {  	_ =	shalt  }
0x7f: {  	_ =	shalt  }
0x80: {  	_ =	shalt  }
0x81: {  	_ =	shalt  }
0x82: {  	_ =	shalt  }
0x83: {  	_ =	shalt  }
0x84: {  	_ =	shalt  }
0x85: {  	_ =	shalt  }
0x86: {  	_ =	shalt  }
0x87: {  	_ =	shalt  }
.Lfunc_end0:
.L_simem_size_0:
called_computation_lowered:
.L_overlay_start_0:
0x88: {  	s2 =	sld [smem:$0x3FD9]  }
0x89: {  	s3 =	sld [smem:$0x3FFE];
	_ =	sdelay $0x1  }
0x8a: {  	s1 =	srdreg.scid  }
0x8b: {  	s0 =	sand.u32 $0x1, s1  }
0x8c: {  	s16 =	sshll.u32 s0, $0xA;
	s2 =	sadd.s32 s3, s2  }
0x8d: {  	s2 =	sadd.s32 s2, s16  }
0x8e: {  	[smem:$0x3FA0] =	sst s2  }
0x8f: {  	_ = 	snop  }
0x90: {  	(tm) =	ssettm $0x1  }
0x91: {  	s17 =	sld [smem:$0x3FFB];
	_ =	sdelay $0x3  }
0x92: {  	_ =	strace s17  }
0x93: {  	s2 =	sld [smem:$0x3FFC];
	_ =	sdelay $0x3  }
0x94: {  	_ =	strace s2  }
0x95: {  	s2 =	sld [smem:$0x3FFD];
	_ =	sdelay $0x3  }
0x96: {  	_ =	strace s2  }
0x97: {  	_ =	strace $0x8FFFFFFF  }
0x98: {  	s18 =	sld [smem:$0x3FDB];
	_ =	sdelay $0x1  }
0x99: {  	s19 =	simm.s32 $_scs_section_size  }
0x9a: {  	s4 =	simm.s32 $_size__tile_overlayer_lowered;
	s5 =	simm.s32 $_tile_overlayer_lowered  }
0x9b: {  	s22 =	simm.s32 $0x1BFF;
	s21 =	sshll.u32 s5, $0x1;
	s2 =	sadd.s32 s19, s18  }
0x9c: {  	s6 =	simm.s32 $0x0;
	s20 =	sshll.u32 s4, $0x1;
	s4 =	sadd.s32 s21, s2  }
0x9d: {  	[timem:s6], [sflag:s22] =	dma.local [hbm:s4], s20  }
0x9e: {  	_ =	swait.ge [sflag:s22], s20  }
0x9f: {  	s3 =	ssub.s32 $0x0, s20;
	[sflag:s22] =	ssyncset.done $0x0  }
0xa0: {  	[sflag:s22] =	ssyncadd.s32 s3;
	_ =	sdelay $0x1  }
0xa1: {  	s23 =	simm.s32 $0x1B8B  }
0xa2: {  	_ =	swait.ge [sflag:s23], $0x1  }
0xa3: {  	[sflag:s23] =	ssyncset.done $0x0  }
0xa4: {  	s25 =	simm.s32 $0x1B8E;
	s24 =	sld [smem:$0x3FFE];
	[sflag:s23] =	ssyncadd.s32 $0xFFFFFFFF  }
0xa5: {  	s26 =	simm.s32 $execute0_lowered;
	[smem:$0x3FD2] =	sst s25  }
0xa6: {  	s4 =	sshll.u32 s26, $0x1;
	_ =	strace $0x80000046;
	[dreg:$0x1] =	wrdreg $0xFFFFFFFF  }
0xa7: {  	s28 =	simm.s32 $_size_execute0_lowered;
	s2 =	sadd.s32 s2, s4;
	[dreg:$0x0] =	wrdreg $0x0  }
0xa8: {  	s4 =	sshll.u32 s28, $0x1;
	[dreg:$0x2] =	wrdreg s2  }
0xa9: {  	[dreg:$0x3] =	wrdreg s4  }
0xaa: {  	[dreg:$0x4] =	wrdreg $0xC0  }
0xab: {  	_ =	task [dreg:s6], $0x5FFFF  }
0xac: {  	[dreg:$0x1] =	wrdreg $0xFFFFFFFF  }
0xad: {  	[dreg:$0x0] =	wrdreg $0x60  }
0xae: {  	[dreg:$0x2] =	wrdreg s24  }
0xaf: {  	[dreg:$0x3] =	wrdreg $0x9  }
0xb0: {  	_ =	task.clear_ibuf [dreg:s6], $0x4FFFF;
	_ =	strace $0x90000046  }
0xb1: {  	s29 =	simm.s32 $0x9;
	_ =	strace $0x80000048  }
0xb2: {  	_ =	swait.ge [sflag:s29], $0x1  }
0xb3: {  	[sflag:s29] =	ssyncadd.s32 $0xFFFFFFFF  }
0xb4: {  	_ =	strace $0x90000048  }
0xb5: {  	_ =	sfence  }
0xb6: {  	s30 =	sld [smem:$0x0];
	_ =	sdelay $0x2  }
0xb7: {  	s31 =	sshll.u32 s1, $0xD;
	s1 =	sshrl.u32 s1, $0x2  }
0xb8: {  	s3 =	sand.u32 $0x4000, s31;
	s1 =	sadd.s32 s1, s30  }
0xb9: {  	s0 =	sor.u32 s3, s0;
	s1 =	sshll.u32 s1, $0x11  }
0xba: {  	s0 =	sor.u32 s1, s0  }
0xbb: {  	s0 =	sadd.s32 $0x8F2B, s0  }
0xbc: {  	[sflag:s0] =	ssyncadd.remote.s32 $0x1  }
0xbd: {  	_ =	sfence.sel $0xFFFF  }
0xbe: {  	[dreg:$0x0] =	wrdreg $0xFFFFFFFF;
	(pc) =	sbr.abs _section_cstart, $3  }
0xbf: {  	[dreg:$0x1] =	wrdreg $0xFFFFFFFF  }
0xc0: {  	_ =	task.clear_ibuf [dreg:s6], $0x2FFFF;
	_ =	strace $0x9FFFFFFF  }
0xc1: {  	(tm) =	ssettm $0x7FFFFFFF  }
tec
execute0_lowered:
.L_overlay_start_1:
0x0: {  	(tag) =	ssettag $0x1  }
0x1: {  	s4 =	rddreg [dreg:$0x0]  }
0x2: {  	s0 =	rddreg [dreg:$0x1];
	s2 =	simm.s32 $0x0;
	s1 =	stileid.u32  }
0x3: {  	s3 =	srdreg.scid;
	s11 =	simm.s32 $0xC80;
	s12 =	simm.s32 $0x1480  }
0x4: {  	s13 =	simm.s32 $0x1880;
	s14 =	simm.s32 $0x2080;
	s15 =	simm.s32 $0x2480  }
0x5: {  	s16 =	simm.s32 $0x2C80;
	s17 =	simm.s32 $0x3080;
	s18 =	simm.s32 $0x3880  }
0x6: {  	s19 =	simm.s32 $0x3C80;
	s20 =	simm.s32 $0x4480;
	s21 =	simm.s32 $0x4880  }
0x7: {  	s22 =	simm.s32 $0x5080;
	s23 =	simm.s32 $0x5480;
	s24 =	simm.s32 $0x5C80  }
0x8: {  	s25 =	simm.s32 $0x1;
	s26 =	simm.s32 $0x0;
	[smem:$0x7FF] =	sst s2  }
0x9: {  	s5 =	sshll.u32 s1, $0x9;
	s6 =	smul.u32 $0x30000, s1;
	s7 =	sand.u32 $0x1, s3  }
0xa: {  	s3 =	sadd.s32 $0xD600, s4;
	_ =	strace $0x80000047;
	s8 =	sadd.s32 s5, s4  }
0xb: {  	s31 =	ssub.s32 $0x2, s7;
	s10 =	smul.u32 $0x18000, s7;
	s7 =	sshll.u32 s7, $0x8  }
0xc: {  	s6 =	sadd.s32 s6, s4;
	s9 =	sshrl.u32 s31, $0x1;
	s4 =	sadd.s32 $0xD700, s4  }
0xd: {  	v2 =	vlaneseq.u32;
	s7 =	sadd.s32 s7, s8;
	s8 =	simm.s32 $0x2;
	s5 =	ssub.s32 s31, s9  }
0xe: {  	vm0 =	vmmov $0xffff;
	vm1 =	vmmov $0xff;
	v1 =	vshrl.u32 v2, $0x3;
	s6 =	sadd.s32 s10, s6;
	s7 =	sadd.s32 $0x7400, s7;
	s9 =	simm.s32 $0x80  }
0xf: {  	v0 =	vand.u32 $0x7, v2;
	v2 =	vor.u32 $0x8, v2;
	v1 =	vmul.u32 $0x8, v1;
	s10 =	simm.s32 $0x880;
	s5 =	smax.u32 s5, $0x1;
	s6 =	sadd.s32 $0x3D600, s6  }
.LBB2_1:
0x10: {  	s28 =	smov.u32 s6;
	s29 =	simm.s32 $0x0  }
.LBB2_2:
0x11: {  	s30 =	sadd.s32 s29, s7  }
0x12: {  	[tilespmem:s2], [sflag:$0x2] =	stream.linear.gather [hbm4b:s30+s2], $0x40, $0x38;
	[tilespmem:$0x6080] =	vst v63  }
0x13: {  	_ =	swait.ge [sflag:s8], $0x40  }
0x14: {  	[sflag:s8] =	ssyncset.done $0x0  }
0x15: {  	[sflag:s8] =	ssyncadd.s32 $0xFFFFFFC0  }
0x16: {  	v3 =	vld [tilespmem:$0x0];
	_ =	sdelay $0x4  }
0x17: {  	v4 =	vshrl.u32 v3, $0x3  }
0x18: {  	v4 =	vmul.u32 $0x18, v4  }
0x19: {  	v3 =	vand.u32 $0x7, v3  }
0x1a: {  	v3 =	vor.u32 v3, v4  }
0x1b: {  	v4 =	vperm.xlane v3, v0;
	_ =	sdelay $0x1  }
0x1c: {  	v4 =	vadd.s32 v1, v4;
	_ =	sdelay $0x1  }
0x1d: {  	v3 =	vperm.xlane v3, v2;
	_ =	sdelay $0x1  }
0x1e: {  	v3 =	vadd.s32 v1, v3  }
0x1f: {  	[tilespmem:s9], [sflag:$0x1] =	stream.indirect_vreg.gather [hbm4b:s3+s2], $0x80, v4, vm0, $0xb8;
	[tilespmem:$0x6080] =	vst v63  }
0x20: {  	_ = 	snop  }
0x21: {  	[tilespmem:s10], [sflag:$0x1] =	stream.indirect_vreg.gather [hbm4b:s4+s2], $0x80, v4, vm1, $0xb8;
	[tilespmem:$0x6080] =	vst v63  }
0x22: {  	_ = 	snop  }
0x23: {  	[tilespmem:s11], [sflag:$0x1] =	stream.indirect_vreg.gather [hbm4b:s3+s2], $0x80, v3, vm0, $0xb8;
	[tilespmem:$0x6080] =	vst v63  }
0x24: {  	_ = 	snop  }
0x25: {  	[tilespmem:s12], [sflag:$0x1] =	stream.indirect_vreg.gather [hbm4b:s4+s2], $0x80, v3, vm1, $0xb8;
	[tilespmem:$0x6080] =	vst v63  }
0x26: {  	v3 =	vld [tilespmem:$0x10];
	_ =	sdelay $0x4  }
0x27: {  	v61 =	vshrl.u32 v3, $0x3  }
0x28: {  	v4 =	vmul.u32 $0x18, v61  }
0x29: {  	v3 =	vand.u32 $0x7, v3  }
0x2a: {  	v3 =	vor.u32 v3, v4  }
0x2b: {  	v4 =	vperm.xlane v3, v0;
	_ =	sdelay $0x1  }
0x2c: {  	v4 =	vadd.s32 v1, v4;
	_ =	sdelay $0x1  }
0x2d: {  	v3 =	vperm.xlane v3, v2;
	_ =	sdelay $0x1  }
0x2e: {  	v3 =	vadd.s32 v1, v3  }
0x2f: {  	[tilespmem:s13], [sflag:$0x1] =	stream.indirect_vreg.gather [hbm4b:s3+s2], $0x80, v4, vm0, $0xb8;
	[tilespmem:$0x6080] =	vst v63  }
0x30: {  	_ = 	snop  }
0x31: {  	[tilespmem:s14], [sflag:$0x1] =	stream.indirect_vreg.gather [hbm4b:s4+s2], $0x80, v4, vm1, $0xb8;
	[tilespmem:$0x6080] =	vst v63  }
0x32: {  	_ = 	snop  }
0x33: {  	[tilespmem:s15], [sflag:$0x1] =	stream.indirect_vreg.gather [hbm4b:s3+s2], $0x80, v3, vm0, $0xb8;
	[tilespmem:$0x6080] =	vst v63  }
0x34: {  	_ = 	snop  }
0x35: {  	[tilespmem:s16], [sflag:$0x1] =	stream.indirect_vreg.gather [hbm4b:s4+s2], $0x80, v3, vm1, $0xb8;
	[tilespmem:$0x6080] =	vst v63  }
0x36: {  	v3 =	vld [tilespmem:$0x20];
	_ =	sdelay $0x4  }
0x37: {  	v62 =	vshrl.u32 v3, $0x3  }
0x38: {  	v4 =	vmul.u32 $0x18, v62  }
0x39: {  	v3 =	vand.u32 $0x7, v3  }
0x3a: {  	v3 =	vor.u32 v3, v4  }
0x3b: {  	v4 =	vperm.xlane v3, v0;
	_ =	sdelay $0x1  }
0x3c: {  	v4 =	vadd.s32 v1, v4;
	_ =	sdelay $0x1  }
0x3d: {  	v3 =	vperm.xlane v3, v2;
	_ =	sdelay $0x1  }
0x3e: {  	v3 =	vadd.s32 v1, v3  }
0x3f: {  	[tilespmem:s17], [sflag:$0x1] =	stream.indirect_vreg.gather [hbm4b:s3+s2], $0x80, v4, vm0, $0xb8;
	[tilespmem:$0x6080] =	vst v63  }
0x40: {  	_ = 	snop  }
0x41: {  	[tilespmem:s18], [sflag:$0x1] =	stream.indirect_vreg.gather [hbm4b:s4+s2], $0x80, v4, vm1, $0xb8;
	[tilespmem:$0x6080] =	vst v63  }
0x42: {  	_ = 	snop  }
0x43: {  	[tilespmem:s19], [sflag:$0x1] =	stream.indirect_vreg.gather [hbm4b:s3+s2], $0x80, v3, vm0, $0xb8;
	[tilespmem:$0x6080] =	vst v63  }
0x44: {  	_ = 	snop  }
0x45: {  	[tilespmem:s20], [sflag:$0x1] =	stream.indirect_vreg.gather [hbm4b:s4+s2], $0x80, v3, vm1, $0xb8;
	[tilespmem:$0x6080] =	vst v63  }
0x46: {  	v3 =	vld [tilespmem:$0x30];
	_ =	sdelay $0x4  }
0x47: {  	v63 =	vshrl.u32 v3, $0x3  }
0x48: {  	v4 =	vmul.u32 $0x18, v63  }
0x49: {  	v3 =	vand.u32 $0x7, v3  }
0x4a: {  	v3 =	vor.u32 v3, v4  }
0x4b: {  	v4 =	vperm.xlane v3, v0;
	_ =	sdelay $0x1  }
0x4c: {  	v4 =	vadd.s32 v1, v4;
	_ =	sdelay $0x1  }
0x4d: {  	v3 =	vperm.xlane v3, v2;
	_ =	sdelay $0x1  }
0x4e: {  	v3 =	vadd.s32 v1, v3  }
0x4f: {  	[tilespmem:s21], [sflag:$0x1] =	stream.indirect_vreg.gather [hbm4b:s3+s2], $0x80, v4, vm0, $0xb8;
	[tilespmem:$0x6080] =	vst v63  }
0x50: {  	_ = 	snop  }
0x51: {  	[tilespmem:s22], [sflag:$0x1] =	stream.indirect_vreg.gather [hbm4b:s4+s2], $0x80, v4, vm1, $0xb8;
	[tilespmem:$0x6080] =	vst v63  }
0x52: {  	_ = 	snop  }
0x53: {  	[tilespmem:s23], [sflag:$0x1] =	stream.indirect_vreg.gather [hbm4b:s3+s2], $0x80, v3, vm0, $0xb8;
	[tilespmem:$0x6080] =	vst v63  }
0x54: {  	_ = 	snop  }
0x55: {  	[tilespmem:s24], [sflag:$0x1] =	stream.indirect_vreg.gather [hbm4b:s4+s2], $0x80, v3, vm1, $0xb8;
	[tilespmem:$0x6080] =	vst v63  }
0x56: {  	_ =	swait.ge [sflag:s25], $0x6000  }
0x57: {  	p0 =	sne.s32 s29, $0xF8;
	[sflag:s25] =	ssyncset.done $0x0  }
.Ltmp0:
0x58: {  	[sflag:s25] =	ssyncadd.s32 $0xFFFFA000;
	(pc) =	sbr.rel @p0 .LBB2_2-.Ltmp0, $4  }
0x59: {  	[hbm4b:s28+s2] =	stream.linear.scatter [tilespmem:s9], [sflag:$0x2], $0x6000, $0x38;
	[tilespmem:$0x6080] =	vst v63  }
0x5a: {  	_ =	swait.ge [sflag:s8], $0x6000  }
0x5b: {  	[sflag:s8] =	ssyncset.done $0x0  }
0x5c: {  	s29 =	sadd.s32 $0x8, s29;
	s28 =	sadd.s32 $0xC00, s28;
	[sflag:s8] =	ssyncadd.s32 $0xFFFFA000  }
0x5d: {  	s26 =	sadd.s32 $0x1, s26  }
0x5e: {  	p0 =	sne.s32 s26, s5  }
.Ltmp1:
0x5f: {  	_ = 	snop;
	(pc) =	sbr.rel @p0 .LBB2_1-.Ltmp1, $1  }
0x60: {  	_ =	sdelay $0x3  }
0x61: {  	_ =	sfence.sel $0x180000  }
0x62: {  	[bflag:$0x0] =	sbarrier.arrive $0xFFFF  }
0x63: {  	p0 =	sne.s32 s1, $0x0;
	_ =	strace $0x90000047  }
0x64: {  	s0 =	sadd.s32 @!p0 $0x100000, s0;
	[bflag:$0x2] =	sbarrier.arrive $0xFFFF  }
0x65: {  	[sflag:s0] =	ssyncadd.tile.s32 @!p0 $0x1;
	_ =	shalt  }
.Lfunc_end2:
_tile_overlayer_lowered:
.L_overlay_start_2:
0x66: {  	(tag) =	ssettag $0x2  }
0x67: {  	s0 =	rddreg [dreg:$0x0];
	s2 =	stileid.u32  }
0x68: {  	s1 =	rddreg [dreg:$0x1];
	p0 =	sne.s32 s2, $0x0  }
0x69: {  	s3 =	rddreg [dreg:$0x2];
	[bflag:$0x3] =	sbarrier.arrive $0xFFFF;
	s2 =	simm.s32 @!p0 $0x1C02  }
0x6a: {  	[timem:s3], [sflag:s2] =	dma.local @!p0 [hbm:s0], s1  }
0x6b: {  	s0 =	simm.s32 @!p0 $0x2  }
0x6c: {  	_ =	swait.ge @!p0 [sflag:s0], s1  }
0x6d: {  	s1 =	ssub.s32 @!p0 $0x0, s1;
	[sflag:s0] =	ssyncset.done @!p0 $0x0  }
0x6e: {  	[sflag:s0] =	ssyncadd.s32 @!p0 s1  }
0x6f: {  	[bflag:$0x3] =	sbarrier.arrive $0xFFFF  }
0x70: {  	_ =	shalt  }

// kernel: kernel.15.cloned.1.call-start
scs
__scs_entry_jumppad:
0x0: {  	(pc) =	sbr.rel $0x88, $3  }
0x1: {  	(tag) =	ssettag $0x0;
	lr =	simm.s32 $0x1  }
0x2: {  	[smem:$0x3F79] =	sst lr;
	_ =	strace $0xD0000000  }
0x3: {  	_ = 	snop  }
0x4: {  	_ = 	snop  }
0x5: {  	_ = 	snop  }
0x6: {  	_ = 	snop  }
0x7: {  	_ = 	snop  }
__scs_overlays_trampoline_lowered:
0x8: {  	[smem:$0x3F88] =	sst s0  }
0x9: {  	[smem:$0x3F89] =	sst s1  }
0xa: {  	[smem:$0x3F8A] =	sst s2  }
0xb: {  	[smem:$0x3F8B] =	sst s3  }
0xc: {  	[smem:$0x3F8C] =	sst s4  }
0xd: {  	[smem:$0x3F8D] =	sst s5  }
0xe: {  	[smem:$0x3F8E] =	sst s6  }
0xf: {  	[smem:$0x3F8F] =	sst s7  }
0x10: {  	[smem:$0x3F90] =	sst s8  }
0x11: {  	[smem:$0x3F91] =	sst s9;
	s0 =	simm.s32 @!p0 $0x0  }
0x12: {  	s1 =	sld [smem:$0x3F77];
	s0 =	simm.s32 @p0 $0x1  }
0x13: {  	[smem:$0x3F92] =	sst s0;
	s0 =	simm.s32 @!p1 $0x0  }
0x14: {  	s2 =	sld [smem:$0x3F76];
	s0 =	simm.s32 @p1 $0x1  }
0x15: {  	[smem:$0x3F93] =	sst s0;
	s0 =	simm.s32 @!p2 $0x0  }
0x16: {  	s3 =	sld [smem:$0x3FDB];
	s0 =	simm.s32 @p2 $0x1  }
0x17: {  	s4 =	simm.s32 $0x1BF5;
	[smem:$0x3F95] =	sst s0  }
0x18: {  	s0 =	sld [smem:$0x3F78];
	_ =	swait.ge [sflag:s4], $0x0  }
0x19: {  	s7 =	sld [smem:$0x3F79]  }
0x1a: {  	s8 =	sadd.s32 $0xFFFFE003, lr  }
0x1b: {  	s9 =	sadd.s32 $0xFFFFFEF7, lr;
	s5 =	simm.s32 $0xFFFFFFFF;
	p2 =	slt.u32 s8, $0xFFFFF086  }
0x1c: {  	p1 =	slt.u32 s9, $0xF7A;
	s5 =	simm.s32 @!p2 $0x0  }
0x1d: {  	s5 =	simm.s32 @p1 $0x1;
	p0 =	seq.s32 s7, s2  }
0x1e: {  	s7 =	smul.u32 @!p0 $0xF7A, s2;
	p2 =	seq.s32 @!p0 s5, $0x0  }
0x1f: {  	s9 =	smul.u32 $0xF7A, s1;
	s8 =	simm.s32 @!p0 $0x1BF5;
	p2 =	por !p2, p0  }
0x20: {  	[sflag:s8] =	ssyncset.s32 @!p0 $0xFFFFF086;
	s6 =	sadd.s32 @!p0 s3, s7;
	s7 =	simm.s32 @!p0 $0x108  }
0x21: {  	s3 =	sadd.s32 s3, s9;
	s6 =	sadd.s32 @!p0 $0x88, s6;
	s7 =	simm.s32 @p2 $0x1082  }
0x22: {  	[simem:s7], [sflag:s8] =	dma.local @!p0 [hbm:s6], $0xF7A  }
0x23: {  	s9 =	sor.u32 $0xD0000000, s2;
	s6 =	simm.s32 $0x108;
	_ =	swait.ge @!p0 [sflag:s8], $0x0  }
0x24: {  	s3 =	sadd.s32 $0x88, s3;
	s6 =	simm.s32 @!p1 $0x1082;
	[sflag:s4] =	ssyncset.s32 $0xFFFFF086  }
0x25: {  	[simem:s6], [sflag:s4] =	dma.local [hbm:s3], $0xF7A  }
0x26: {  	[smem:$0x3F79] =	sst s1;
	(tag) =	ssettag s2;
	_ =	strace s9  }
0x27: {  	s1 =	sld [smem:$0x3F89]  }
0x28: {  	s2 =	sld [smem:$0x3F8A]  }
0x29: {  	s4 =	sld [smem:$0x3F8C]  }
0x2a: {  	p0 =	seq.s32 s5, $0x0;
	s5 =	sld [smem:$0x3F8D]  }
0x2b: {  	s6 =	sld [smem:$0x3F8E]  }
0x2c: {  	s7 =	sld [smem:$0x3F8F]  }
0x2d: {  	s3 =	simm.s32 $0x108;
	s8 =	sld [smem:$0x3F90]  }
0x2e: {  	s3 =	simm.s32 @!p0 $0x1082;
	s9 =	sld [smem:$0x3F91]  }
0x2f: {  	lr =	sadd.s32 s0, s3;
	s0 =	sld [smem:$0x3F88]  }
0x30: {  	s3 =	sld [smem:$0x3F8B]  }
0x31: {  	[smem:$0x3F94] =	sst s10  }
0x32: {  	s10 =	sld [smem:$0x3F92];
	_ =	sdelay $0x3  }
0x33: {  	p0 =	seq.s32 s10, $0x1;
	s10 =	sld [smem:$0x3F94];
	_ =	sdelay $0x3  }
0x34: {  	[smem:$0x3F94] =	sst s10  }
0x35: {  	s10 =	sld [smem:$0x3F93];
	_ =	sdelay $0x3  }
0x36: {  	p1 =	seq.s32 s10, $0x1;
	s10 =	sld [smem:$0x3F94];
	_ =	sdelay $0x3  }
0x37: {  	[smem:$0x3F94] =	sst s10  }
0x38: {  	s10 =	sld [smem:$0x3F95]  }
0x39: {  	_ = 	snop;
	(pc) =	sbr.ind lr, $3  }
0x3a: {  	_ = 	snop  }
0x3b: {  	_ = 	snop  }
0x3c: {  	p2 =	seq.s32 s10, $0x1;
	s10 =	sld [smem:$0x3F94]  }
0x3d: {  	_ =	shalt  }
0x3e: {  	_ =	shalt  }
0x3f: {  	_ =	shalt  }
0x40: {  	_ =	shalt  }
0x41: {  	_ =	shalt  }
0x42: {  	_ =	shalt  }
0x43: {  	_ =	shalt  }
0x44: {  	_ =	shalt  }
0x45: {  	_ =	shalt  }
0x46: {  	_ =	shalt  }
0x47: {  	_ =	shalt  }
0x48: {  	_ =	shalt  }
0x49: {  	_ =	shalt  }
0x4a: {  	_ =	shalt  }
0x4b: {  	_ =	shalt  }
0x4c: {  	_ =	shalt  }
0x4d: {  	_ =	shalt  }
0x4e: {  	_ =	shalt  }
0x4f: {  	_ =	shalt  }
0x50: {  	_ =	shalt  }
0x51: {  	_ =	shalt  }
0x52: {  	_ =	shalt  }
0x53: {  	_ =	shalt  }
0x54: {  	_ =	shalt  }
0x55: {  	_ =	shalt  }
0x56: {  	_ =	shalt  }
0x57: {  	_ =	shalt  }
0x58: {  	_ =	shalt  }
0x59: {  	_ =	shalt  }
0x5a: {  	_ =	shalt  }
0x5b: {  	_ =	shalt  }
0x5c: {  	_ =	shalt  }
0x5d: {  	_ =	shalt  }
0x5e: {  	_ =	shalt  }
0x5f: {  	_ =	shalt  }
0x60: {  	_ =	shalt  }
0x61: {  	_ =	shalt  }
0x62: {  	_ =	shalt  }
0x63: {  	_ =	shalt  }
0x64: {  	_ =	shalt  }
0x65: {  	_ =	shalt  }
0x66: {  	_ =	shalt  }
0x67: {  	_ =	shalt  }
0x68: {  	_ =	shalt  }
0x69: {  	_ =	shalt  }
0x6a: {  	_ =	shalt  }
0x6b: {  	_ =	shalt  }
0x6c: {  	_ =	shalt  }
0x6d: {  	_ =	shalt  }
0x6e: {  	_ =	shalt  }
0x6f: {  	_ =	shalt  }
0x70: {  	_ =	shalt  }
0x71: {  	_ =	shalt  }
0x72: {  	_ =	shalt  }
0x73: {  	_ =	shalt  }
0x74: {  	_ =	shalt  }
0x75: {  	_ =	shalt  }
0x76: {  	_ =	shalt  }
0x77: {  	_ =	shalt  }
0x78: {  	_ =	shalt  }
0x79: {  	_ =	shalt  }
0x7a: {  	_ =	shalt  }
0x7b: {  	_ =	shalt  }
0x7c: {  	_ =	shalt  }
0x7d: {  	_ =	shalt  }
0x7e: {  	_ =	shalt  }
0x7f: {  	_ =	shalt  }
0x80: {  	_ =	shalt  }
0x81: {  	_ =	shalt  }
0x82: {  	_ =	shalt  }
0x83: {  	_ =	shalt  }
0x84: {  	_ =	shalt  }
0x85: {  	_ =	shalt  }
0x86: {  	_ =	shalt  }
0x87: {  	_ =	shalt  }
.Lfunc_end0:
.L_simem_size_0:
called_computation.1_lowered:
.L_overlay_start_0:
0x88: {  	s2 =	sld [smem:$0x3FD9]  }
0x89: {  	s3 =	sld [smem:$0x3FFE];
	_ =	sdelay $0x1  }
0x8a: {  	s1 =	srdreg.scid  }
0x8b: {  	s0 =	sand.u32 $0x1, s1  }
0x8c: {  	s17 =	sshll.u32 s0, $0xA;
	s2 =	sadd.s32 s3, s2  }
0x8d: {  	s2 =	sadd.s32 s2, s17  }
0x8e: {  	[smem:$0x3FA0] =	sst s2  }
0x8f: {  	_ = 	snop  }
0x90: {  	(tm) =	ssettm $0x1  }
0x91: {  	s18 =	sld [smem:$0x3FFB];
	_ =	sdelay $0x3  }
0x92: {  	_ =	strace s18  }
0x93: {  	s2 =	sld [smem:$0x3FFC];
	_ =	sdelay $0x3  }
0x94: {  	_ =	strace s2  }
0x95: {  	s2 =	sld [smem:$0x3FFD];
	_ =	sdelay $0x3  }
0x96: {  	_ =	strace s2  }
0x97: {  	_ =	strace $0x8FFFFFFF  }
0x98: {  	s19 =	sld [smem:$0x3FDB];
	_ =	sdelay $0x1  }
0x99: {  	s20 =	simm.s32 $_scs_section_size  }
0x9a: {  	s4 =	simm.s32 $_size__tile_overlayer_lowered;
	s5 =	simm.s32 $_tile_overlayer_lowered  }
0x9b: {  	s6 =	simm.s32 $0x1BFF;
	s21 =	sshll.u32 s5, $0x1;
	s3 =	sadd.s32 s20, s19  }
0x9c: {  	s22 =	simm.s32 $0x0;
	s4 =	sshll.u32 s4, $0x1;
	s5 =	sadd.s32 s21, s3  }
0x9d: {  	[timem:s22], [sflag:s6] =	dma.local [hbm:s5], s4  }
0x9e: {  	_ =	swait.ge [sflag:s6], s4  }
0x9f: {  	s4 =	ssub.s32 $0x0, s4;
	[sflag:s6] =	ssyncset.done $0x0  }
0xa0: {  	[sflag:s6] =	ssyncadd.s32 s4;
	_ =	sdelay $0x1  }
0xa1: {  	s23 =	simm.s32 $0x1B8B  }
0xa2: {  	_ =	swait.ge [sflag:s23], $0x1  }
0xa3: {  	[sflag:s23] =	ssyncset.done $0x0  }
0xa4: {  	[sflag:s23] =	ssyncadd.s32 $0xFFFFFFFF  }
0xa5: {  	s4 =	sld [smem:$0x0]  }
0xa6: {  	s5 =	sand.u32 $0xFFFFFFFE, s1  }
0xa7: {  	p0 =	sne.s32 s1, s5  }
0xa8: {  	s5 =	sshll.u32 @p0 s5, $0xE  }
0xa9: {  	s5 =	sadd.s32 @p0 $0x11B8D, s5;
	s6 =	sshll.u32 @p0 s4, $0x11  }
0xaa: {  	s5 =	sor.u32 @p0 s6, s5  }
0xab: {  	[sflag:s5] =	ssyncadd.remote.s32 @p0 $0x1;
	_ =	sdelay $0x1  }
0xac: {  	s5 =	simm.s32 @p0 $0x1B8D  }
0xad: {  	_ =	swait.eq @p0 [sflag:s5], $0x1  }
0xae: {  	[sflag:s5] =	ssyncadd.s32 @p0 $0xFFFFFFFF  }
0xaf: {  	s6 =	sshll.u32 @!p0 s1, $0xE  }
0xb0: {  	s6 =	sor.u32 @!p0 $0x4000, s6;
	s5 =	simm.s32 @!p0 $0x1B8D  }
0xb1: {  	s4 =	sshll.u32 @!p0 s4, $0x11;
	s6 =	sadd.s32 @!p0 $0x11B8D, s6;
	_ =	swait.eq @!p0 [sflag:s5], $0x1  }
0xb2: {  	s4 =	sor.u32 @!p0 s4, s6;
	[sflag:s5] =	ssyncadd.s32 @!p0 $0xFFFFFFFF  }
0xb3: {  	s25 =	simm.s32 $0x1B8E;
	s24 =	sld [smem:$0x3FFE];
	[sflag:s4] =	ssyncadd.remote.s32 @!p0 $0x1  }
0xb4: {  	s26 =	simm.s32 $execute0_lowered;
	[smem:$0x3FD2] =	sst s25  }
0xb5: {  	s5 =	sshll.u32 s26, $0x1;
	_ =	strace $0x80000049;
	[dreg:$0x1] =	wrdreg $0xFFFFFFFF  }
0xb6: {  	s28 =	simm.s32 $_size_execute0_lowered;
	s3 =	sadd.s32 s3, s5;
	[dreg:$0x0] =	wrdreg $0x0  }
0xb7: {  	s5 =	sshll.u32 s28, $0x1;
	[dreg:$0x2] =	wrdreg s3  }
0xb8: {  	[dreg:$0x3] =	wrdreg s5  }
0xb9: {  	[dreg:$0x4] =	wrdreg $0xC0  }
0xba: {  	_ =	task [dreg:s22], $0x5FFFF  }
0xbb: {  	[dreg:$0x1] =	wrdreg $0xFFFFFFFF  }
0xbc: {  	[dreg:$0x0] =	wrdreg $0x60  }
0xbd: {  	[dreg:$0x2] =	wrdreg s24  }
0xbe: {  	[dreg:$0x3] =	wrdreg $0xA  }
0xbf: {  	_ =	task.clear_ibuf [dreg:s22], $0x4FFFF;
	_ =	strace $0x90000049  }
0xc0: {  	s29 =	simm.s32 $0xA;
	_ =	strace $0x8000004B  }
0xc1: {  	_ =	swait.ge [sflag:s29], $0x1  }
0xc2: {  	[sflag:s29] =	ssyncadd.s32 $0xFFFFFFFF  }
0xc3: {  	_ =	strace $0x9000004B  }
0xc4: {  	_ =	sfence  }
0xc5: {  	s30 =	sld [smem:$0x0];
	_ =	sdelay $0x2  }
0xc6: {  	s31 =	sshll.u32 s1, $0xD;
	s1 =	sshrl.u32 s1, $0x2  }
0xc7: {  	s4 =	sand.u32 $0x4000, s31;
	s1 =	sadd.s32 s1, s30  }
0xc8: {  	s0 =	sor.u32 s4, s0;
	s1 =	sshll.u32 s1, $0x11  }
0xc9: {  	s0 =	sor.u32 s1, s0  }
0xca: {  	s0 =	sadd.s32 $0x8F2B, s0  }
0xcb: {  	[sflag:s0] =	ssyncadd.remote.s32 $0x1  }
0xcc: {  	_ =	sfence.sel $0xFFFF  }
0xcd: {  	[dreg:$0x0] =	wrdreg $0xFFFFFFFF;
	(pc) =	sbr.abs _section_cstart, $3  }
0xce: {  	[dreg:$0x1] =	wrdreg $0xFFFFFFFF  }
0xcf: {  	_ =	task.clear_ibuf [dreg:s22], $0x2FFFF;
	_ =	strace $0x9FFFFFFF  }
0xd0: {  	(tm) =	ssettm $0x7FFFFFFF  }
0xd1: {  	_ =	shalt  }
tec
execute0_lowered:
.L_overlay_start_1:
0x0: {  	(tag) =	ssettag $0x1  }
0x1: {  	s4 =	rddreg [dreg:$0x0]  }
0x2: {  	s0 =	rddreg [dreg:$0x1];
	s2 =	simm.s32 $0x0;
	s1 =	stileid.u32  }
0x3: {  	s3 =	srdreg.scid;
	s11 =	simm.s32 $0xC80;
	s12 =	simm.s32 $0x1480  }
0x4: {  	s13 =	simm.s32 $0x1880;
	s14 =	simm.s32 $0x2080;
	s15 =	simm.s32 $0x2480  }
0x5: {  	s16 =	simm.s32 $0x2C80;
	s17 =	simm.s32 $0x3080;
	s18 =	simm.s32 $0x3880  }
0x6: {  	s19 =	simm.s32 $0x3C80;
	s20 =	simm.s32 $0x4480;
	s21 =	simm.s32 $0x4880  }
0x7: {  	s22 =	simm.s32 $0x5080;
	s23 =	simm.s32 $0x5480;
	s24 =	simm.s32 $0x5C80  }
0x8: {  	s25 =	simm.s32 $0x1;
	s26 =	simm.s32 $0x0;
	[smem:$0x7FF] =	sst s2  }
0x9: {  	s5 =	sshll.u32 s1, $0x9;
	s6 =	smul.u32 $0x30000, s1;
	s7 =	sand.u32 $0x1, s3  }
0xa: {  	s3 =	sadd.s32 $0x3BF600, s4;
	_ =	strace $0x8000004A;
	s8 =	sadd.s32 s5, s4  }
0xb: {  	s31 =	ssub.s32 $0x2, s7;
	s10 =	smul.u32 $0x18000, s7;
	s7 =	sshll.u32 s7, $0x8  }
0xc: {  	s6 =	sadd.s32 s6, s4;
	s9 =	sshrl.u32 s31, $0x1;
	s4 =	sadd.s32 $0x3BF700, s4  }
0xd: {  	v2 =	vlaneseq.u32;
	s7 =	sadd.s32 s7, s8;
	s8 =	simm.s32 $0x2;
	s5 =	ssub.s32 s31, s9  }
0xe: {  	vm0 =	vmmov $0xffff;
	vm1 =	vmmov $0xff;
	v1 =	vshrl.u32 v2, $0x3;
	s6 =	sadd.s32 s10, s6;
	s7 =	sadd.s32 $0x3BD600, s7;
	s9 =	simm.s32 $0x80  }
0xf: {  	v0 =	vand.u32 $0x7, v2;
	v2 =	vor.u32 $0x8, v2;
	v1 =	vmul.u32 $0x8, v1;
	s10 =	simm.s32 $0x880;
	s5 =	smax.u32 s5, $0x1;
	s6 =	sadd.s32 $0x53F600, s6  }
.LBB2_1:
0x10: {  	s28 =	smov.u32 s6;
	s29 =	simm.s32 $0x0  }
.LBB2_2:
0x11: {  	s30 =	sadd.s32 s29, s7  }
0x12: {  	[tilespmem:s2], [sflag:$0x2] =	stream.linear.gather [hbm4b:s30+s2], $0x40, $0x38;
	[tilespmem:$0x6080] =	vst v63  }
0x13: {  	_ =	swait.ge [sflag:s8], $0x40  }
0x14: {  	[sflag:s8] =	ssyncset.done $0x0  }
0x15: {  	[sflag:s8] =	ssyncadd.s32 $0xFFFFFFC0  }
0x16: {  	v3 =	vld [tilespmem:$0x0];
	_ =	sdelay $0x4  }
0x17: {  	v4 =	vshrl.u32 v3, $0x3  }
0x18: {  	v4 =	vmul.u32 $0x18, v4  }
0x19: {  	v3 =	vand.u32 $0x7, v3  }
0x1a: {  	v3 =	vor.u32 v3, v4  }
0x1b: {  	v4 =	vperm.xlane v3, v0;
	_ =	sdelay $0x1  }
0x1c: {  	v4 =	vadd.s32 v1, v4;
	_ =	sdelay $0x1  }
0x1d: {  	v3 =	vperm.xlane v3, v2;
	_ =	sdelay $0x1  }
0x1e: {  	v3 =	vadd.s32 v1, v3  }
0x1f: {  	[tilespmem:s9], [sflag:$0x1] =	stream.indirect_vreg.gather [hbm4b:s3+s2], $0x80, v4, vm0, $0xb8;
	[tilespmem:$0x6080] =	vst v63  }
0x20: {  	_ = 	snop  }
0x21: {  	[tilespmem:s10], [sflag:$0x1] =	stream.indirect_vreg.gather [hbm4b:s4+s2], $0x80, v4, vm1, $0xb8;
	[tilespmem:$0x6080] =	vst v63  }
0x22: {  	_ = 	snop  }
0x23: {  	[tilespmem:s11], [sflag:$0x1] =	stream.indirect_vreg.gather [hbm4b:s3+s2], $0x80, v3, vm0, $0xb8;
	[tilespmem:$0x6080] =	vst v63  }
0x24: {  	_ = 	snop  }
0x25: {  	[tilespmem:s12], [sflag:$0x1] =	stream.indirect_vreg.gather [hbm4b:s4+s2], $0x80, v3, vm1, $0xb8;
	[tilespmem:$0x6080] =	vst v63  }
0x26: {  	v3 =	vld [tilespmem:$0x10];
	_ =	sdelay $0x4  }
0x27: {  	v61 =	vshrl.u32 v3, $0x3  }
0x28: {  	v4 =	vmul.u32 $0x18, v61  }
0x29: {  	v3 =	vand.u32 $0x7, v3  }
0x2a: {  	v3 =	vor.u32 v3, v4  }
0x2b: {  	v4 =	vperm.xlane v3, v0;
	_ =	sdelay $0x1  }
0x2c: {  	v4 =	vadd.s32 v1, v4;
	_ =	sdelay $0x1  }
0x2d: {  	v3 =	vperm.xlane v3, v2;
	_ =	sdelay $0x1  }
0x2e: {  	v3 =	vadd.s32 v1, v3  }
0x2f: {  	[tilespmem:s13], [sflag:$0x1] =	stream.indirect_vreg.gather [hbm4b:s3+s2], $0x80, v4, vm0, $0xb8;
	[tilespmem:$0x6080] =	vst v63  }
0x30: {  	_ = 	snop  }
0x31: {  	[tilespmem:s14], [sflag:$0x1] =	stream.indirect_vreg.gather [hbm4b:s4+s2], $0x80, v4, vm1, $0xb8;
	[tilespmem:$0x6080] =	vst v63  }
0x32: {  	_ = 	snop  }
0x33: {  	[tilespmem:s15], [sflag:$0x1] =	stream.indirect_vreg.gather [hbm4b:s3+s2], $0x80, v3, vm0, $0xb8;
	[tilespmem:$0x6080] =	vst v63  }
0x34: {  	_ = 	snop  }
0x35: {  	[tilespmem:s16], [sflag:$0x1] =	stream.indirect_vreg.gather [hbm4b:s4+s2], $0x80, v3, vm1, $0xb8;
	[tilespmem:$0x6080] =	vst v63  }
0x36: {  	v3 =	vld [tilespmem:$0x20];
	_ =	sdelay $0x4  }
0x37: {  	v62 =	vshrl.u32 v3, $0x3  }
0x38: {  	v4 =	vmul.u32 $0x18, v62  }
0x39: {  	v3 =	vand.u32 $0x7, v3  }
0x3a: {  	v3 =	vor.u32 v3, v4  }
0x3b: {  	v4 =	vperm.xlane v3, v0;
	_ =	sdelay $0x1  }
0x3c: {  	v4 =	vadd.s32 v1, v4;
	_ =	sdelay $0x1  }
0x3d: {  	v3 =	vperm.xlane v3, v2;
	_ =	sdelay $0x1  }
0x3e: {  	v3 =	vadd.s32 v1, v3  }
0x3f: {  	[tilespmem:s17], [sflag:$0x1] =	stream.indirect_vreg.gather [hbm4b:s3+s2], $0x80, v4, vm0, $0xb8;
	[tilespmem:$0x6080] =	vst v63  }
0x40: {  	_ = 	snop  }
0x41: {  	[tilespmem:s18], [sflag:$0x1] =	stream.indirect_vreg.gather [hbm4b:s4+s2], $0x80, v4, vm1, $0xb8;
	[tilespmem:$0x6080] =	vst v63  }
0x42: {  	_ = 	snop  }
0x43: {  	[tilespmem:s19], [sflag:$0x1] =	stream.indirect_vreg.gather [hbm4b:s3+s2], $0x80, v3, vm0, $0xb8;
	[tilespmem:$0x6080] =	vst v63  }
0x44: {  	_ = 	snop  }
0x45: {  	[tilespmem:s20], [sflag:$0x1] =	stream.indirect_vreg.gather [hbm4b:s4+s2], $0x80, v3, vm1, $0xb8;
	[tilespmem:$0x6080] =	vst v63  }
0x46: {  	v3 =	vld [tilespmem:$0x30];
	_ =	sdelay $0x4  }
0x47: {  	v63 =	vshrl.u32 v3, $0x3  }
0x48: {  	v4 =	vmul.u32 $0x18, v63  }
0x49: {  	v3 =	vand.u32 $0x7, v3  }
0x4a: {  	v3 =	vor.u32 v3, v4  }
0x4b: {  	v4 =	vperm.xlane v3, v0;
	_ =	sdelay $0x1  }
0x4c: {  	v4 =	vadd.s32 v1, v4;
	_ =	sdelay $0x1  }
0x4d: {  	v3 =	vperm.xlane v3, v2;
	_ =	sdelay $0x1  }
0x4e: {  	v3 =	vadd.s32 v1, v3  }
0x4f: {  	[tilespmem:s21], [sflag:$0x1] =	stream.indirect_vreg.gather [hbm4b:s3+s2], $0x80, v4, vm0, $0xb8;
	[tilespmem:$0x6080] =	vst v63  }
0x50: {  	_ = 	snop  }
0x51: {  	[tilespmem:s22], [sflag:$0x1] =	stream.indirect_vreg.gather [hbm4b:s4+s2], $0x80, v4, vm1, $0xb8;
	[tilespmem:$0x6080] =	vst v63  }
0x52: {  	_ = 	snop  }
0x53: {  	[tilespmem:s23], [sflag:$0x1] =	stream.indirect_vreg.gather [hbm4b:s3+s2], $0x80, v3, vm0, $0xb8;
	[tilespmem:$0x6080] =	vst v63  }
0x54: {  	_ = 	snop  }
0x55: {  	[tilespmem:s24], [sflag:$0x1] =	stream.indirect_vreg.gather [hbm4b:s4+s2], $0x80, v3, vm1, $0xb8;
	[tilespmem:$0x6080] =	vst v63  }
0x56: {  	_ =	swait.ge [sflag:s25], $0x6000  }
0x57: {  	p0 =	sne.s32 s29, $0xF8;
	[sflag:s25] =	ssyncset.done $0x0  }
.Ltmp0:
0x58: {  	[sflag:s25] =	ssyncadd.s32 $0xFFFFA000;
	(pc) =	sbr.rel @p0 .LBB2_2-.Ltmp0, $4  }
0x59: {  	[hbm4b:s28+s2] =	stream.linear.scatter [tilespmem:s9], [sflag:$0x2], $0x6000, $0x38;
	[tilespmem:$0x6080] =	vst v63  }
0x5a: {  	_ =	swait.ge [sflag:s8], $0x6000  }
0x5b: {  	[sflag:s8] =	ssyncset.done $0x0  }
0x5c: {  	s29 =	sadd.s32 $0x8, s29;
	s28 =	sadd.s32 $0xC00, s28;
	[sflag:s8] =	ssyncadd.s32 $0xFFFFA000  }
0x5d: {  	s26 =	sadd.s32 $0x1, s26  }
0x5e: {  	p0 =	sne.s32 s26, s5  }
.Ltmp1:
0x5f: {  	_ = 	snop;
	(pc) =	sbr.rel @p0 .LBB2_1-.Ltmp1, $1  }
0x60: {  	_ =	sdelay $0x3  }
0x61: {  	_ =	sfence.sel $0x180000  }
0x62: {  	[bflag:$0x0] =	sbarrier.arrive $0xFFFF  }
0x63: {  	p0 =	sne.s32 s1, $0x0;
	_ =	strace $0x9000004A  }
0x64: {  	s0 =	sadd.s32 @!p0 $0x100000, s0;
	[bflag:$0x2] =	sbarrier.arrive $0xFFFF  }
0x65: {  	[sflag:s0] =	ssyncadd.tile.s32 @!p0 $0x1;
	_ =	shalt  }
.Lfunc_end2:
_tile_overlayer_lowered:
.L_overlay_start_2:
0x66: {  	(tag) =	ssettag $0x2  }
0x67: {  	s0 =	rddreg [dreg:$0x0];
	s2 =	stileid.u32  }
0x68: {  	s1 =	rddreg [dreg:$0x1];
	p0 =	sne.s32 s2, $0x0  }
0x69: {  	s3 =	rddreg [dreg:$0x2];
	[bflag:$0x3] =	sbarrier.arrive $0xFFFF;
	s2 =	simm.s32 @!p0 $0x1C02  }
0x6a: {  	[timem:s3], [sflag:s2] =	dma.local @!p0 [hbm:s0], s1  }
0x6b: {  	s0 =	simm.s32 @!p0 $0x2  }
0x6c: {  	_ =	swait.ge @!p0 [sflag:s0], s1  }
0x6d: {  	s1 =	ssub.s32 @!p0 $0x0, s1;
	[sflag:s0] =	ssyncset.done @!p0 $0x0  }
0x6e: {  	[sflag:s0] =	ssyncadd.s32 @!p0 s1  }
0x6f: {  	[bflag:$0x3] =	sbarrier.arrive $0xFFFF  }
0x70: {  	_ =	shalt  }

</sc_bundles>
